<compile_context>
chip_gen: v7x
topology: tpu7x:2x2x1
jax: 0.10.2.dev20260603
libtpu: 0.0.44.dev20260713+nightly
codegen_flags: <defaults>
</compile_context>

<pallas_src>
import functools

import jax
import jax.numpy as jnp
from jax import lax
from jax.experimental import pallas as pl
from jax.experimental.pallas import tpu as pltpu
from jax.experimental.pallas import tpu_sc as plsc

NC = 2
NS = 16
NW = NC * NS
LANES = 16
C = 128
RING = 3


def _mm_tc(x, w, block_rows=1000):
    n, kdim = x.shape
    m = w.shape[1]

    def body(x_ref, w_ref, o_ref):
        o_ref[...] = jnp.dot(x_ref[...], w_ref[...],
                             preferred_element_type=jnp.float32)

    return pl.pallas_call(
        body,
        grid=(n // block_rows,),
        in_specs=[pl.BlockSpec((block_rows, kdim), lambda i: (i, 0)),
                  pl.BlockSpec((kdim, m), lambda i: (0, 0))],
        out_specs=pl.BlockSpec((block_rows, m), lambda i: (i, 0)),
        out_shape=jax.ShapeDtypeStruct((n, m), jnp.float32),
    )(x, w)


def _bias_relu_mm_tc(parts, b, w, block_rows=1000):
    _, n, kdim = parts.shape
    m = w.shape[1]

    def body(p_ref, b_ref, w_ref, o_ref):
        h = jnp.maximum(p_ref[0] + p_ref[1] + b_ref[...], 0.0)
        o_ref[...] = jnp.dot(h, w_ref[...], preferred_element_type=jnp.float32)

    return pl.pallas_call(
        body,
        grid=(n // block_rows,),
        in_specs=[pl.BlockSpec((2, block_rows, kdim), lambda i: (0, i, 0)),
                  pl.BlockSpec((1, kdim), lambda i: (0, 0)),
                  pl.BlockSpec((kdim, m), lambda i: (0, 0))],
        out_specs=pl.BlockSpec((block_rows, m), lambda i: (i, 0)),
        out_shape=jax.ShapeDtypeStruct((n, m), jnp.float32),
    )(parts, b.reshape(1, kdim), w)


def _bias_relu_tc(parts, b, block_rows=1000):
    _, n, m = parts.shape

    def body(p_ref, b_ref, o_ref):
        o_ref[...] = jnp.maximum(p_ref[0] + p_ref[1] + b_ref[...], 0.0)

    return pl.pallas_call(
        body,
        grid=(n // block_rows,),
        in_specs=[pl.BlockSpec((2, block_rows, m), lambda i: (0, i, 0)),
                  pl.BlockSpec((1, m), lambda i: (0, 0))],
        out_specs=pl.BlockSpec((block_rows, m), lambda i: (i, 0)),
        out_shape=jax.ShapeDtypeStruct((n, m), jnp.float32),
    )(parts, b.reshape(1, m))


def _sc_spmm(pk, dst, support, n_out):
    nchunks, _, c = pk.shape
    assert c == C
    f = support.shape[1]
    ncw = nchunks // NW
    nkk = ncw // RING
    fb_n = f // LANES
    zrows = 80
    full = ((n_out + NS - 1) // NS + zrows - 1) // zrows * zrows
    last = n_out - (NS - 1) * full
    assert 0 < last <= full and last % zrows == 0

    mesh = plsc.VectorSubcoreMesh(core_axis_name="c", subcore_axis_name="s",
                                  num_cores=NC, num_subcores=NS)
    params = (None if f % 128 == 0
              else pltpu.CompilerParams(use_tc_tiling_on_sc=False))

    @functools.partial(
        pl.kernel,
        out_type=jax.ShapeDtypeStruct((NC, n_out, f), jnp.float32),
        mesh=mesh,
        compiler_params=params,
        scratch_types=(
            [pltpu.VMEM((C, f), jnp.float32) for _ in range(RING)]
            + [pltpu.VMEM((2, C), jnp.int32) for _ in range(RING)]
            + [pltpu.VMEM((C,), jnp.int32) for _ in range(RING)]
            + [pltpu.VMEM_SHARED((n_out, f), jnp.float32)]
            + [pltpu.SemaphoreType.DMA] * (4 * RING)
        ),
    )
    def spmm(pk_hbm, dst_hbm, sup_hbm, out_hbm, *refs):
        rows = refs[0:RING]
        pkb = refs[RING:2 * RING]
        dsts = refs[2 * RING:3 * RING]
        acc = refs[3 * RING]
        gsem = refs[3 * RING + 1:3 * RING + 1 + RING]
        ssem = refs[3 * RING + 1 + RING:3 * RING + 1 + 2 * RING]
        dsem = refs[3 * RING + 1 + 2 * RING:3 * RING + 1 + 3 * RING]
        psem = refs[3 * RING + 1 + 3 * RING:3 * RING + 1 + 4 * RING]

        cid = lax.axis_index("c")
        sid = lax.axis_index("s")
        wid = cid * NS + sid
        cb = wid * ncw
        eb = cb * C

        def zrow(i, carry):
            for fb in range(fb_n):
                rows[0][i, pl.ds(fb * LANES, LANES)] = jnp.zeros(
                    (LANES,), jnp.float32)
            return carry
        lax.fori_loop(0, zrows, zrow, 0)
        for j in range(full // zrows):
            @pl.when(jnp.logical_or(sid < NS - 1, j < last // zrows))
            def _():
                pltpu.sync_copy(
                    rows[0].at[pl.ds(0, zrows)],
                    acc.at[pl.ds(sid * full + j * zrows, zrows)])
        plsc.subcore_barrier()

        for b in range(2):
            pltpu.sync_copy(pk_hbm.at[cb + b], pkb[b])
            pltpu.async_copy(sup_hbm.at[pkb[b].at[1]], rows[b], gsem[b])

        def chunk_step(kk, carry):
            for b in range(RING):
                k = kk * RING + b
                t2 = (b + 2) % RING
                more = k + 2 < ncw

                pltpu.make_async_copy(sup_hbm.at[pkb[b].at[1]], rows[b],
                                      gsem[b]).wait()

                @pl.when(more)
                def _():
                    pltpu.async_copy(pk_hbm.at[cb + k + 2], pkb[t2],
                                     psem[t2])
                pltpu.async_copy(dst_hbm.at[pl.ds(eb + k * C, C)],
                                 dsts[b], dsem[b])

                @plsc.parallel_loop(0, C, step=1, unroll=4)
                def edge(e):
                    wv = pkb[b][0, pl.ds(e, LANES)]
                    we = lax.bitcast_convert_type(wv[0], jnp.float32)
                    for fb in range(fb_n):
                        sl = pl.ds(fb * LANES, LANES)
                        rows[b][e, sl] = rows[b][e, sl] * we

                @pl.when(jnp.logical_and(k >= 1, more))
                def _():
                    pltpu.make_async_copy(rows[t2], acc.at[dsts[t2]],
                                          ssem[t2]).wait()

                @pl.when(more)
                def _():
                    pltpu.make_async_copy(pk_hbm.at[cb + k + 2], pkb[t2],
                                          psem[t2]).wait()
                    pltpu.async_copy(sup_hbm.at[pkb[t2].at[1]], rows[t2],
                                     gsem[t2])

                pltpu.make_async_copy(dst_hbm.at[pl.ds(eb + k * C, C)],
                                      dsts[b], dsem[b]).wait()
                pltpu.async_copy(rows[b], acc.at[dsts[b]], ssem[b],
                                 add=True)
            return carry
        lax.fori_loop(0, nkk, chunk_step, 0)

        for s in range(RING):
            pltpu.make_async_copy(rows[s], acc.at[dsts[s]], ssem[s]).wait()
        plsc.subcore_barrier()
        r0 = sid * full

        @pl.when(sid < NS - 1)
        def _():
            pltpu.sync_copy(acc.at[pl.ds(r0, full)],
                            out_hbm.at[cid, pl.ds(r0, full)])

        @pl.when(sid == NS - 1)
        def _():
            pltpu.sync_copy(acc.at[pl.ds(r0, last)],
                            out_hbm.at[cid, pl.ds(r0, last)])

    return spmm(pk, dst, support)


def kernel(x, edge_index, edge_weight, W1, b1, W2, b2):
    n, _ = x.shape
    e = edge_weight.shape[0]

    ncw = -(-e // (NW * C))
    ncw = ((ncw + RING - 1) // RING) * RING
    e_pad = NW * C * ncw
    pad = e_pad - e
    spread = jnp.arange(pad, dtype=jnp.int32) % jnp.int32(n)
    src = jnp.concatenate([edge_index[0], spread])
    dst = jnp.concatenate([edge_index[1], spread])
    ew = jnp.concatenate([edge_weight, jnp.zeros((pad,), jnp.float32)])
    wbits = lax.bitcast_convert_type(ew, jnp.int32)
    pk = jnp.stack([wbits.reshape(-1, C), src.reshape(-1, C)], axis=1)

    support = _mm_tc(x, W1)
    p1 = _sc_spmm(pk, dst, support, n)
    s2 = _bias_relu_mm_tc(p1, b1, W2)
    p2 = _sc_spmm(pk, dst, s2, n)
    return _bias_relu_tc(p2, b2)

# --- scband reference (transcript-rebuilt; emitter-appended) ---
"""Pipeline reference for scband-gcn-58789512348186 (READ-ONLY COPY).

The authoritative reference and input builder live on the scoring server;
editing this copy changes nothing except your own understanding.
"""

import jax, jax.numpy as jnp
import numpy as np

N = 10000
E = 320000
F_IN = 128
H1 = 128
H2 = 64


def setup_inputs(seed: int = 0) -> dict:
    key = jax.random.key(seed)
    ks = jax.random.split(key, 8)
    x = jax.random.normal(ks[0], (N, F_IN), dtype=jnp.float32)
    edge_index = jax.random.randint(ks[1], (2, E), 0, N, dtype=jnp.int32)
    edge_weight = jax.random.uniform(ks[2], (E,), dtype=jnp.float32)
    # GraphConvolution weights (uniform init like torch reference)
    s1 = 1.0 / np.sqrt(H1)
    W1 = jax.random.uniform(ks[3], (F_IN, H1), dtype=jnp.float32, minval=-s1, maxval=s1)
    b1 = jax.random.uniform(ks[4], (H1,), dtype=jnp.float32, minval=-s1, maxval=s1)
    s2 = 1.0 / np.sqrt(H2)
    W2 = jax.random.uniform(ks[5], (H1, H2), dtype=jnp.float32, minval=-s2, maxval=s2)
    b2 = jax.random.uniform(ks[6], (H2,), dtype=jnp.float32, minval=-s2, maxval=s2)
    return {"x": x, "edge_index": edge_index, "edge_weight": edge_weight,
            "W1": W1, "b1": b1, "W2": W2, "b2": b2}


def _spmm(edge_index, edge_weight, h):
    # sparse adj (COO) times dense h: out[dst] += w * h[src]
    src = edge_index[0]
    dst = edge_index[1]
    msgs = h[src] * edge_weight[:, None]
    return jax.ops.segment_sum(msgs, dst, num_segments=N)


def reference(x, edge_index, edge_weight, W1, b1, W2, b2):
    # gc1: SparseGraphConvolution -> relu
    support = x @ W1
    h = _spmm(edge_index, edge_weight, support) + b1
    h = jax.nn.relu(h)
    # dropout is identity in eval mode
    # gc2: GraphConvolution -> relu
    support2 = h @ W2
    out = _spmm(edge_index, edge_weight, support2) + b2
    return jax.nn.relu(out)

if __name__ == "__main__":
    import jax
    _d = setup_inputs()
    print(jax.jit(kernel)(*tuple(_d.values())))

</pallas_src>

<mosaic_0001>
#map = affine_map<(d0, d1) -> (0, 0, 0)>
#map1 = affine_map<(d0, d1) -> (0)>
#map2 = affine_map<(d0, d1) -> (0, 0)>
module attributes {stable_mosaic.version = 14 : i64} {
  func.func @spmm(%arg0: i32, %arg1: i32, %arg2: memref<2592x2x128xi32, #tpu.memory_space<hbm>>, %arg3: memref<331776xi32, #tpu.memory_space<hbm>>, %arg4: memref<10000x128xf32, #tpu.memory_space<hbm>>, %arg5: memref<2x10000x128xf32, #tpu.memory_space<hbm>>, %arg6: memref<128x128xf32, #tpu.memory_space<vmem>>, %arg7: memref<128x128xf32, #tpu.memory_space<vmem>>, %arg8: memref<128x128xf32, #tpu.memory_space<vmem>>, %arg9: memref<2x128xi32, #tpu.memory_space<vmem>>, %arg10: memref<2x128xi32, #tpu.memory_space<vmem>>, %arg11: memref<2x128xi32, #tpu.memory_space<vmem>>, %arg12: memref<128xi32, #tpu.memory_space<vmem>>, %arg13: memref<128xi32, #tpu.memory_space<vmem>>, %arg14: memref<128xi32, #tpu.memory_space<vmem>>, %arg15: memref<10000x128xf32, #tpu.memory_space<vmem_shared>>, %arg16: memref<!tpu.dma_semaphore, #tpu.memory_space<semaphore_mem>>, %arg17: memref<!tpu.dma_semaphore, #tpu.memory_space<semaphore_mem>>, %arg18: memref<!tpu.dma_semaphore, #tpu.memory_space<semaphore_mem>>, %arg19: memref<!tpu.dma_semaphore, #tpu.memory_space<semaphore_mem>>, %arg20: memref<!tpu.dma_semaphore, #tpu.memory_space<semaphore_mem>>, %arg21: memref<!tpu.dma_semaphore, #tpu.memory_space<semaphore_mem>>, %arg22: memref<!tpu.dma_semaphore, #tpu.memory_space<semaphore_mem>>, %arg23: memref<!tpu.dma_semaphore, #tpu.memory_space<semaphore_mem>>, %arg24: memref<!tpu.dma_semaphore, #tpu.memory_space<semaphore_mem>>, %arg25: memref<!tpu.dma_semaphore, #tpu.memory_space<semaphore_mem>>, %arg26: memref<!tpu.dma_semaphore, #tpu.memory_space<semaphore_mem>>, %arg27: memref<!tpu.dma_semaphore, #tpu.memory_space<semaphore_mem>>) attributes {dimension_semantics = [#tpu.dimension_semantics<core_parallel>, #tpu.dimension_semantics<subcore_parallel>], iteration_bounds = array<i64: 2, 16>, scalar_prefetch = 0 : i64, scratch_operands = 22 : i64, tpu.core_type = #tpu.core_type<sc_vector_subcore>, window_params = [{transform_indices = #map}, {transform_indices = #map1}, {transform_indices = #map2}, {transform_indices = #map}]} {
    %mul3A = arith.constant 16 : i32
    %mul3A_0 = arith.muli %arg0, %mul3A : i32
    %add3A = arith.addi %mul3A_0, %arg1 : i32
    %mul3A_1 = arith.constant 81 : i32
    %mul3A_2 = arith.muli %add3A, %mul3A_1 : i32
    %mul3A_3 = arith.constant 128 : i32
    %mul3A_4 = arith.muli %mul3A_2, %mul3A_3 : i32
    %scan3A = arith.constant 0 : i32
    %scan3A_5 = arith.constant 0 : i32
    %scan3A_6 = arith.constant 80 : i32
    %scan3A_7 = arith.addi %scan3A_5, %scan3A_6 : i32
    %scan3A_8 = arith.constant 1 : i32
    scf.for %scan3A_105 = %scan3A_5 to %scan3A_7 step %scan3A_8  : i32 {
      %broadcast_in_dim3A = arith.constant 0.000000e+00 : f32
      %broadcast_in_dim3A_106 = vector.broadcast %broadcast_in_dim3A : f32 to vector<16xf32>
      %swap3A = arith.index_cast %scan3A_105 : i32 to index
      %swap3A_107 = arith.constant 0 : index
      %swap3A_108 = tpu.vector_load %arg6[%swap3A, %swap3A_107] {strides = array<i32>} : memref<128x128xf32, #tpu.memory_space<vmem>>, vector<1x16xf32>,
      %swap3A_109 = vector.shape_cast %swap3A_108 : vector<1x16xf32> to vector<16xf32>
      %swap3A_110 = vector.shape_cast %broadcast_in_dim3A_106 : vector<16xf32> to vector<1x16xf32>
      tpu.vector_store %arg6[%swap3A, %swap3A_107], %swap3A_110 {strides = array<i32>} : memref<128x128xf32, #tpu.memory_space<vmem>>, vector<1x16xf32>,
      %broadcast_in_dim3A_111 = arith.constant 0.000000e+00 : f32
      %broadcast_in_dim3A_112 = vector.broadcast %broadcast_in_dim3A_111 : f32 to vector<16xf32>
      %swap3A_113 = arith.index_cast %scan3A_105 : i32 to index
      %swap3A_114 = arith.constant 16 : index
      %swap3A_115 = tpu.vector_load %arg6[%swap3A_113, %swap3A_114] {strides = array<i32>} : memref<128x128xf32, #tpu.memory_space<vmem>>, vector<1x16xf32>,
      %swap3A_116 = vector.shape_cast %swap3A_115 : vector<1x16xf32> to vector<16xf32>
      %swap3A_117 = vector.shape_cast %broadcast_in_dim3A_112 : vector<16xf32> to vector<1x16xf32>
      tpu.vector_store %arg6[%swap3A_113, %swap3A_114], %swap3A_117 {strides = array<i32>} : memref<128x128xf32, #tpu.memory_space<vmem>>, vector<1x16xf32>,
      %broadcast_in_dim3A_118 = arith.constant 0.000000e+00 : f32
      %broadcast_in_dim3A_119 = vector.broadcast %broadcast_in_dim3A_118 : f32 to vector<16xf32>
      %swap3A_120 = arith.index_cast %scan3A_105 : i32 to index
      %swap3A_121 = arith.constant 32 : index
      %swap3A_122 = tpu.vector_load %arg6[%swap3A_120, %swap3A_121] {strides = array<i32>} : memref<128x128xf32, #tpu.memory_space<vmem>>, vector<1x16xf32>,
      %swap3A_123 = vector.shape_cast %swap3A_122 : vector<1x16xf32> to vector<16xf32>
      %swap3A_124 = vector.shape_cast %broadcast_in_dim3A_119 : vector<16xf32> to vector<1x16xf32>
      tpu.vector_store %arg6[%swap3A_120, %swap3A_121], %swap3A_124 {strides = array<i32>} : memref<128x128xf32, #tpu.memory_space<vmem>>, vector<1x16xf32>,
      %broadcast_in_dim3A_125 = arith.constant 0.000000e+00 : f32
      %broadcast_in_dim3A_126 = vector.broadcast %broadcast_in_dim3A_125 : f32 to vector<16xf32>
      %swap3A_127 = arith.index_cast %scan3A_105 : i32 to index
      %swap3A_128 = arith.constant 48 : index
      %swap3A_129 = tpu.vector_load %arg6[%swap3A_127, %swap3A_128] {strides = array<i32>} : memref<128x128xf32, #tpu.memory_space<vmem>>, vector<1x16xf32>,
      %swap3A_130 = vector.shape_cast %swap3A_129 : vector<1x16xf32> to vector<16xf32>
      %swap3A_131 = vector.shape_cast %broadcast_in_dim3A_126 : vector<16xf32> to vector<1x16xf32>
      tpu.vector_store %arg6[%swap3A_127, %swap3A_128], %swap3A_131 {strides = array<i32>} : memref<128x128xf32, #tpu.memory_space<vmem>>, vector<1x16xf32>,
      %broadcast_in_dim3A_132 = arith.constant 0.000000e+00 : f32
      %broadcast_in_dim3A_133 = vector.broadcast %broadcast_in_dim3A_132 : f32 to vector<16xf32>
      %swap3A_134 = arith.index_cast %scan3A_105 : i32 to index
      %swap3A_135 = arith.constant 64 : index
      %swap3A_136 = tpu.vector_load %arg6[%swap3A_134, %swap3A_135] {strides = array<i32>} : memref<128x128xf32, #tpu.memory_space<vmem>>, vector<1x16xf32>,
      %swap3A_137 = vector.shape_cast %swap3A_136 : vector<1x16xf32> to vector<16xf32>
      %swap3A_138 = vector.shape_cast %broadcast_in_dim3A_133 : vector<16xf32> to vector<1x16xf32>
      tpu.vector_store %arg6[%swap3A_134, %swap3A_135], %swap3A_138 {strides = array<i32>} : memref<128x128xf32, #tpu.memory_space<vmem>>, vector<1x16xf32>,
      %broadcast_in_dim3A_139 = arith.constant 0.000000e+00 : f32
      %broadcast_in_dim3A_140 = vector.broadcast %broadcast_in_dim3A_139 : f32 to vector<16xf32>
      %swap3A_141 = arith.index_cast %scan3A_105 : i32 to index
      %swap3A_142 = arith.constant 80 : index
      %swap3A_143 = tpu.vector_load %arg6[%swap3A_141, %swap3A_142] {strides = array<i32>} : memref<128x128xf32, #tpu.memory_space<vmem>>, vector<1x16xf32>,
      %swap3A_144 = vector.shape_cast %swap3A_143 : vector<1x16xf32> to vector<16xf32>
      %swap3A_145 = vector.shape_cast %broadcast_in_dim3A_140 : vector<16xf32> to vector<1x16xf32>
      tpu.vector_store %arg6[%swap3A_141, %swap3A_142], %swap3A_145 {strides = array<i32>} : memref<128x128xf32, #tpu.memory_space<vmem>>, vector<1x16xf32>,
      %broadcast_in_dim3A_146 = arith.constant 0.000000e+00 : f32
      %broadcast_in_dim3A_147 = vector.broadcast %broadcast_in_dim3A_146 : f32 to vector<16xf32>
      %swap3A_148 = arith.index_cast %scan3A_105 : i32 to index
      %swap3A_149 = arith.constant 96 : index
      %swap3A_150 = tpu.vector_load %arg6[%swap3A_148, %swap3A_149] {strides = array<i32>} : memref<128x128xf32, #tpu.memory_space<vmem>>, vector<1x16xf32>,
      %swap3A_151 = vector.shape_cast %swap3A_150 : vector<1x16xf32> to vector<16xf32>
      %swap3A_152 = vector.shape_cast %broadcast_in_dim3A_147 : vector<16xf32> to vector<1x16xf32>
      tpu.vector_store %arg6[%swap3A_148, %swap3A_149], %swap3A_152 {strides = array<i32>} : memref<128x128xf32, #tpu.memory_space<vmem>>, vector<1x16xf32>,
      %broadcast_in_dim3A_153 = arith.constant 0.000000e+00 : f32
      %broadcast_in_dim3A_154 = vector.broadcast %broadcast_in_dim3A_153 : f32 to vector<16xf32>
      %swap3A_155 = arith.index_cast %scan3A_105 : i32 to index
      %swap3A_156 = arith.constant 112 : index
      %swap3A_157 = tpu.vector_load %arg6[%swap3A_155, %swap3A_156] {strides = array<i32>} : memref<128x128xf32, #tpu.memory_space<vmem>>, vector<1x16xf32>,
      %swap3A_158 = vector.shape_cast %swap3A_157 : vector<1x16xf32> to vector<16xf32>
      %swap3A_159 = vector.shape_cast %broadcast_in_dim3A_154 : vector<16xf32> to vector<1x16xf32>
      tpu.vector_store %arg6[%swap3A_155, %swap3A_156], %swap3A_159 {strides = array<i32>} : memref<128x128xf32, #tpu.memory_space<vmem>>, vector<1x16xf32>,
    }
    %scan3A_9 = arith.constant 80 : i32
    %lt3A = arith.constant 15 : i32
    %lt3A_10 = arith.cmpi slt, %arg1, %lt3A : i32
    %or3A = arith.constant true
    %or3A_11 = arith.ori %lt3A_10, %or3A : i1
    %convert_element_type3A = arith.extui %or3A_11 : i1 to i32
    %cond3A = arith.constant 0 : i32
    %cond3A_12 = arith.cmpi ne, %convert_element_type3A, %cond3A : i32
    scf.if %cond3A_12 {
      %mul3A_105 = arith.constant 640 : i32
      %mul3A_106 = arith.muli %arg1, %mul3A_105 : i32
      %add3A_107 = arith.constant 0 : i32
      %add3A_108 = arith.addi %mul3A_106, %add3A_107 : i32
      "tpu.region"() ({
        %run_scoped3A = tpu.sem_alloc : memref<!tpu.dma_semaphore, #tpu.memory_space<semaphore_mem>>
        %dma_start3A_109 = arith.constant 0 : i32
        %dma_start3A_110 = arith.constant 0 : i32
        %dma_start3A_111 = tpu.memref_slice %arg6[%dma_start3A_109, %dma_start3A_110] : memref<128x128xf32, #tpu.memory_space<vmem>> -> memref<80x128xf32, #tpu.memory_space<vmem>>
        %dma_start3A_112 = arith.constant 0 : i32
        %dma_start3A_113 = tpu.memref_slice %arg15[%add3A_108, %dma_start3A_112] : memref<10000x128xf32, #tpu.memory_space<vmem_shared>> -> memref<80x128xf32, #tpu.memory_space<vmem_shared>>
        %dma_start3A_114 = arith.constant 0 : i32
        %dma_start3A_115 = tpu.memref_slice %arg15[%add3A_108, %dma_start3A_114] : memref<10000x128xf32, #tpu.memory_space<vmem_shared>> -> memref<80x128xf32, #tpu.memory_space<vmem_shared>>
        %dma_start3A_116 = arith.constant 0 : i32
        %dma_start3A_117 = arith.constant 0 : i32
        %dma_start3A_118 = tpu.memref_slice %arg6[%dma_start3A_116, %dma_start3A_117] : memref<128x128xf32, #tpu.memory_space<vmem>> -> memref<80x128xf32, #tpu.memory_space<vmem>>
        tpu.enqueue_dma source(%dma_start3A_118 : memref<80x128xf32, #tpu.memory_space<vmem>>) target(%dma_start3A_115 : memref<80x128xf32, #tpu.memory_space<vmem_shared>>) target_semaphore(%run_scoped3A : memref<!tpu.dma_semaphore, #tpu.memory_space<semaphore_mem>>)
        %dma_wait3A_119 = arith.constant 0 : i32
        %dma_wait3A_120 = arith.constant 0 : i32
        %dma_wait3A_121 = tpu.memref_slice %arg6[%dma_wait3A_119, %dma_wait3A_120] : memref<128x128xf32, #tpu.memory_space<vmem>> -> memref<80x128xf32, #tpu.memory_space<vmem>>
        %dma_wait3A_122 = arith.constant 0 : i32
        %dma_wait3A_123 = tpu.memref_slice %arg15[%add3A_108, %dma_wait3A_122] : memref<10000x128xf32, #tpu.memory_space<vmem_shared>> -> memref<80x128xf32, #tpu.memory_space<vmem_shared>>
        %dma_wait3A_124 = arith.constant 0 : i32
        %dma_wait3A_125 = tpu.memref_slice %arg15[%add3A_108, %dma_wait3A_124] : memref<10000x128xf32, #tpu.memory_space<vmem_shared>> -> memref<80x128xf32, #tpu.memory_space<vmem_shared>>
        %dma_wait3A_126 = arith.constant 0 : i32
        %dma_wait3A_127 = arith.constant 0 : i32
        %dma_wait3A_128 = tpu.memref_slice %arg6[%dma_wait3A_126, %dma_wait3A_127] : memref<128x128xf32, #tpu.memory_space<vmem>> -> memref<80x128xf32, #tpu.memory_space<vmem>>
        tpu.wait_dma2 semaphore(%run_scoped3A : memref<!tpu.dma_semaphore, #tpu.memory_space<semaphore_mem>>) src(%dma_wait3A_128 : memref<80x128xf32, #tpu.memory_space<vmem>>) dst(%dma_wait3A_125 : memref<80x128xf32, #tpu.memory_space<vmem_shared>>)
        tpu.yield
      }) : () -> ()
    } else {
    }
    %lt3A_13 = arith.constant 15 : i32
    %lt3A_14 = arith.cmpi slt, %arg1, %lt3A_13 : i32
    %or3A_15 = arith.constant true
    %or3A_16 = arith.ori %lt3A_14, %or3A_15 : i1
    %convert_element_type3A_17 = arith.extui %or3A_16 : i1 to i32
    %cond3A_18 = arith.constant 0 : i32
    %cond3A_19 = arith.cmpi ne, %convert_element_type3A_17, %cond3A_18 : i32
    scf.if %cond3A_19 {
      %mul3A_105 = arith.constant 640 : i32
      %mul3A_106 = arith.muli %arg1, %mul3A_105 : i32
      %add3A_107 = arith.constant 80 : i32
      %add3A_108 = arith.addi %mul3A_106, %add3A_107 : i32
      "tpu.region"() ({
        %run_scoped3A = tpu.sem_alloc : memref<!tpu.dma_semaphore, #tpu.memory_space<semaphore_mem>>
        %dma_start3A_109 = arith.constant 0 : i32
        %dma_start3A_110 = arith.constant 0 : i32
        %dma_start3A_111 = tpu.memref_slice %arg6[%dma_start3A_109, %dma_start3A_110] : memref<128x128xf32, #tpu.memory_space<vmem>> -> memref<80x128xf32, #tpu.memory_space<vmem>>
        %dma_start3A_112 = arith.constant 0 : i32
        %dma_start3A_113 = tpu.memref_slice %arg15[%add3A_108, %dma_start3A_112] : memref<10000x128xf32, #tpu.memory_space<vmem_shared>> -> memref<80x128xf32, #tpu.memory_space<vmem_shared>>
        %dma_start3A_114 = arith.constant 0 : i32
        %dma_start3A_115 = tpu.memref_slice %arg15[%add3A_108, %dma_start3A_114] : memref<10000x128xf32, #tpu.memory_space<vmem_shared>> -> memref<80x128xf32, #tpu.memory_space<vmem_shared>>
        %dma_start3A_116 = arith.constant 0 : i32
        %dma_start3A_117 = arith.constant 0 : i32
        %dma_start3A_118 = tpu.memref_slice %arg6[%dma_start3A_116, %dma_start3A_117] : memref<128x128xf32, #tpu.memory_space<vmem>> -> memref<80x128xf32, #tpu.memory_space<vmem>>
        tpu.enqueue_dma source(%dma_start3A_118 : memref<80x128xf32, #tpu.memory_space<vmem>>) target(%dma_start3A_115 : memref<80x128xf32, #tpu.memory_space<vmem_shared>>) target_semaphore(%run_scoped3A : memref<!tpu.dma_semaphore, #tpu.memory_space<semaphore_mem>>)
        %dma_wait3A_119 = arith.constant 0 : i32
        %dma_wait3A_120 = arith.constant 0 : i32
        %dma_wait3A_121 = tpu.memref_slice %arg6[%dma_wait3A_119, %dma_wait3A_120] : memref<128x128xf32, #tpu.memory_space<vmem>> -> memref<80x128xf32, #tpu.memory_space<vmem>>
        %dma_wait3A_122 = arith.constant 0 : i32
        %dma_wait3A_123 = tpu.memref_slice %arg15[%add3A_108, %dma_wait3A_122] : memref<10000x128xf32, #tpu.memory_space<vmem_shared>> -> memref<80x128xf32, #tpu.memory_space<vmem_shared>>
        %dma_wait3A_124 = arith.constant 0 : i32
        %dma_wait3A_125 = tpu.memref_slice %arg15[%add3A_108, %dma_wait3A_124] : memref<10000x128xf32, #tpu.memory_space<vmem_shared>> -> memref<80x128xf32, #tpu.memory_space<vmem_shared>>
        %dma_wait3A_126 = arith.constant 0 : i32
        %dma_wait3A_127 = arith.constant 0 : i32
        %dma_wait3A_128 = tpu.memref_slice %arg6[%dma_wait3A_126, %dma_wait3A_127] : memref<128x128xf32, #tpu.memory_space<vmem>> -> memref<80x128xf32, #tpu.memory_space<vmem>>
        tpu.wait_dma2 semaphore(%run_scoped3A : memref<!tpu.dma_semaphore, #tpu.memory_space<semaphore_mem>>) src(%dma_wait3A_128 : memref<80x128xf32, #tpu.memory_space<vmem>>) dst(%dma_wait3A_125 : memref<80x128xf32, #tpu.memory_space<vmem_shared>>)
        tpu.yield
      }) : () -> ()
    } else {
    }
    %lt3A_20 = arith.constant 15 : i32
    %lt3A_21 = arith.cmpi slt, %arg1, %lt3A_20 : i32
    %or3A_22 = arith.constant true
    %or3A_23 = arith.ori %lt3A_21, %or3A_22 : i1
    %convert_element_type3A_24 = arith.extui %or3A_23 : i1 to i32
    %cond3A_25 = arith.constant 0 : i32
    %cond3A_26 = arith.cmpi ne, %convert_element_type3A_24, %cond3A_25 : i32
    scf.if %cond3A_26 {
      %mul3A_105 = arith.constant 640 : i32
      %mul3A_106 = arith.muli %arg1, %mul3A_105 : i32
      %add3A_107 = arith.constant 160 : i32
      %add3A_108 = arith.addi %mul3A_106, %add3A_107 : i32
      "tpu.region"() ({
        %run_scoped3A = tpu.sem_alloc : memref<!tpu.dma_semaphore, #tpu.memory_space<semaphore_mem>>
        %dma_start3A_109 = arith.constant 0 : i32
        %dma_start3A_110 = arith.constant 0 : i32
        %dma_start3A_111 = tpu.memref_slice %arg6[%dma_start3A_109, %dma_start3A_110] : memref<128x128xf32, #tpu.memory_space<vmem>> -> memref<80x128xf32, #tpu.memory_space<vmem>>
        %dma_start3A_112 = arith.constant 0 : i32
        %dma_start3A_113 = tpu.memref_slice %arg15[%add3A_108, %dma_start3A_112] : memref<10000x128xf32, #tpu.memory_space<vmem_shared>> -> memref<80x128xf32, #tpu.memory_space<vmem_shared>>
        %dma_start3A_114 = arith.constant 0 : i32
        %dma_start3A_115 = tpu.memref_slice %arg15[%add3A_108, %dma_start3A_114] : memref<10000x128xf32, #tpu.memory_space<vmem_shared>> -> memref<80x128xf32, #tpu.memory_space<vmem_shared>>
        %dma_start3A_116 = arith.constant 0 : i32
        %dma_start3A_117 = arith.constant 0 : i32
        %dma_start3A_118 = tpu.memref_slice %arg6[%dma_start3A_116, %dma_start3A_117] : memref<128x128xf32, #tpu.memory_space<vmem>> -> memref<80x128xf32, #tpu.memory_space<vmem>>
        tpu.enqueue_dma source(%dma_start3A_118 : memref<80x128xf32, #tpu.memory_space<vmem>>) target(%dma_start3A_115 : memref<80x128xf32, #tpu.memory_space<vmem_shared>>) target_semaphore(%run_scoped3A : memref<!tpu.dma_semaphore, #tpu.memory_space<semaphore_mem>>)
        %dma_wait3A_119 = arith.constant 0 : i32
        %dma_wait3A_120 = arith.constant 0 : i32
        %dma_wait3A_121 = tpu.memref_slice %arg6[%dma_wait3A_119, %dma_wait3A_120] : memref<128x128xf32, #tpu.memory_space<vmem>> -> memref<80x128xf32, #tpu.memory_space<vmem>>
        %dma_wait3A_122 = arith.constant 0 : i32
        %dma_wait3A_123 = tpu.memref_slice %arg15[%add3A_108, %dma_wait3A_122] : memref<10000x128xf32, #tpu.memory_space<vmem_shared>> -> memref<80x128xf32, #tpu.memory_space<vmem_shared>>
        %dma_wait3A_124 = arith.constant 0 : i32
        %dma_wait3A_125 = tpu.memref_slice %arg15[%add3A_108, %dma_wait3A_124] : memref<10000x128xf32, #tpu.memory_space<vmem_shared>> -> memref<80x128xf32, #tpu.memory_space<vmem_shared>>
        %dma_wait3A_126 = arith.constant 0 : i32
        %dma_wait3A_127 = arith.constant 0 : i32
        %dma_wait3A_128 = tpu.memref_slice %arg6[%dma_wait3A_126, %dma_wait3A_127] : memref<128x128xf32, #tpu.memory_space<vmem>> -> memref<80x128xf32, #tpu.memory_space<vmem>>
        tpu.wait_dma2 semaphore(%run_scoped3A : memref<!tpu.dma_semaphore, #tpu.memory_space<semaphore_mem>>) src(%dma_wait3A_128 : memref<80x128xf32, #tpu.memory_space<vmem>>) dst(%dma_wait3A_125 : memref<80x128xf32, #tpu.memory_space<vmem_shared>>)
        tpu.yield
      }) : () -> ()
    } else {
    }
    %lt3A_27 = arith.constant 15 : i32
    %lt3A_28 = arith.cmpi slt, %arg1, %lt3A_27 : i32
    %or3A_29 = arith.constant true
    %or3A_30 = arith.ori %lt3A_28, %or3A_29 : i1
    %convert_element_type3A_31 = arith.extui %or3A_30 : i1 to i32
    %cond3A_32 = arith.constant 0 : i32
    %cond3A_33 = arith.cmpi ne, %convert_element_type3A_31, %cond3A_32 : i32
    scf.if %cond3A_33 {
      %mul3A_105 = arith.constant 640 : i32
      %mul3A_106 = arith.muli %arg1, %mul3A_105 : i32
      %add3A_107 = arith.constant 240 : i32
      %add3A_108 = arith.addi %mul3A_106, %add3A_107 : i32
      "tpu.region"() ({
        %run_scoped3A = tpu.sem_alloc : memref<!tpu.dma_semaphore, #tpu.memory_space<semaphore_mem>>
        %dma_start3A_109 = arith.constant 0 : i32
        %dma_start3A_110 = arith.constant 0 : i32
        %dma_start3A_111 = tpu.memref_slice %arg6[%dma_start3A_109, %dma_start3A_110] : memref<128x128xf32, #tpu.memory_space<vmem>> -> memref<80x128xf32, #tpu.memory_space<vmem>>
        %dma_start3A_112 = arith.constant 0 : i32
        %dma_start3A_113 = tpu.memref_slice %arg15[%add3A_108, %dma_start3A_112] : memref<10000x128xf32, #tpu.memory_space<vmem_shared>> -> memref<80x128xf32, #tpu.memory_space<vmem_shared>>
        %dma_start3A_114 = arith.constant 0 : i32
        %dma_start3A_115 = tpu.memref_slice %arg15[%add3A_108, %dma_start3A_114] : memref<10000x128xf32, #tpu.memory_space<vmem_shared>> -> memref<80x128xf32, #tpu.memory_space<vmem_shared>>
        %dma_start3A_116 = arith.constant 0 : i32
        %dma_start3A_117 = arith.constant 0 : i32
        %dma_start3A_118 = tpu.memref_slice %arg6[%dma_start3A_116, %dma_start3A_117] : memref<128x128xf32, #tpu.memory_space<vmem>> -> memref<80x128xf32, #tpu.memory_space<vmem>>
        tpu.enqueue_dma source(%dma_start3A_118 : memref<80x128xf32, #tpu.memory_space<vmem>>) target(%dma_start3A_115 : memref<80x128xf32, #tpu.memory_space<vmem_shared>>) target_semaphore(%run_scoped3A : memref<!tpu.dma_semaphore, #tpu.memory_space<semaphore_mem>>)
        %dma_wait3A_119 = arith.constant 0 : i32
        %dma_wait3A_120 = arith.constant 0 : i32
        %dma_wait3A_121 = tpu.memref_slice %arg6[%dma_wait3A_119, %dma_wait3A_120] : memref<128x128xf32, #tpu.memory_space<vmem>> -> memref<80x128xf32, #tpu.memory_space<vmem>>
        %dma_wait3A_122 = arith.constant 0 : i32
        %dma_wait3A_123 = tpu.memref_slice %arg15[%add3A_108, %dma_wait3A_122] : memref<10000x128xf32, #tpu.memory_space<vmem_shared>> -> memref<80x128xf32, #tpu.memory_space<vmem_shared>>
        %dma_wait3A_124 = arith.constant 0 : i32
        %dma_wait3A_125 = tpu.memref_slice %arg15[%add3A_108, %dma_wait3A_124] : memref<10000x128xf32, #tpu.memory_space<vmem_shared>> -> memref<80x128xf32, #tpu.memory_space<vmem_shared>>
        %dma_wait3A_126 = arith.constant 0 : i32
        %dma_wait3A_127 = arith.constant 0 : i32
        %dma_wait3A_128 = tpu.memref_slice %arg6[%dma_wait3A_126, %dma_wait3A_127] : memref<128x128xf32, #tpu.memory_space<vmem>> -> memref<80x128xf32, #tpu.memory_space<vmem>>
        tpu.wait_dma2 semaphore(%run_scoped3A : memref<!tpu.dma_semaphore, #tpu.memory_space<semaphore_mem>>) src(%dma_wait3A_128 : memref<80x128xf32, #tpu.memory_space<vmem>>) dst(%dma_wait3A_125 : memref<80x128xf32, #tpu.memory_space<vmem_shared>>)
        tpu.yield
      }) : () -> ()
    } else {
    }
    %lt3A_34 = arith.constant 15 : i32
    %lt3A_35 = arith.cmpi slt, %arg1, %lt3A_34 : i32
    %or3A_36 = arith.constant true
    %or3A_37 = arith.ori %lt3A_35, %or3A_36 : i1
    %convert_element_type3A_38 = arith.extui %or3A_37 : i1 to i32
    %cond3A_39 = arith.constant 0 : i32
    %cond3A_40 = arith.cmpi ne, %convert_element_type3A_38, %cond3A_39 : i32
    scf.if %cond3A_40 {
      %mul3A_105 = arith.constant 640 : i32
      %mul3A_106 = arith.muli %arg1, %mul3A_105 : i32
      %add3A_107 = arith.constant 320 : i32
      %add3A_108 = arith.addi %mul3A_106, %add3A_107 : i32
      "tpu.region"() ({
        %run_scoped3A = tpu.sem_alloc : memref<!tpu.dma_semaphore, #tpu.memory_space<semaphore_mem>>
        %dma_start3A_109 = arith.constant 0 : i32
        %dma_start3A_110 = arith.constant 0 : i32
        %dma_start3A_111 = tpu.memref_slice %arg6[%dma_start3A_109, %dma_start3A_110] : memref<128x128xf32, #tpu.memory_space<vmem>> -> memref<80x128xf32, #tpu.memory_space<vmem>>
        %dma_start3A_112 = arith.constant 0 : i32
        %dma_start3A_113 = tpu.memref_slice %arg15[%add3A_108, %dma_start3A_112] : memref<10000x128xf32, #tpu.memory_space<vmem_shared>> -> memref<80x128xf32, #tpu.memory_space<vmem_shared>>
        %dma_start3A_114 = arith.constant 0 : i32
        %dma_start3A_115 = tpu.memref_slice %arg15[%add3A_108, %dma_start3A_114] : memref<10000x128xf32, #tpu.memory_space<vmem_shared>> -> memref<80x128xf32, #tpu.memory_space<vmem_shared>>
        %dma_start3A_116 = arith.constant 0 : i32
        %dma_start3A_117 = arith.constant 0 : i32
        %dma_start3A_118 = tpu.memref_slice %arg6[%dma_start3A_116, %dma_start3A_117] : memref<128x128xf32, #tpu.memory_space<vmem>> -> memref<80x128xf32, #tpu.memory_space<vmem>>
        tpu.enqueue_dma source(%dma_start3A_118 : memref<80x128xf32, #tpu.memory_space<vmem>>) target(%dma_start3A_115 : memref<80x128xf32, #tpu.memory_space<vmem_shared>>) target_semaphore(%run_scoped3A : memref<!tpu.dma_semaphore, #tpu.memory_space<semaphore_mem>>)
        %dma_wait3A_119 = arith.constant 0 : i32
        %dma_wait3A_120 = arith.constant 0 : i32
        %dma_wait3A_121 = tpu.memref_slice %arg6[%dma_wait3A_119, %dma_wait3A_120] : memref<128x128xf32, #tpu.memory_space<vmem>> -> memref<80x128xf32, #tpu.memory_space<vmem>>
        %dma_wait3A_122 = arith.constant 0 : i32
        %dma_wait3A_123 = tpu.memref_slice %arg15[%add3A_108, %dma_wait3A_122] : memref<10000x128xf32, #tpu.memory_space<vmem_shared>> -> memref<80x128xf32, #tpu.memory_space<vmem_shared>>
        %dma_wait3A_124 = arith.constant 0 : i32
        %dma_wait3A_125 = tpu.memref_slice %arg15[%add3A_108, %dma_wait3A_124] : memref<10000x128xf32, #tpu.memory_space<vmem_shared>> -> memref<80x128xf32, #tpu.memory_space<vmem_shared>>
        %dma_wait3A_126 = arith.constant 0 : i32
        %dma_wait3A_127 = arith.constant 0 : i32
        %dma_wait3A_128 = tpu.memref_slice %arg6[%dma_wait3A_126, %dma_wait3A_127] : memref<128x128xf32, #tpu.memory_space<vmem>> -> memref<80x128xf32, #tpu.memory_space<vmem>>
        tpu.wait_dma2 semaphore(%run_scoped3A : memref<!tpu.dma_semaphore, #tpu.memory_space<semaphore_mem>>) src(%dma_wait3A_128 : memref<80x128xf32, #tpu.memory_space<vmem>>) dst(%dma_wait3A_125 : memref<80x128xf32, #tpu.memory_space<vmem_shared>>)
        tpu.yield
      }) : () -> ()
    } else {
    }
    %lt3A_41 = arith.constant 15 : i32
    %lt3A_42 = arith.cmpi slt, %arg1, %lt3A_41 : i32
    %or3A_43 = arith.constant false
    %or3A_44 = arith.ori %lt3A_42, %or3A_43 : i1
    %convert_element_type3A_45 = arith.extui %or3A_44 : i1 to i32
    %cond3A_46 = arith.constant 0 : i32
    %cond3A_47 = arith.cmpi ne, %convert_element_type3A_45, %cond3A_46 : i32
    scf.if %cond3A_47 {
      %mul3A_105 = arith.constant 640 : i32
      %mul3A_106 = arith.muli %arg1, %mul3A_105 : i32
      %add3A_107 = arith.constant 400 : i32
      %add3A_108 = arith.addi %mul3A_106, %add3A_107 : i32
      "tpu.region"() ({
        %run_scoped3A = tpu.sem_alloc : memref<!tpu.dma_semaphore, #tpu.memory_space<semaphore_mem>>
        %dma_start3A_109 = arith.constant 0 : i32
        %dma_start3A_110 = arith.constant 0 : i32
        %dma_start3A_111 = tpu.memref_slice %arg6[%dma_start3A_109, %dma_start3A_110] : memref<128x128xf32, #tpu.memory_space<vmem>> -> memref<80x128xf32, #tpu.memory_space<vmem>>
        %dma_start3A_112 = arith.constant 0 : i32
        %dma_start3A_113 = tpu.memref_slice %arg15[%add3A_108, %dma_start3A_112] : memref<10000x128xf32, #tpu.memory_space<vmem_shared>> -> memref<80x128xf32, #tpu.memory_space<vmem_shared>>
        %dma_start3A_114 = arith.constant 0 : i32
        %dma_start3A_115 = tpu.memref_slice %arg15[%add3A_108, %dma_start3A_114] : memref<10000x128xf32, #tpu.memory_space<vmem_shared>> -> memref<80x128xf32, #tpu.memory_space<vmem_shared>>
        %dma_start3A_116 = arith.constant 0 : i32
        %dma_start3A_117 = arith.constant 0 : i32
        %dma_start3A_118 = tpu.memref_slice %arg6[%dma_start3A_116, %dma_start3A_117] : memref<128x128xf32, #tpu.memory_space<vmem>> -> memref<80x128xf32, #tpu.memory_space<vmem>>
        tpu.enqueue_dma source(%dma_start3A_118 : memref<80x128xf32, #tpu.memory_space<vmem>>) target(%dma_start3A_115 : memref<80x128xf32, #tpu.memory_space<vmem_shared>>) target_semaphore(%run_scoped3A : memref<!tpu.dma_semaphore, #tpu.memory_space<semaphore_mem>>)
        %dma_wait3A_119 = arith.constant 0 : i32
        %dma_wait3A_120 = arith.constant 0 : i32
        %dma_wait3A_121 = tpu.memref_slice %arg6[%dma_wait3A_119, %dma_wait3A_120] : memref<128x128xf32, #tpu.memory_space<vmem>> -> memref<80x128xf32, #tpu.memory_space<vmem>>
        %dma_wait3A_122 = arith.constant 0 : i32
        %dma_wait3A_123 = tpu.memref_slice %arg15[%add3A_108, %dma_wait3A_122] : memref<10000x128xf32, #tpu.memory_space<vmem_shared>> -> memref<80x128xf32, #tpu.memory_space<vmem_shared>>
        %dma_wait3A_124 = arith.constant 0 : i32
        %dma_wait3A_125 = tpu.memref_slice %arg15[%add3A_108, %dma_wait3A_124] : memref<10000x128xf32, #tpu.memory_space<vmem_shared>> -> memref<80x128xf32, #tpu.memory_space<vmem_shared>>
        %dma_wait3A_126 = arith.constant 0 : i32
        %dma_wait3A_127 = arith.constant 0 : i32
        %dma_wait3A_128 = tpu.memref_slice %arg6[%dma_wait3A_126, %dma_wait3A_127] : memref<128x128xf32, #tpu.memory_space<vmem>> -> memref<80x128xf32, #tpu.memory_space<vmem>>
        tpu.wait_dma2 semaphore(%run_scoped3A : memref<!tpu.dma_semaphore, #tpu.memory_space<semaphore_mem>>) src(%dma_wait3A_128 : memref<80x128xf32, #tpu.memory_space<vmem>>) dst(%dma_wait3A_125 : memref<80x128xf32, #tpu.memory_space<vmem_shared>>)
        tpu.yield
      }) : () -> ()
    } else {
    }
    %lt3A_48 = arith.constant 15 : i32
    %lt3A_49 = arith.cmpi slt, %arg1, %lt3A_48 : i32
    %or3A_50 = arith.constant false
    %or3A_51 = arith.ori %lt3A_49, %or3A_50 : i1
    %convert_element_type3A_52 = arith.extui %or3A_51 : i1 to i32
    %cond3A_53 = arith.constant 0 : i32
    %cond3A_54 = arith.cmpi ne, %convert_element_type3A_52, %cond3A_53 : i32
    scf.if %cond3A_54 {
      %mul3A_105 = arith.constant 640 : i32
      %mul3A_106 = arith.muli %arg1, %mul3A_105 : i32
      %add3A_107 = arith.constant 480 : i32
      %add3A_108 = arith.addi %mul3A_106, %add3A_107 : i32
      "tpu.region"() ({
        %run_scoped3A = tpu.sem_alloc : memref<!tpu.dma_semaphore, #tpu.memory_space<semaphore_mem>>
        %dma_start3A_109 = arith.constant 0 : i32
        %dma_start3A_110 = arith.constant 0 : i32
        %dma_start3A_111 = tpu.memref_slice %arg6[%dma_start3A_109, %dma_start3A_110] : memref<128x128xf32, #tpu.memory_space<vmem>> -> memref<80x128xf32, #tpu.memory_space<vmem>>
        %dma_start3A_112 = arith.constant 0 : i32
        %dma_start3A_113 = tpu.memref_slice %arg15[%add3A_108, %dma_start3A_112] : memref<10000x128xf32, #tpu.memory_space<vmem_shared>> -> memref<80x128xf32, #tpu.memory_space<vmem_shared>>
        %dma_start3A_114 = arith.constant 0 : i32
        %dma_start3A_115 = tpu.memref_slice %arg15[%add3A_108, %dma_start3A_114] : memref<10000x128xf32, #tpu.memory_space<vmem_shared>> -> memref<80x128xf32, #tpu.memory_space<vmem_shared>>
        %dma_start3A_116 = arith.constant 0 : i32
        %dma_start3A_117 = arith.constant 0 : i32
        %dma_start3A_118 = tpu.memref_slice %arg6[%dma_start3A_116, %dma_start3A_117] : memref<128x128xf32, #tpu.memory_space<vmem>> -> memref<80x128xf32, #tpu.memory_space<vmem>>
        tpu.enqueue_dma source(%dma_start3A_118 : memref<80x128xf32, #tpu.memory_space<vmem>>) target(%dma_start3A_115 : memref<80x128xf32, #tpu.memory_space<vmem_shared>>) target_semaphore(%run_scoped3A : memref<!tpu.dma_semaphore, #tpu.memory_space<semaphore_mem>>)
        %dma_wait3A_119 = arith.constant 0 : i32
        %dma_wait3A_120 = arith.constant 0 : i32
        %dma_wait3A_121 = tpu.memref_slice %arg6[%dma_wait3A_119, %dma_wait3A_120] : memref<128x128xf32, #tpu.memory_space<vmem>> -> memref<80x128xf32, #tpu.memory_space<vmem>>
        %dma_wait3A_122 = arith.constant 0 : i32
        %dma_wait3A_123 = tpu.memref_slice %arg15[%add3A_108, %dma_wait3A_122] : memref<10000x128xf32, #tpu.memory_space<vmem_shared>> -> memref<80x128xf32, #tpu.memory_space<vmem_shared>>
        %dma_wait3A_124 = arith.constant 0 : i32
        %dma_wait3A_125 = tpu.memref_slice %arg15[%add3A_108, %dma_wait3A_124] : memref<10000x128xf32, #tpu.memory_space<vmem_shared>> -> memref<80x128xf32, #tpu.memory_space<vmem_shared>>
        %dma_wait3A_126 = arith.constant 0 : i32
        %dma_wait3A_127 = arith.constant 0 : i32
        %dma_wait3A_128 = tpu.memref_slice %arg6[%dma_wait3A_126, %dma_wait3A_127] : memref<128x128xf32, #tpu.memory_space<vmem>> -> memref<80x128xf32, #tpu.memory_space<vmem>>
        tpu.wait_dma2 semaphore(%run_scoped3A : memref<!tpu.dma_semaphore, #tpu.memory_space<semaphore_mem>>) src(%dma_wait3A_128 : memref<80x128xf32, #tpu.memory_space<vmem>>) dst(%dma_wait3A_125 : memref<80x128xf32, #tpu.memory_space<vmem_shared>>)
        tpu.yield
      }) : () -> ()
    } else {
    }
    %lt3A_55 = arith.constant 15 : i32
    %lt3A_56 = arith.cmpi slt, %arg1, %lt3A_55 : i32
    %or3A_57 = arith.constant false
    %or3A_58 = arith.ori %lt3A_56, %or3A_57 : i1
    %convert_element_type3A_59 = arith.extui %or3A_58 : i1 to i32
    %cond3A_60 = arith.constant 0 : i32
    %cond3A_61 = arith.cmpi ne, %convert_element_type3A_59, %cond3A_60 : i32
    scf.if %cond3A_61 {
      %mul3A_105 = arith.constant 640 : i32
      %mul3A_106 = arith.muli %arg1, %mul3A_105 : i32
      %add3A_107 = arith.constant 560 : i32
      %add3A_108 = arith.addi %mul3A_106, %add3A_107 : i32
      "tpu.region"() ({
        %run_scoped3A = tpu.sem_alloc : memref<!tpu.dma_semaphore, #tpu.memory_space<semaphore_mem>>
        %dma_start3A_109 = arith.constant 0 : i32
        %dma_start3A_110 = arith.constant 0 : i32
        %dma_start3A_111 = tpu.memref_slice %arg6[%dma_start3A_109, %dma_start3A_110] : memref<128x128xf32, #tpu.memory_space<vmem>> -> memref<80x128xf32, #tpu.memory_space<vmem>>
        %dma_start3A_112 = arith.constant 0 : i32
        %dma_start3A_113 = tpu.memref_slice %arg15[%add3A_108, %dma_start3A_112] : memref<10000x128xf32, #tpu.memory_space<vmem_shared>> -> memref<80x128xf32, #tpu.memory_space<vmem_shared>>
        %dma_start3A_114 = arith.constant 0 : i32
        %dma_start3A_115 = tpu.memref_slice %arg15[%add3A_108, %dma_start3A_114] : memref<10000x128xf32, #tpu.memory_space<vmem_shared>> -> memref<80x128xf32, #tpu.memory_space<vmem_shared>>
        %dma_start3A_116 = arith.constant 0 : i32
        %dma_start3A_117 = arith.constant 0 : i32
        %dma_start3A_118 = tpu.memref_slice %arg6[%dma_start3A_116, %dma_start3A_117] : memref<128x128xf32, #tpu.memory_space<vmem>> -> memref<80x128xf32, #tpu.memory_space<vmem>>
        tpu.enqueue_dma source(%dma_start3A_118 : memref<80x128xf32, #tpu.memory_space<vmem>>) target(%dma_start3A_115 : memref<80x128xf32, #tpu.memory_space<vmem_shared>>) target_semaphore(%run_scoped3A : memref<!tpu.dma_semaphore, #tpu.memory_space<semaphore_mem>>)
        %dma_wait3A_119 = arith.constant 0 : i32
        %dma_wait3A_120 = arith.constant 0 : i32
        %dma_wait3A_121 = tpu.memref_slice %arg6[%dma_wait3A_119, %dma_wait3A_120] : memref<128x128xf32, #tpu.memory_space<vmem>> -> memref<80x128xf32, #tpu.memory_space<vmem>>
        %dma_wait3A_122 = arith.constant 0 : i32
        %dma_wait3A_123 = tpu.memref_slice %arg15[%add3A_108, %dma_wait3A_122] : memref<10000x128xf32, #tpu.memory_space<vmem_shared>> -> memref<80x128xf32, #tpu.memory_space<vmem_shared>>
        %dma_wait3A_124 = arith.constant 0 : i32
        %dma_wait3A_125 = tpu.memref_slice %arg15[%add3A_108, %dma_wait3A_124] : memref<10000x128xf32, #tpu.memory_space<vmem_shared>> -> memref<80x128xf32, #tpu.memory_space<vmem_shared>>
        %dma_wait3A_126 = arith.constant 0 : i32
        %dma_wait3A_127 = arith.constant 0 : i32
        %dma_wait3A_128 = tpu.memref_slice %arg6[%dma_wait3A_126, %dma_wait3A_127] : memref<128x128xf32, #tpu.memory_space<vmem>> -> memref<80x128xf32, #tpu.memory_space<vmem>>
        tpu.wait_dma2 semaphore(%run_scoped3A : memref<!tpu.dma_semaphore, #tpu.memory_space<semaphore_mem>>) src(%dma_wait3A_128 : memref<80x128xf32, #tpu.memory_space<vmem>>) dst(%dma_wait3A_125 : memref<80x128xf32, #tpu.memory_space<vmem_shared>>)
        tpu.yield
      }) : () -> ()
    } else {
    }
    %barrier3A = arith.constant 0 : index
    tpu.barrier barrier_id(%barrier3A)
    %add3A_62 = arith.constant 0 : i32
    %add3A_63 = arith.addi %mul3A_2, %add3A_62 : i32
    "tpu.region"() ({
      %run_scoped3A = tpu.sem_alloc : memref<!tpu.dma_semaphore, #tpu.memory_space<semaphore_mem>>
      %dma_start3A_105 = arith.constant 0 : i32
      %dma_start3A_106 = arith.constant 0 : i32
      %dma_start3A_107 = tpu.memref_slice %arg2[%add3A_63, %dma_start3A_105, %dma_start3A_106] : memref<2592x2x128xi32, #tpu.memory_space<hbm>> -> memref<1x2x128xi32, #tpu.memory_space<hbm>>
      %dma_start3A_108 = tpu.memref_squeeze %dma_start3A_107 : memref<1x2x128xi32, #tpu.memory_space<hbm>> -> memref<2x128xi32, #tpu.memory_space<hbm>>
      %dma_start3A_109 = arith.constant 0 : i32
      %dma_start3A_110 = arith.constant 0 : i32
      %dma_start3A_111 = tpu.memref_slice %arg2[%add3A_63, %dma_start3A_109, %dma_start3A_110] : memref<2592x2x128xi32, #tpu.memory_space<hbm>> -> memref<1x2x128xi32, #tpu.memory_space<hbm>>
      %dma_start3A_112 = tpu.memref_squeeze %dma_start3A_111 : memref<1x2x128xi32, #tpu.memory_space<hbm>> -> memref<2x128xi32, #tpu.memory_space<hbm>>
      tpu.enqueue_dma source(%dma_start3A_112 : memref<2x128xi32, #tpu.memory_space<hbm>>) target(%arg9 : memref<2x128xi32, #tpu.memory_space<vmem>>) target_semaphore(%run_scoped3A : memref<!tpu.dma_semaphore, #tpu.memory_space<semaphore_mem>>)
      %dma_wait3A_113 = arith.constant 0 : i32
      %dma_wait3A_114 = arith.constant 0 : i32
      %dma_wait3A_115 = tpu.memref_slice %arg2[%add3A_63, %dma_wait3A_113, %dma_wait3A_114] : memref<2592x2x128xi32, #tpu.memory_space<hbm>> -> memref<1x2x128xi32, #tpu.memory_space<hbm>>
      %dma_wait3A_116 = tpu.memref_squeeze %dma_wait3A_115 : memref<1x2x128xi32, #tpu.memory_space<hbm>> -> memref<2x128xi32, #tpu.memory_space<hbm>>
      %dma_wait3A_117 = arith.constant 0 : i32
      %dma_wait3A_118 = arith.constant 0 : i32
      %dma_wait3A_119 = tpu.memref_slice %arg2[%add3A_63, %dma_wait3A_117, %dma_wait3A_118] : memref<2592x2x128xi32, #tpu.memory_space<hbm>> -> memref<1x2x128xi32, #tpu.memory_space<hbm>>
      %dma_wait3A_120 = tpu.memref_squeeze %dma_wait3A_119 : memref<1x2x128xi32, #tpu.memory_space<hbm>> -> memref<2x128xi32, #tpu.memory_space<hbm>>
      tpu.wait_dma2 semaphore(%run_scoped3A : memref<!tpu.dma_semaphore, #tpu.memory_space<semaphore_mem>>) src(%dma_wait3A_120 : memref<2x128xi32, #tpu.memory_space<hbm>>) dst(%arg9 : memref<2x128xi32, #tpu.memory_space<vmem>>)
      tpu.yield
    }) : () -> ()
    %dma_start3A = arith.constant 1 : i32
    %dma_start3A_64 = arith.constant 0 : i32
    %dma_start3A_65 = tpu.memref_slice %arg9[%dma_start3A, %dma_start3A_64] : memref<2x128xi32, #tpu.memory_space<vmem>> -> memref<1x128xi32, #tpu.memory_space<vmem>>
    %dma_start3A_66 = tpu.memref_squeeze %dma_start3A_65 : memref<1x128xi32, #tpu.memory_space<vmem>> -> memref<128xi32, #tpu.memory_space<vmem>>
    %dma_start3A_67 = arith.constant 0 : i32
    %dma_start3A_68 = arith.constant 0 : i32
    %dma_start3A_69 = tpu.memref_slice %arg4[%dma_start3A_67, %dma_start3A_68] : memref<10000x128xf32, #tpu.memory_space<hbm>> -> memref<10000x128xf32, #tpu.memory_space<hbm>>
    tpu.enqueue_indirect_dma source(%dma_start3A_69 : memref<10000x128xf32, #tpu.memory_space<hbm>>) target(%arg6 : memref<128x128xf32, #tpu.memory_space<vmem>>) offsets(%dma_start3A_66 : memref<128xi32, #tpu.memory_space<vmem>>) semaphore(%arg16 : memref<!tpu.dma_semaphore, #tpu.memory_space<semaphore_mem>>)
    %add3A_70 = arith.constant 1 : i32
    %add3A_71 = arith.addi %mul3A_2, %add3A_70 : i32
    "tpu.region"() ({
      %run_scoped3A = tpu.sem_alloc : memref<!tpu.dma_semaphore, #tpu.memory_space<semaphore_mem>>
      %dma_start3A_105 = arith.constant 0 : i32
      %dma_start3A_106 = arith.constant 0 : i32
      %dma_start3A_107 = tpu.memref_slice %arg2[%add3A_71, %dma_start3A_105, %dma_start3A_106] : memref<2592x2x128xi32, #tpu.memory_space<hbm>> -> memref<1x2x128xi32, #tpu.memory_space<hbm>>
      %dma_start3A_108 = tpu.memref_squeeze %dma_start3A_107 : memref<1x2x128xi32, #tpu.memory_space<hbm>> -> memref<2x128xi32, #tpu.memory_space<hbm>>
      %dma_start3A_109 = arith.constant 0 : i32
      %dma_start3A_110 = arith.constant 0 : i32
      %dma_start3A_111 = tpu.memref_slice %arg2[%add3A_71, %dma_start3A_109, %dma_start3A_110] : memref<2592x2x128xi32, #tpu.memory_space<hbm>> -> memref<1x2x128xi32, #tpu.memory_space<hbm>>
      %dma_start3A_112 = tpu.memref_squeeze %dma_start3A_111 : memref<1x2x128xi32, #tpu.memory_space<hbm>> -> memref<2x128xi32, #tpu.memory_space<hbm>>
      tpu.enqueue_dma source(%dma_start3A_112 : memref<2x128xi32, #tpu.memory_space<hbm>>) target(%arg10 : memref<2x128xi32, #tpu.memory_space<vmem>>) target_semaphore(%run_scoped3A : memref<!tpu.dma_semaphore, #tpu.memory_space<semaphore_mem>>)
      %dma_wait3A_113 = arith.constant 0 : i32
      %dma_wait3A_114 = arith.constant 0 : i32
      %dma_wait3A_115 = tpu.memref_slice %arg2[%add3A_71, %dma_wait3A_113, %dma_wait3A_114] : memref<2592x2x128xi32, #tpu.memory_space<hbm>> -> memref<1x2x128xi32, #tpu.memory_space<hbm>>
      %dma_wait3A_116 = tpu.memref_squeeze %dma_wait3A_115 : memref<1x2x128xi32, #tpu.memory_space<hbm>> -> memref<2x128xi32, #tpu.memory_space<hbm>>
      %dma_wait3A_117 = arith.constant 0 : i32
      %dma_wait3A_118 = arith.constant 0 : i32
      %dma_wait3A_119 = tpu.memref_slice %arg2[%add3A_71, %dma_wait3A_117, %dma_wait3A_118] : memref<2592x2x128xi32, #tpu.memory_space<hbm>> -> memref<1x2x128xi32, #tpu.memory_space<hbm>>
      %dma_wait3A_120 = tpu.memref_squeeze %dma_wait3A_119 : memref<1x2x128xi32, #tpu.memory_space<hbm>> -> memref<2x128xi32, #tpu.memory_space<hbm>>
      tpu.wait_dma2 semaphore(%run_scoped3A : memref<!tpu.dma_semaphore, #tpu.memory_space<semaphore_mem>>) src(%dma_wait3A_120 : memref<2x128xi32, #tpu.memory_space<hbm>>) dst(%arg10 : memref<2x128xi32, #tpu.memory_space<vmem>>)
      tpu.yield
    }) : () -> ()
    %dma_start3A_72 = arith.constant 1 : i32
    %dma_start3A_73 = arith.constant 0 : i32
    %dma_start3A_74 = tpu.memref_slice %arg10[%dma_start3A_72, %dma_start3A_73] : memref<2x128xi32, #tpu.memory_space<vmem>> -> memref<1x128xi32, #tpu.memory_space<vmem>>
    %dma_start3A_75 = tpu.memref_squeeze %dma_start3A_74 : memref<1x128xi32, #tpu.memory_space<vmem>> -> memref<128xi32, #tpu.memory_space<vmem>>
    %dma_start3A_76 = arith.constant 0 : i32
    %dma_start3A_77 = arith.constant 0 : i32
    %dma_start3A_78 = tpu.memref_slice %arg4[%dma_start3A_76, %dma_start3A_77] : memref<10000x128xf32, #tpu.memory_space<hbm>> -> memref<10000x128xf32, #tpu.memory_space<hbm>>
    tpu.enqueue_indirect_dma source(%dma_start3A_78 : memref<10000x128xf32, #tpu.memory_space<hbm>>) target(%arg7 : memref<128x128xf32, #tpu.memory_space<vmem>>) offsets(%dma_start3A_75 : memref<128xi32, #tpu.memory_space<vmem>>) semaphore(%arg17 : memref<!tpu.dma_semaphore, #tpu.memory_space<semaphore_mem>>)
    %scan3A_79 = arith.constant 0 : i32
    %scan3A_80 = arith.constant 0 : i32
    %scan3A_81 = arith.constant 27 : i32
    %scan3A_82 = arith.addi %scan3A_80, %scan3A_81 : i32
    %scan3A_83 = arith.constant 1 : i32
    scf.for %scan3A_105 = %scan3A_80 to %scan3A_82 step %scan3A_83  : i32 {
      %mul3A_106 = arith.constant 3 : i32
      %mul3A_107 = arith.muli %scan3A_105, %mul3A_106 : i32
      %add3A_108 = arith.constant 0 : i32
      %add3A_109 = arith.addi %mul3A_107, %add3A_108 : i32
      %add3A_110 = arith.constant 2 : i32
      %add3A_111 = arith.addi %add3A_109, %add3A_110 : i32
      %lt3A_112 = arith.constant 81 : i32
      %lt3A_113 = arith.cmpi slt, %add3A_111, %lt3A_112 : i32
      %dma_wait3A_114 = arith.constant 1 : i32
      %dma_wait3A_115 = arith.constant 0 : i32
      %dma_wait3A_116 = tpu.memref_slice %arg9[%dma_wait3A_114, %dma_wait3A_115] : memref<2x128xi32, #tpu.memory_space<vmem>> -> memref<1x128xi32, #tpu.memory_space<vmem>>
      %dma_wait3A_117 = tpu.memref_squeeze %dma_wait3A_116 : memref<1x128xi32, #tpu.memory_space<vmem>> -> memref<128xi32, #tpu.memory_space<vmem>>
      %dma_wait3A_118 = arith.constant 0 : i32
      %dma_wait3A_119 = arith.constant 0 : i32
      %dma_wait3A_120 = tpu.memref_slice %arg4[%dma_wait3A_118, %dma_wait3A_119] : memref<10000x128xf32, #tpu.memory_space<hbm>> -> memref<10000x128xf32, #tpu.memory_space<hbm>>
      tpu.wait_indirect_dma semaphore(%arg16 : memref<!tpu.dma_semaphore, #tpu.memory_space<semaphore_mem>>) src(%dma_wait3A_120 : memref<10000x128xf32, #tpu.memory_space<hbm>>) dst(%arg6 : memref<128x128xf32, #tpu.memory_space<vmem>>)
      %convert_element_type3A_121 = arith.extui %lt3A_113 : i1 to i32
      %cond3A_122 = arith.constant 0 : i32
      %cond3A_123 = arith.cmpi ne, %convert_element_type3A_121, %cond3A_122 : i32
      scf.if %cond3A_123 {
        %add3A_232 = arith.addi %mul3A_2, %add3A_109 : i32
        %add3A_233 = arith.constant 2 : i32
        %add3A_234 = arith.addi %add3A_232, %add3A_233 : i32
        %dma_start3A_235 = arith.constant 0 : i32
        %dma_start3A_236 = arith.constant 0 : i32
        %dma_start3A_237 = tpu.memref_slice %arg2[%add3A_234, %dma_start3A_235, %dma_start3A_236] : memref<2592x2x128xi32, #tpu.memory_space<hbm>> -> memref<1x2x128xi32, #tpu.memory_space<hbm>>
        %dma_start3A_238 = tpu.memref_squeeze %dma_start3A_237 : memref<1x2x128xi32, #tpu.memory_space<hbm>> -> memref<2x128xi32, #tpu.memory_space<hbm>>
        %dma_start3A_239 = arith.constant 0 : i32
        %dma_start3A_240 = arith.constant 0 : i32
        %dma_start3A_241 = tpu.memref_slice %arg2[%add3A_234, %dma_start3A_239, %dma_start3A_240] : memref<2592x2x128xi32, #tpu.memory_space<hbm>> -> memref<1x2x128xi32, #tpu.memory_space<hbm>>
        %dma_start3A_242 = tpu.memref_squeeze %dma_start3A_241 : memref<1x2x128xi32, #tpu.memory_space<hbm>> -> memref<2x128xi32, #tpu.memory_space<hbm>>
        tpu.enqueue_dma source(%dma_start3A_242 : memref<2x128xi32, #tpu.memory_space<hbm>>) target(%arg11 : memref<2x128xi32, #tpu.memory_space<vmem>>) target_semaphore(%arg27 : memref<!tpu.dma_semaphore, #tpu.memory_space<semaphore_mem>>)
      } else {
      }
      %mul3A_124 = arith.constant 128 : i32
      %mul3A_125 = arith.muli %add3A_109, %mul3A_124 : i32
      %add3A_126 = arith.addi %mul3A_4, %mul3A_125 : i32
      %dma_start3A_127 = tpu.memref_slice %arg3[%add3A_126] : memref<331776xi32, #tpu.memory_space<hbm>> -> memref<128xi32, #tpu.memory_space<hbm>>
      %dma_start3A_128 = tpu.memref_slice %arg3[%add3A_126] : memref<331776xi32, #tpu.memory_space<hbm>> -> memref<128xi32, #tpu.memory_space<hbm>>
      tpu.enqueue_dma source(%dma_start3A_128 : memref<128xi32, #tpu.memory_space<hbm>>) target(%arg12 : memref<128xi32, #tpu.memory_space<vmem>>) target_semaphore(%arg22 : memref<!tpu.dma_semaphore, #tpu.memory_space<semaphore_mem>>)
      %parallel_loop3A = arith.constant 0 : i32
      %parallel_loop3A_129 = arith.constant 128 : i32
      %parallel_loop3A_130 = arith.constant 1 : i32
      scf.for %parallel_loop3A_232 = %parallel_loop3A to %parallel_loop3A_129 step %parallel_loop3A_130  : i32 {
        %parallel_loop3A_233 = arith.constant 0 : i32
        %parallel_loop3A_234 = arith.index_cast %parallel_loop3A_233 : i32 to index
        %parallel_loop3A_235 = arith.index_cast %parallel_loop3A_232 : i32 to index
        %parallel_loop3A_236 = tpu.vector_load %arg9[%parallel_loop3A_234, %parallel_loop3A_235] {strides = array<i32>} : memref<2x128xi32, #tpu.memory_space<vmem>>, vector<1x16xi32>,
        %parallel_loop3A_237 = vector.shape_cast %parallel_loop3A_236 : vector<1x16xi32> to vector<16xi32>
        %parallel_loop3A_238 = vector.extract_strided_slice %parallel_loop3A_237 {offsets = [0], sizes = [1], strides = [1]} : vector<16xi32> to vector<1xi32>
        %parallel_loop3A_239 = vector.extract %parallel_loop3A_238[0] : i32 from vector<1xi32>
        %parallel_loop3A_240 = arith.bitcast %parallel_loop3A_239 : i32 to f32
        %parallel_loop3A_241 = arith.index_cast %parallel_loop3A_232 : i32 to index
        %parallel_loop3A_242 = arith.constant 0 : index
        %parallel_loop3A_243 = tpu.vector_load %arg6[%parallel_loop3A_241, %parallel_loop3A_242] {strides = array<i32>} : memref<128x128xf32, #tpu.memory_space<vmem>>, vector<1x16xf32>,
        %parallel_loop3A_244 = vector.shape_cast %parallel_loop3A_243 : vector<1x16xf32> to vector<16xf32>
        %parallel_loop3A_245 = vector.broadcast %parallel_loop3A_240 : f32 to vector<16xf32>
        %parallel_loop3A_246 = arith.mulf %parallel_loop3A_244, %parallel_loop3A_245 : vector<16xf32>
        %parallel_loop3A_247 = arith.index_cast %parallel_loop3A_232 : i32 to index
        %parallel_loop3A_248 = arith.constant 0 : index
        %parallel_loop3A_249 = tpu.vector_load %arg6[%parallel_loop3A_247, %parallel_loop3A_248] {strides = array<i32>} : memref<128x128xf32, #tpu.memory_space<vmem>>, vector<1x16xf32>,
        %parallel_loop3A_250 = vector.shape_cast %parallel_loop3A_249 : vector<1x16xf32> to vector<16xf32>
        %parallel_loop3A_251 = vector.shape_cast %parallel_loop3A_246 : vector<16xf32> to vector<1x16xf32>
        tpu.vector_store %arg6[%parallel_loop3A_247, %parallel_loop3A_248], %parallel_loop3A_251 {strides = array<i32>} : memref<128x128xf32, #tpu.memory_space<vmem>>, vector<1x16xf32>,
        %parallel_loop3A_252 = arith.index_cast %parallel_loop3A_232 : i32 to index
        %parallel_loop3A_253 = arith.constant 16 : index
        %parallel_loop3A_254 = tpu.vector_load %arg6[%parallel_loop3A_252, %parallel_loop3A_253] {strides = array<i32>} : memref<128x128xf32, #tpu.memory_space<vmem>>, vector<1x16xf32>,
        %parallel_loop3A_255 = vector.shape_cast %parallel_loop3A_254 : vector<1x16xf32> to vector<16xf32>
        %parallel_loop3A_256 = vector.broadcast %parallel_loop3A_240 : f32 to vector<16xf32>
        %parallel_loop3A_257 = arith.mulf %parallel_loop3A_255, %parallel_loop3A_256 : vector<16xf32>
        %parallel_loop3A_258 = arith.index_cast %parallel_loop3A_232 : i32 to index
        %parallel_loop3A_259 = arith.constant 16 : index
        %parallel_loop3A_260 = tpu.vector_load %arg6[%parallel_loop3A_258, %parallel_loop3A_259] {strides = array<i32>} : memref<128x128xf32, #tpu.memory_space<vmem>>, vector<1x16xf32>,
        %parallel_loop3A_261 = vector.shape_cast %parallel_loop3A_260 : vector<1x16xf32> to vector<16xf32>
        %parallel_loop3A_262 = vector.shape_cast %parallel_loop3A_257 : vector<16xf32> to vector<1x16xf32>
        tpu.vector_store %arg6[%parallel_loop3A_258, %parallel_loop3A_259], %parallel_loop3A_262 {strides = array<i32>} : memref<128x128xf32, #tpu.memory_space<vmem>>, vector<1x16xf32>,
        %parallel_loop3A_263 = arith.index_cast %parallel_loop3A_232 : i32 to index
        %parallel_loop3A_264 = arith.constant 32 : index
        %parallel_loop3A_265 = tpu.vector_load %arg6[%parallel_loop3A_263, %parallel_loop3A_264] {strides = array<i32>} : memref<128x128xf32, #tpu.memory_space<vmem>>, vector<1x16xf32>,
        %parallel_loop3A_266 = vector.shape_cast %parallel_loop3A_265 : vector<1x16xf32> to vector<16xf32>
        %parallel_loop3A_267 = vector.broadcast %parallel_loop3A_240 : f32 to vector<16xf32>
        %parallel_loop3A_268 = arith.mulf %parallel_loop3A_266, %parallel_loop3A_267 : vector<16xf32>
        %parallel_loop3A_269 = arith.index_cast %parallel_loop3A_232 : i32 to index
        %parallel_loop3A_270 = arith.constant 32 : index
        %parallel_loop3A_271 = tpu.vector_load %arg6[%parallel_loop3A_269, %parallel_loop3A_270] {strides = array<i32>} : memref<128x128xf32, #tpu.memory_space<vmem>>, vector<1x16xf32>,
        %parallel_loop3A_272 = vector.shape_cast %parallel_loop3A_271 : vector<1x16xf32> to vector<16xf32>
        %parallel_loop3A_273 = vector.shape_cast %parallel_loop3A_268 : vector<16xf32> to vector<1x16xf32>
        tpu.vector_store %arg6[%parallel_loop3A_269, %parallel_loop3A_270], %parallel_loop3A_273 {strides = array<i32>} : memref<128x128xf32, #tpu.memory_space<vmem>>, vector<1x16xf32>,
        %parallel_loop3A_274 = arith.index_cast %parallel_loop3A_232 : i32 to index
        %parallel_loop3A_275 = arith.constant 48 : index
        %parallel_loop3A_276 = tpu.vector_load %arg6[%parallel_loop3A_274, %parallel_loop3A_275] {strides = array<i32>} : memref<128x128xf32, #tpu.memory_space<vmem>>, vector<1x16xf32>,
        %parallel_loop3A_277 = vector.shape_cast %parallel_loop3A_276 : vector<1x16xf32> to vector<16xf32>
        %parallel_loop3A_278 = vector.broadcast %parallel_loop3A_240 : f32 to vector<16xf32>
        %parallel_loop3A_279 = arith.mulf %parallel_loop3A_277, %parallel_loop3A_278 : vector<16xf32>
        %parallel_loop3A_280 = arith.index_cast %parallel_loop3A_232 : i32 to index
        %parallel_loop3A_281 = arith.constant 48 : index
        %parallel_loop3A_282 = tpu.vector_load %arg6[%parallel_loop3A_280, %parallel_loop3A_281] {strides = array<i32>} : memref<128x128xf32, #tpu.memory_space<vmem>>, vector<1x16xf32>,
        %parallel_loop3A_283 = vector.shape_cast %parallel_loop3A_282 : vector<1x16xf32> to vector<16xf32>
        %parallel_loop3A_284 = vector.shape_cast %parallel_loop3A_279 : vector<16xf32> to vector<1x16xf32>
        tpu.vector_store %arg6[%parallel_loop3A_280, %parallel_loop3A_281], %parallel_loop3A_284 {strides = array<i32>} : memref<128x128xf32, #tpu.memory_space<vmem>>, vector<1x16xf32>,
        %parallel_loop3A_285 = arith.index_cast %parallel_loop3A_232 : i32 to index
        %parallel_loop3A_286 = arith.constant 64 : index
        %parallel_loop3A_287 = tpu.vector_load %arg6[%parallel_loop3A_285, %parallel_loop3A_286] {strides = array<i32>} : memref<128x128xf32, #tpu.memory_space<vmem>>, vector<1x16xf32>,
        %parallel_loop3A_288 = vector.shape_cast %parallel_loop3A_287 : vector<1x16xf32> to vector<16xf32>
        %parallel_loop3A_289 = vector.broadcast %parallel_loop3A_240 : f32 to vector<16xf32>
        %parallel_loop3A_290 = arith.mulf %parallel_loop3A_288, %parallel_loop3A_289 : vector<16xf32>
        %parallel_loop3A_291 = arith.index_cast %parallel_loop3A_232 : i32 to index
        %parallel_loop3A_292 = arith.constant 64 : index
        %parallel_loop3A_293 = tpu.vector_load %arg6[%parallel_loop3A_291, %parallel_loop3A_292] {strides = array<i32>} : memref<128x128xf32, #tpu.memory_space<vmem>>, vector<1x16xf32>,
        %parallel_loop3A_294 = vector.shape_cast %parallel_loop3A_293 : vector<1x16xf32> to vector<16xf32>
        %parallel_loop3A_295 = vector.shape_cast %parallel_loop3A_290 : vector<16xf32> to vector<1x16xf32>
        tpu.vector_store %arg6[%parallel_loop3A_291, %parallel_loop3A_292], %parallel_loop3A_295 {strides = array<i32>} : memref<128x128xf32, #tpu.memory_space<vmem>>, vector<1x16xf32>,
        %parallel_loop3A_296 = arith.index_cast %parallel_loop3A_232 : i32 to index
        %parallel_loop3A_297 = arith.constant 80 : index
        %parallel_loop3A_298 = tpu.vector_load %arg6[%parallel_loop3A_296, %parallel_loop3A_297] {strides = array<i32>} : memref<128x128xf32, #tpu.memory_space<vmem>>, vector<1x16xf32>,
        %parallel_loop3A_299 = vector.shape_cast %parallel_loop3A_298 : vector<1x16xf32> to vector<16xf32>
        %parallel_loop3A_300 = vector.broadcast %parallel_loop3A_240 : f32 to vector<16xf32>
        %parallel_loop3A_301 = arith.mulf %parallel_loop3A_299, %parallel_loop3A_300 : vector<16xf32>
        %parallel_loop3A_302 = arith.index_cast %parallel_loop3A_232 : i32 to index
        %parallel_loop3A_303 = arith.constant 80 : index
        %parallel_loop3A_304 = tpu.vector_load %arg6[%parallel_loop3A_302, %parallel_loop3A_303] {strides = array<i32>} : memref<128x128xf32, #tpu.memory_space<vmem>>, vector<1x16xf32>,
        %parallel_loop3A_305 = vector.shape_cast %parallel_loop3A_304 : vector<1x16xf32> to vector<16xf32>
        %parallel_loop3A_306 = vector.shape_cast %parallel_loop3A_301 : vector<16xf32> to vector<1x16xf32>
        tpu.vector_store %arg6[%parallel_loop3A_302, %parallel_loop3A_303], %parallel_loop3A_306 {strides = array<i32>} : memref<128x128xf32, #tpu.memory_space<vmem>>, vector<1x16xf32>,
        %parallel_loop3A_307 = arith.index_cast %parallel_loop3A_232 : i32 to index
        %parallel_loop3A_308 = arith.constant 96 : index
        %parallel_loop3A_309 = tpu.vector_load %arg6[%parallel_loop3A_307, %parallel_loop3A_308] {strides = array<i32>} : memref<128x128xf32, #tpu.memory_space<vmem>>, vector<1x16xf32>,
        %parallel_loop3A_310 = vector.shape_cast %parallel_loop3A_309 : vector<1x16xf32> to vector<16xf32>
        %parallel_loop3A_311 = vector.broadcast %parallel_loop3A_240 : f32 to vector<16xf32>
        %parallel_loop3A_312 = arith.mulf %parallel_loop3A_310, %parallel_loop3A_311 : vector<16xf32>
        %parallel_loop3A_313 = arith.index_cast %parallel_loop3A_232 : i32 to index
        %parallel_loop3A_314 = arith.constant 96 : index
        %parallel_loop3A_315 = tpu.vector_load %arg6[%parallel_loop3A_313, %parallel_loop3A_314] {strides = array<i32>} : memref<128x128xf32, #tpu.memory_space<vmem>>, vector<1x16xf32>,
        %parallel_loop3A_316 = vector.shape_cast %parallel_loop3A_315 : vector<1x16xf32> to vector<16xf32>
        %parallel_loop3A_317 = vector.shape_cast %parallel_loop3A_312 : vector<16xf32> to vector<1x16xf32>
        tpu.vector_store %arg6[%parallel_loop3A_313, %parallel_loop3A_314], %parallel_loop3A_317 {strides = array<i32>} : memref<128x128xf32, #tpu.memory_space<vmem>>, vector<1x16xf32>,
        %parallel_loop3A_318 = arith.index_cast %parallel_loop3A_232 : i32 to index
        %parallel_loop3A_319 = arith.constant 112 : index
        %parallel_loop3A_320 = tpu.vector_load %arg6[%parallel_loop3A_318, %parallel_loop3A_319] {strides = array<i32>} : memref<128x128xf32, #tpu.memory_space<vmem>>, vector<1x16xf32>,
        %parallel_loop3A_321 = vector.shape_cast %parallel_loop3A_320 : vector<1x16xf32> to vector<16xf32>
        %parallel_loop3A_322 = vector.broadcast %parallel_loop3A_240 : f32 to vector<16xf32>
        %parallel_loop3A_323 = arith.mulf %parallel_loop3A_321, %parallel_loop3A_322 : vector<16xf32>
        %parallel_loop3A_324 = arith.index_cast %parallel_loop3A_232 : i32 to index
        %parallel_loop3A_325 = arith.constant 112 : index
        %parallel_loop3A_326 = tpu.vector_load %arg6[%parallel_loop3A_324, %parallel_loop3A_325] {strides = array<i32>} : memref<128x128xf32, #tpu.memory_space<vmem>>, vector<1x16xf32>,
        %parallel_loop3A_327 = vector.shape_cast %parallel_loop3A_326 : vector<1x16xf32> to vector<16xf32>
        %parallel_loop3A_328 = vector.shape_cast %parallel_loop3A_323 : vector<16xf32> to vector<1x16xf32>
        tpu.vector_store %arg6[%parallel_loop3A_324, %parallel_loop3A_325], %parallel_loop3A_328 {strides = array<i32>} : memref<128x128xf32, #tpu.memory_space<vmem>>, vector<1x16xf32>,
      } {sc.loop_unroll_factor = 4 : i64, sc.parallel_access}
      %ge3A = arith.constant 1 : i32
      %ge3A_131 = arith.cmpi sge, %add3A_109, %ge3A : i32
      %and3A = arith.andi %ge3A_131, %lt3A_113 : i1
      %convert_element_type3A_132 = arith.extui %and3A : i1 to i32
      %cond3A_133 = arith.constant 0 : i32
      %cond3A_134 = arith.cmpi ne, %convert_element_type3A_132, %cond3A_133 : i32
      scf.if %cond3A_134 {
        %dma_wait3A_232 = arith.constant 0 : i32
        %dma_wait3A_233 = arith.constant 0 : i32
        %dma_wait3A_234 = tpu.memref_slice %arg15[%dma_wait3A_232, %dma_wait3A_233] : memref<10000x128xf32, #tpu.memory_space<vmem_shared>> -> memref<10000x128xf32, #tpu.memory_space<vmem_shared>>
        tpu.wait_indirect_dma semaphore(%arg21 : memref<!tpu.dma_semaphore, #tpu.memory_space<semaphore_mem>>) src(%arg8 : memref<128x128xf32, #tpu.memory_space<vmem>>) dst(%dma_wait3A_234 : memref<10000x128xf32, #tpu.memory_space<vmem_shared>>)
      } else {
      }
      %convert_element_type3A_135 = arith.extui %lt3A_113 : i1 to i32
      %cond3A_136 = arith.constant 0 : i32
      %cond3A_137 = arith.cmpi ne, %convert_element_type3A_135, %cond3A_136 : i32
      scf.if %cond3A_137 {
        %add3A_232 = arith.addi %mul3A_2, %add3A_109 : i32
        %add3A_233 = arith.constant 2 : i32
        %add3A_234 = arith.addi %add3A_232, %add3A_233 : i32
        %dma_wait3A_235 = arith.constant 0 : i32
        %dma_wait3A_236 = arith.constant 0 : i32
        %dma_wait3A_237 = tpu.memref_slice %arg2[%add3A_234, %dma_wait3A_235, %dma_wait3A_236] : memref<2592x2x128xi32, #tpu.memory_space<hbm>> -> memref<1x2x128xi32, #tpu.memory_space<hbm>>
        %dma_wait3A_238 = tpu.memref_squeeze %dma_wait3A_237 : memref<1x2x128xi32, #tpu.memory_space<hbm>> -> memref<2x128xi32, #tpu.memory_space<hbm>>
        %dma_wait3A_239 = arith.constant 0 : i32
        %dma_wait3A_240 = arith.constant 0 : i32
        %dma_wait3A_241 = tpu.memref_slice %arg2[%add3A_234, %dma_wait3A_239, %dma_wait3A_240] : memref<2592x2x128xi32, #tpu.memory_space<hbm>> -> memref<1x2x128xi32, #tpu.memory_space<hbm>>
        %dma_wait3A_242 = tpu.memref_squeeze %dma_wait3A_241 : memref<1x2x128xi32, #tpu.memory_space<hbm>> -> memref<2x128xi32, #tpu.memory_space<hbm>>
        tpu.wait_dma2 semaphore(%arg27 : memref<!tpu.dma_semaphore, #tpu.memory_space<semaphore_mem>>) src(%dma_wait3A_242 : memref<2x128xi32, #tpu.memory_space<hbm>>) dst(%arg11 : memref<2x128xi32, #tpu.memory_space<vmem>>)
        %dma_start3A_243 = arith.constant 1 : i32
        %dma_start3A_244 = arith.constant 0 : i32
        %dma_start3A_245 = tpu.memref_slice %arg11[%dma_start3A_243, %dma_start3A_244] : memref<2x128xi32, #tpu.memory_space<vmem>> -> memref<1x128xi32, #tpu.memory_space<vmem>>
        %dma_start3A_246 = tpu.memref_squeeze %dma_start3A_245 : memref<1x128xi32, #tpu.memory_space<vmem>> -> memref<128xi32, #tpu.memory_space<vmem>>
        %dma_start3A_247 = arith.constant 0 : i32
        %dma_start3A_248 = arith.constant 0 : i32
        %dma_start3A_249 = tpu.memref_slice %arg4[%dma_start3A_247, %dma_start3A_248] : memref<10000x128xf32, #tpu.memory_space<hbm>> -> memref<10000x128xf32, #tpu.memory_space<hbm>>
        tpu.enqueue_indirect_dma source(%dma_start3A_249 : memref<10000x128xf32, #tpu.memory_space<hbm>>) target(%arg8 : memref<128x128xf32, #tpu.memory_space<vmem>>) offsets(%dma_start3A_246 : memref<128xi32, #tpu.memory_space<vmem>>) semaphore(%arg18 : memref<!tpu.dma_semaphore, #tpu.memory_space<semaphore_mem>>)
      } else {
      }
      %mul3A_138 = arith.constant 128 : i32
      %mul3A_139 = arith.muli %add3A_109, %mul3A_138 : i32
      %add3A_140 = arith.addi %mul3A_4, %mul3A_139 : i32
      %dma_wait3A_141 = tpu.memref_slice %arg3[%add3A_140] : memref<331776xi32, #tpu.memory_space<hbm>> -> memref<128xi32, #tpu.memory_space<hbm>>
      %dma_wait3A_142 = tpu.memref_slice %arg3[%add3A_140] : memref<331776xi32, #tpu.memory_space<hbm>> -> memref<128xi32, #tpu.memory_space<hbm>>
      tpu.wait_dma2 semaphore(%arg22 : memref<!tpu.dma_semaphore, #tpu.memory_space<semaphore_mem>>) src(%dma_wait3A_142 : memref<128xi32, #tpu.memory_space<hbm>>) dst(%arg12 : memref<128xi32, #tpu.memory_space<vmem>>)
      %dma_start3A_143 = arith.constant 0 : i32
      %dma_start3A_144 = arith.constant 0 : i32
      %dma_start3A_145 = tpu.memref_slice %arg15[%dma_start3A_143, %dma_start3A_144] : memref<10000x128xf32, #tpu.memory_space<vmem_shared>> -> memref<10000x128xf32, #tpu.memory_space<vmem_shared>>
      tpu.enqueue_indirect_dma source(%arg6 : memref<128x128xf32, #tpu.memory_space<vmem>>) target(%dma_start3A_145 : memref<10000x128xf32, #tpu.memory_space<vmem_shared>>) offsets(%arg12 : memref<128xi32, #tpu.memory_space<vmem>>) semaphore(%arg19 : memref<!tpu.dma_semaphore, #tpu.memory_space<semaphore_mem>>) {add = true}
      %mul3A_146 = arith.constant 3 : i32
      %mul3A_147 = arith.muli %scan3A_105, %mul3A_146 : i32
      %add3A_148 = arith.constant 1 : i32
      %add3A_149 = arith.addi %mul3A_147, %add3A_148 : i32
      %add3A_150 = arith.constant 2 : i32
      %add3A_151 = arith.addi %add3A_149, %add3A_150 : i32
      %lt3A_152 = arith.constant 81 : i32
      %lt3A_153 = arith.cmpi slt, %add3A_151, %lt3A_152 : i32
      %dma_wait3A_154 = arith.constant 1 : i32
      %dma_wait3A_155 = arith.constant 0 : i32
      %dma_wait3A_156 = tpu.memref_slice %arg10[%dma_wait3A_154, %dma_wait3A_155] : memref<2x128xi32, #tpu.memory_space<vmem>> -> memref<1x128xi32, #tpu.memory_space<vmem>>
      %dma_wait3A_157 = tpu.memref_squeeze %dma_wait3A_156 : memref<1x128xi32, #tpu.memory_space<vmem>> -> memref<128xi32, #tpu.memory_space<vmem>>
      %dma_wait3A_158 = arith.constant 0 : i32
      %dma_wait3A_159 = arith.constant 0 : i32
      %dma_wait3A_160 = tpu.memref_slice %arg4[%dma_wait3A_158, %dma_wait3A_159] : memref<10000x128xf32, #tpu.memory_space<hbm>> -> memref<10000x128xf32, #tpu.memory_space<hbm>>
      tpu.wait_indirect_dma semaphore(%arg17 : memref<!tpu.dma_semaphore, #tpu.memory_space<semaphore_mem>>) src(%dma_wait3A_160 : memref<10000x128xf32, #tpu.memory_space<hbm>>) dst(%arg7 : memref<128x128xf32, #tpu.memory_space<vmem>>)
      %convert_element_type3A_161 = arith.extui %lt3A_153 : i1 to i32
      %cond3A_162 = arith.constant 0 : i32
      %cond3A_163 = arith.cmpi ne, %convert_element_type3A_161, %cond3A_162 : i32
      scf.if %cond3A_163 {
        %add3A_232 = arith.addi %mul3A_2, %add3A_149 : i32
        %add3A_233 = arith.constant 2 : i32
        %add3A_234 = arith.addi %add3A_232, %add3A_233 : i32
        %dma_start3A_235 = arith.constant 0 : i32
        %dma_start3A_236 = arith.constant 0 : i32
        %dma_start3A_237 = tpu.memref_slice %arg2[%add3A_234, %dma_start3A_235, %dma_start3A_236] : memref<2592x2x128xi32, #tpu.memory_space<hbm>> -> memref<1x2x128xi32, #tpu.memory_space<hbm>>
        %dma_start3A_238 = tpu.memref_squeeze %dma_start3A_237 : memref<1x2x128xi32, #tpu.memory_space<hbm>> -> memref<2x128xi32, #tpu.memory_space<hbm>>
        %dma_start3A_239 = arith.constant 0 : i32
        %dma_start3A_240 = arith.constant 0 : i32
        %dma_start3A_241 = tpu.memref_slice %arg2[%add3A_234, %dma_start3A_239, %dma_start3A_240] : memref<2592x2x128xi32, #tpu.memory_space<hbm>> -> memref<1x2x128xi32, #tpu.memory_space<hbm>>
        %dma_start3A_242 = tpu.memref_squeeze %dma_start3A_241 : memref<1x2x128xi32, #tpu.memory_space<hbm>> -> memref<2x128xi32, #tpu.memory_space<hbm>>
        tpu.enqueue_dma source(%dma_start3A_242 : memref<2x128xi32, #tpu.memory_space<hbm>>) target(%arg9 : memref<2x128xi32, #tpu.memory_space<vmem>>) target_semaphore(%arg25 : memref<!tpu.dma_semaphore, #tpu.memory_space<semaphore_mem>>)
      } else {
      }
      %mul3A_164 = arith.constant 128 : i32
      %mul3A_165 = arith.muli %add3A_149, %mul3A_164 : i32
      %add3A_166 = arith.addi %mul3A_4, %mul3A_165 : i32
      %dma_start3A_167 = tpu.memref_slice %arg3[%add3A_166] : memref<331776xi32, #tpu.memory_space<hbm>> -> memref<128xi32, #tpu.memory_space<hbm>>
      %dma_start3A_168 = tpu.memref_slice %arg3[%add3A_166] : memref<331776xi32, #tpu.memory_space<hbm>> -> memref<128xi32, #tpu.memory_space<hbm>>
      tpu.enqueue_dma source(%dma_start3A_168 : memref<128xi32, #tpu.memory_space<hbm>>) target(%arg13 : memref<128xi32, #tpu.memory_space<vmem>>) target_semaphore(%arg23 : memref<!tpu.dma_semaphore, #tpu.memory_space<semaphore_mem>>)
      %parallel_loop3A_169 = arith.constant 0 : i32
      %parallel_loop3A_170 = arith.constant 128 : i32
      %parallel_loop3A_171 = arith.constant 1 : i32
      scf.for %parallel_loop3A_232 = %parallel_loop3A_169 to %parallel_loop3A_170 step %parallel_loop3A_171  : i32 {
        %parallel_loop3A_233 = arith.constant 0 : i32
        %parallel_loop3A_234 = arith.index_cast %parallel_loop3A_233 : i32 to index
        %parallel_loop3A_235 = arith.index_cast %parallel_loop3A_232 : i32 to index
        %parallel_loop3A_236 = tpu.vector_load %arg10[%parallel_loop3A_234, %parallel_loop3A_235] {strides = array<i32>} : memref<2x128xi32, #tpu.memory_space<vmem>>, vector<1x16xi32>,
        %parallel_loop3A_237 = vector.shape_cast %parallel_loop3A_236 : vector<1x16xi32> to vector<16xi32>
        %parallel_loop3A_238 = vector.extract_strided_slice %parallel_loop3A_237 {offsets = [0], sizes = [1], strides = [1]} : vector<16xi32> to vector<1xi32>
        %parallel_loop3A_239 = vector.extract %parallel_loop3A_238[0] : i32 from vector<1xi32>
        %parallel_loop3A_240 = arith.bitcast %parallel_loop3A_239 : i32 to f32
        %parallel_loop3A_241 = arith.index_cast %parallel_loop3A_232 : i32 to index
        %parallel_loop3A_242 = arith.constant 0 : index
        %parallel_loop3A_243 = tpu.vector_load %arg7[%parallel_loop3A_241, %parallel_loop3A_242] {strides = array<i32>} : memref<128x128xf32, #tpu.memory_space<vmem>>, vector<1x16xf32>,
        %parallel_loop3A_244 = vector.shape_cast %parallel_loop3A_243 : vector<1x16xf32> to vector<16xf32>
        %parallel_loop3A_245 = vector.broadcast %parallel_loop3A_240 : f32 to vector<16xf32>
        %parallel_loop3A_246 = arith.mulf %parallel_loop3A_244, %parallel_loop3A_245 : vector<16xf32>
        %parallel_loop3A_247 = arith.index_cast %parallel_loop3A_232 : i32 to index
        %parallel_loop3A_248 = arith.constant 0 : index
        %parallel_loop3A_249 = tpu.vector_load %arg7[%parallel_loop3A_247, %parallel_loop3A_248] {strides = array<i32>} : memref<128x128xf32, #tpu.memory_space<vmem>>, vector<1x16xf32>,
        %parallel_loop3A_250 = vector.shape_cast %parallel_loop3A_249 : vector<1x16xf32> to vector<16xf32>
        %parallel_loop3A_251 = vector.shape_cast %parallel_loop3A_246 : vector<16xf32> to vector<1x16xf32>
        tpu.vector_store %arg7[%parallel_loop3A_247, %parallel_loop3A_248], %parallel_loop3A_251 {strides = array<i32>} : memref<128x128xf32, #tpu.memory_space<vmem>>, vector<1x16xf32>,
        %parallel_loop3A_252 = arith.index_cast %parallel_loop3A_232 : i32 to index
        %parallel_loop3A_253 = arith.constant 16 : index
        %parallel_loop3A_254 = tpu.vector_load %arg7[%parallel_loop3A_252, %parallel_loop3A_253] {strides = array<i32>} : memref<128x128xf32, #tpu.memory_space<vmem>>, vector<1x16xf32>,
        %parallel_loop3A_255 = vector.shape_cast %parallel_loop3A_254 : vector<1x16xf32> to vector<16xf32>
        %parallel_loop3A_256 = vector.broadcast %parallel_loop3A_240 : f32 to vector<16xf32>
        %parallel_loop3A_257 = arith.mulf %parallel_loop3A_255, %parallel_loop3A_256 : vector<16xf32>
        %parallel_loop3A_258 = arith.index_cast %parallel_loop3A_232 : i32 to index
        %parallel_loop3A_259 = arith.constant 16 : index
        %parallel_loop3A_260 = tpu.vector_load %arg7[%parallel_loop3A_258, %parallel_loop3A_259] {strides = array<i32>} : memref<128x128xf32, #tpu.memory_space<vmem>>, vector<1x16xf32>,
        %parallel_loop3A_261 = vector.shape_cast %parallel_loop3A_260 : vector<1x16xf32> to vector<16xf32>
        %parallel_loop3A_262 = vector.shape_cast %parallel_loop3A_257 : vector<16xf32> to vector<1x16xf32>
        tpu.vector_store %arg7[%parallel_loop3A_258, %parallel_loop3A_259], %parallel_loop3A_262 {strides = array<i32>} : memref<128x128xf32, #tpu.memory_space<vmem>>, vector<1x16xf32>,
        %parallel_loop3A_263 = arith.index_cast %parallel_loop3A_232 : i32 to index
        %parallel_loop3A_264 = arith.constant 32 : index
        %parallel_loop3A_265 = tpu.vector_load %arg7[%parallel_loop3A_263, %parallel_loop3A_264] {strides = array<i32>} : memref<128x128xf32, #tpu.memory_space<vmem>>, vector<1x16xf32>,
        %parallel_loop3A_266 = vector.shape_cast %parallel_loop3A_265 : vector<1x16xf32> to vector<16xf32>
        %parallel_loop3A_267 = vector.broadcast %parallel_loop3A_240 : f32 to vector<16xf32>
        %parallel_loop3A_268 = arith.mulf %parallel_loop3A_266, %parallel_loop3A_267 : vector<16xf32>
        %parallel_loop3A_269 = arith.index_cast %parallel_loop3A_232 : i32 to index
        %parallel_loop3A_270 = arith.constant 32 : index
        %parallel_loop3A_271 = tpu.vector_load %arg7[%parallel_loop3A_269, %parallel_loop3A_270] {strides = array<i32>} : memref<128x128xf32, #tpu.memory_space<vmem>>, vector<1x16xf32>,
        %parallel_loop3A_272 = vector.shape_cast %parallel_loop3A_271 : vector<1x16xf32> to vector<16xf32>
        %parallel_loop3A_273 = vector.shape_cast %parallel_loop3A_268 : vector<16xf32> to vector<1x16xf32>
        tpu.vector_store %arg7[%parallel_loop3A_269, %parallel_loop3A_270], %parallel_loop3A_273 {strides = array<i32>} : memref<128x128xf32, #tpu.memory_space<vmem>>, vector<1x16xf32>,
        %parallel_loop3A_274 = arith.index_cast %parallel_loop3A_232 : i32 to index
        %parallel_loop3A_275 = arith.constant 48 : index
        %parallel_loop3A_276 = tpu.vector_load %arg7[%parallel_loop3A_274, %parallel_loop3A_275] {strides = array<i32>} : memref<128x128xf32, #tpu.memory_space<vmem>>, vector<1x16xf32>,
        %parallel_loop3A_277 = vector.shape_cast %parallel_loop3A_276 : vector<1x16xf32> to vector<16xf32>
        %parallel_loop3A_278 = vector.broadcast %parallel_loop3A_240 : f32 to vector<16xf32>
        %parallel_loop3A_279 = arith.mulf %parallel_loop3A_277, %parallel_loop3A_278 : vector<16xf32>
        %parallel_loop3A_280 = arith.index_cast %parallel_loop3A_232 : i32 to index
        %parallel_loop3A_281 = arith.constant 48 : index
        %parallel_loop3A_282 = tpu.vector_load %arg7[%parallel_loop3A_280, %parallel_loop3A_281] {strides = array<i32>} : memref<128x128xf32, #tpu.memory_space<vmem>>, vector<1x16xf32>,
        %parallel_loop3A_283 = vector.shape_cast %parallel_loop3A_282 : vector<1x16xf32> to vector<16xf32>
        %parallel_loop3A_284 = vector.shape_cast %parallel_loop3A_279 : vector<16xf32> to vector<1x16xf32>
        tpu.vector_store %arg7[%parallel_loop3A_280, %parallel_loop3A_281], %parallel_loop3A_284 {strides = array<i32>} : memref<128x128xf32, #tpu.memory_space<vmem>>, vector<1x16xf32>,
        %parallel_loop3A_285 = arith.index_cast %parallel_loop3A_232 : i32 to index
        %parallel_loop3A_286 = arith.constant 64 : index
        %parallel_loop3A_287 = tpu.vector_load %arg7[%parallel_loop3A_285, %parallel_loop3A_286] {strides = array<i32>} : memref<128x128xf32, #tpu.memory_space<vmem>>, vector<1x16xf32>,
        %parallel_loop3A_288 = vector.shape_cast %parallel_loop3A_287 : vector<1x16xf32> to vector<16xf32>
        %parallel_loop3A_289 = vector.broadcast %parallel_loop3A_240 : f32 to vector<16xf32>
        %parallel_loop3A_290 = arith.mulf %parallel_loop3A_288, %parallel_loop3A_289 : vector<16xf32>
        %parallel_loop3A_291 = arith.index_cast %parallel_loop3A_232 : i32 to index
        %parallel_loop3A_292 = arith.constant 64 : index
        %parallel_loop3A_293 = tpu.vector_load %arg7[%parallel_loop3A_291, %parallel_loop3A_292] {strides = array<i32>} : memref<128x128xf32, #tpu.memory_space<vmem>>, vector<1x16xf32>,
        %parallel_loop3A_294 = vector.shape_cast %parallel_loop3A_293 : vector<1x16xf32> to vector<16xf32>
        %parallel_loop3A_295 = vector.shape_cast %parallel_loop3A_290 : vector<16xf32> to vector<1x16xf32>
        tpu.vector_store %arg7[%parallel_loop3A_291, %parallel_loop3A_292], %parallel_loop3A_295 {strides = array<i32>} : memref<128x128xf32, #tpu.memory_space<vmem>>, vector<1x16xf32>,
        %parallel_loop3A_296 = arith.index_cast %parallel_loop3A_232 : i32 to index
        %parallel_loop3A_297 = arith.constant 80 : index
        %parallel_loop3A_298 = tpu.vector_load %arg7[%parallel_loop3A_296, %parallel_loop3A_297] {strides = array<i32>} : memref<128x128xf32, #tpu.memory_space<vmem>>, vector<1x16xf32>,
        %parallel_loop3A_299 = vector.shape_cast %parallel_loop3A_298 : vector<1x16xf32> to vector<16xf32>
        %parallel_loop3A_300 = vector.broadcast %parallel_loop3A_240 : f32 to vector<16xf32>
        %parallel_loop3A_301 = arith.mulf %parallel_loop3A_299, %parallel_loop3A_300 : vector<16xf32>
        %parallel_loop3A_302 = arith.index_cast %parallel_loop3A_232 : i32 to index
        %parallel_loop3A_303 = arith.constant 80 : index
        %parallel_loop3A_304 = tpu.vector_load %arg7[%parallel_loop3A_302, %parallel_loop3A_303] {strides = array<i32>} : memref<128x128xf32, #tpu.memory_space<vmem>>, vector<1x16xf32>,
        %parallel_loop3A_305 = vector.shape_cast %parallel_loop3A_304 : vector<1x16xf32> to vector<16xf32>
        %parallel_loop3A_306 = vector.shape_cast %parallel_loop3A_301 : vector<16xf32> to vector<1x16xf32>
        tpu.vector_store %arg7[%parallel_loop3A_302, %parallel_loop3A_303], %parallel_loop3A_306 {strides = array<i32>} : memref<128x128xf32, #tpu.memory_space<vmem>>, vector<1x16xf32>,
        %parallel_loop3A_307 = arith.index_cast %parallel_loop3A_232 : i32 to index
        %parallel_loop3A_308 = arith.constant 96 : index
        %parallel_loop3A_309 = tpu.vector_load %arg7[%parallel_loop3A_307, %parallel_loop3A_308] {strides = array<i32>} : memref<128x128xf32, #tpu.memory_space<vmem>>, vector<1x16xf32>,
        %parallel_loop3A_310 = vector.shape_cast %parallel_loop3A_309 : vector<1x16xf32> to vector<16xf32>
        %parallel_loop3A_311 = vector.broadcast %parallel_loop3A_240 : f32 to vector<16xf32>
        %parallel_loop3A_312 = arith.mulf %parallel_loop3A_310, %parallel_loop3A_311 : vector<16xf32>
        %parallel_loop3A_313 = arith.index_cast %parallel_loop3A_232 : i32 to index
        %parallel_loop3A_314 = arith.constant 96 : index
        %parallel_loop3A_315 = tpu.vector_load %arg7[%parallel_loop3A_313, %parallel_loop3A_314] {strides = array<i32>} : memref<128x128xf32, #tpu.memory_space<vmem>>, vector<1x16xf32>,
        %parallel_loop3A_316 = vector.shape_cast %parallel_loop3A_315 : vector<1x16xf32> to vector<16xf32>
        %parallel_loop3A_317 = vector.shape_cast %parallel_loop3A_312 : vector<16xf32> to vector<1x16xf32>
        tpu.vector_store %arg7[%parallel_loop3A_313, %parallel_loop3A_314], %parallel_loop3A_317 {strides = array<i32>} : memref<128x128xf32, #tpu.memory_space<vmem>>, vector<1x16xf32>,
        %parallel_loop3A_318 = arith.index_cast %parallel_loop3A_232 : i32 to index
        %parallel_loop3A_319 = arith.constant 112 : index
        %parallel_loop3A_320 = tpu.vector_load %arg7[%parallel_loop3A_318, %parallel_loop3A_319] {strides = array<i32>} : memref<128x128xf32, #tpu.memory_space<vmem>>, vector<1x16xf32>,
        %parallel_loop3A_321 = vector.shape_cast %parallel_loop3A_320 : vector<1x16xf32> to vector<16xf32>
        %parallel_loop3A_322 = vector.broadcast %parallel_loop3A_240 : f32 to vector<16xf32>
        %parallel_loop3A_323 = arith.mulf %parallel_loop3A_321, %parallel_loop3A_322 : vector<16xf32>
        %parallel_loop3A_324 = arith.index_cast %parallel_loop3A_232 : i32 to index
        %parallel_loop3A_325 = arith.constant 112 : index
        %parallel_loop3A_326 = tpu.vector_load %arg7[%parallel_loop3A_324, %parallel_loop3A_325] {strides = array<i32>} : memref<128x128xf32, #tpu.memory_space<vmem>>, vector<1x16xf32>,
        %parallel_loop3A_327 = vector.shape_cast %parallel_loop3A_326 : vector<1x16xf32> to vector<16xf32>
        %parallel_loop3A_328 = vector.shape_cast %parallel_loop3A_323 : vector<16xf32> to vector<1x16xf32>
        tpu.vector_store %arg7[%parallel_loop3A_324, %parallel_loop3A_325], %parallel_loop3A_328 {strides = array<i32>} : memref<128x128xf32, #tpu.memory_space<vmem>>, vector<1x16xf32>,
      } {sc.loop_unroll_factor = 4 : i64, sc.parallel_access}
      %ge3A_172 = arith.constant 1 : i32
      %ge3A_173 = arith.cmpi sge, %add3A_149, %ge3A_172 : i32
      %and3A_174 = arith.andi %ge3A_173, %lt3A_153 : i1
      %convert_element_type3A_175 = arith.extui %and3A_174 : i1 to i32
      %cond3A_176 = arith.constant 0 : i32
      %cond3A_177 = arith.cmpi ne, %convert_element_type3A_175, %cond3A_176 : i32
      scf.if %cond3A_177 {
        %dma_wait3A_232 = arith.constant 0 : i32
        %dma_wait3A_233 = arith.constant 0 : i32
        %dma_wait3A_234 = tpu.memref_slice %arg15[%dma_wait3A_232, %dma_wait3A_233] : memref<10000x128xf32, #tpu.memory_space<vmem_shared>> -> memref<10000x128xf32, #tpu.memory_space<vmem_shared>>
        tpu.wait_indirect_dma semaphore(%arg19 : memref<!tpu.dma_semaphore, #tpu.memory_space<semaphore_mem>>) src(%arg6 : memref<128x128xf32, #tpu.memory_space<vmem>>) dst(%dma_wait3A_234 : memref<10000x128xf32, #tpu.memory_space<vmem_shared>>)
      } else {
      }
      %convert_element_type3A_178 = arith.extui %lt3A_153 : i1 to i32
      %cond3A_179 = arith.constant 0 : i32
      %cond3A_180 = arith.cmpi ne, %convert_element_type3A_178, %cond3A_179 : i32
      scf.if %cond3A_180 {
        %add3A_232 = arith.addi %mul3A_2, %add3A_149 : i32
        %add3A_233 = arith.constant 2 : i32
        %add3A_234 = arith.addi %add3A_232, %add3A_233 : i32
        %dma_wait3A_235 = arith.constant 0 : i32
        %dma_wait3A_236 = arith.constant 0 : i32
        %dma_wait3A_237 = tpu.memref_slice %arg2[%add3A_234, %dma_wait3A_235, %dma_wait3A_236] : memref<2592x2x128xi32, #tpu.memory_space<hbm>> -> memref<1x2x128xi32, #tpu.memory_space<hbm>>
        %dma_wait3A_238 = tpu.memref_squeeze %dma_wait3A_237 : memref<1x2x128xi32, #tpu.memory_space<hbm>> -> memref<2x128xi32, #tpu.memory_space<hbm>>
        %dma_wait3A_239 = arith.constant 0 : i32
        %dma_wait3A_240 = arith.constant 0 : i32
        %dma_wait3A_241 = tpu.memref_slice %arg2[%add3A_234, %dma_wait3A_239, %dma_wait3A_240] : memref<2592x2x128xi32, #tpu.memory_space<hbm>> -> memref<1x2x128xi32, #tpu.memory_space<hbm>>
        %dma_wait3A_242 = tpu.memref_squeeze %dma_wait3A_241 : memref<1x2x128xi32, #tpu.memory_space<hbm>> -> memref<2x128xi32, #tpu.memory_space<hbm>>
        tpu.wait_dma2 semaphore(%arg25 : memref<!tpu.dma_semaphore, #tpu.memory_space<semaphore_mem>>) src(%dma_wait3A_242 : memref<2x128xi32, #tpu.memory_space<hbm>>) dst(%arg9 : memref<2x128xi32, #tpu.memory_space<vmem>>)
        %dma_start3A_243 = arith.constant 1 : i32
        %dma_start3A_244 = arith.constant 0 : i32
        %dma_start3A_245 = tpu.memref_slice %arg9[%dma_start3A_243, %dma_start3A_244] : memref<2x128xi32, #tpu.memory_space<vmem>> -> memref<1x128xi32, #tpu.memory_space<vmem>>
        %dma_start3A_246 = tpu.memref_squeeze %dma_start3A_245 : memref<1x128xi32, #tpu.memory_space<vmem>> -> memref<128xi32, #tpu.memory_space<vmem>>
        %dma_start3A_247 = arith.constant 0 : i32
        %dma_start3A_248 = arith.constant 0 : i32
        %dma_start3A_249 = tpu.memref_slice %arg4[%dma_start3A_247, %dma_start3A_248] : memref<10000x128xf32, #tpu.memory_space<hbm>> -> memref<10000x128xf32, #tpu.memory_space<hbm>>
        tpu.enqueue_indirect_dma source(%dma_start3A_249 : memref<10000x128xf32, #tpu.memory_space<hbm>>) target(%arg6 : memref<128x128xf32, #tpu.memory_space<vmem>>) offsets(%dma_start3A_246 : memref<128xi32, #tpu.memory_space<vmem>>) semaphore(%arg16 : memref<!tpu.dma_semaphore, #tpu.memory_space<semaphore_mem>>)
      } else {
      }
      %mul3A_181 = arith.constant 128 : i32
      %mul3A_182 = arith.muli %add3A_149, %mul3A_181 : i32
      %add3A_183 = arith.addi %mul3A_4, %mul3A_182 : i32
      %dma_wait3A_184 = tpu.memref_slice %arg3[%add3A_183] : memref<331776xi32, #tpu.memory_space<hbm>> -> memref<128xi32, #tpu.memory_space<hbm>>
      %dma_wait3A_185 = tpu.memref_slice %arg3[%add3A_183] : memref<331776xi32, #tpu.memory_space<hbm>> -> memref<128xi32, #tpu.memory_space<hbm>>
      tpu.wait_dma2 semaphore(%arg23 : memref<!tpu.dma_semaphore, #tpu.memory_space<semaphore_mem>>) src(%dma_wait3A_185 : memref<128xi32, #tpu.memory_space<hbm>>) dst(%arg13 : memref<128xi32, #tpu.memory_space<vmem>>)
      %dma_start3A_186 = arith.constant 0 : i32
      %dma_start3A_187 = arith.constant 0 : i32
      %dma_start3A_188 = tpu.memref_slice %arg15[%dma_start3A_186, %dma_start3A_187] : memref<10000x128xf32, #tpu.memory_space<vmem_shared>> -> memref<10000x128xf32, #tpu.memory_space<vmem_shared>>
      tpu.enqueue_indirect_dma source(%arg7 : memref<128x128xf32, #tpu.memory_space<vmem>>) target(%dma_start3A_188 : memref<10000x128xf32, #tpu.memory_space<vmem_shared>>) offsets(%arg13 : memref<128xi32, #tpu.memory_space<vmem>>) semaphore(%arg20 : memref<!tpu.dma_semaphore, #tpu.memory_space<semaphore_mem>>) {add = true}
      %mul3A_189 = arith.constant 3 : i32
      %mul3A_190 = arith.muli %scan3A_105, %mul3A_189 : i32
      %add3A_191 = arith.constant 2 : i32
      %add3A_192 = arith.addi %mul3A_190, %add3A_191 : i32
      %add3A_193 = arith.constant 2 : i32
      %add3A_194 = arith.addi %add3A_192, %add3A_193 : i32
      %lt3A_195 = arith.constant 81 : i32
      %lt3A_196 = arith.cmpi slt, %add3A_194, %lt3A_195 : i32
      %dma_wait3A_197 = arith.constant 1 : i32
      %dma_wait3A_198 = arith.constant 0 : i32
      %dma_wait3A_199 = tpu.memref_slice %arg11[%dma_wait3A_197, %dma_wait3A_198] : memref<2x128xi32, #tpu.memory_space<vmem>> -> memref<1x128xi32, #tpu.memory_space<vmem>>
      %dma_wait3A_200 = tpu.memref_squeeze %dma_wait3A_199 : memref<1x128xi32, #tpu.memory_space<vmem>> -> memref<128xi32, #tpu.memory_space<vmem>>
      %dma_wait3A_201 = arith.constant 0 : i32
      %dma_wait3A_202 = arith.constant 0 : i32
      %dma_wait3A_203 = tpu.memref_slice %arg4[%dma_wait3A_201, %dma_wait3A_202] : memref<10000x128xf32, #tpu.memory_space<hbm>> -> memref<10000x128xf32, #tpu.memory_space<hbm>>
      tpu.wait_indirect_dma semaphore(%arg18 : memref<!tpu.dma_semaphore, #tpu.memory_space<semaphore_mem>>) src(%dma_wait3A_203 : memref<10000x128xf32, #tpu.memory_space<hbm>>) dst(%arg8 : memref<128x128xf32, #tpu.memory_space<vmem>>)
      %convert_element_type3A_204 = arith.extui %lt3A_196 : i1 to i32
      %cond3A_205 = arith.constant 0 : i32
      %cond3A_206 = arith.cmpi ne, %convert_element_type3A_204, %cond3A_205 : i32
      scf.if %cond3A_206 {
        %add3A_232 = arith.addi %mul3A_2, %add3A_192 : i32
        %add3A_233 = arith.constant 2 : i32
        %add3A_234 = arith.addi %add3A_232, %add3A_233 : i32
        %dma_start3A_235 = arith.constant 0 : i32
        %dma_start3A_236 = arith.constant 0 : i32
        %dma_start3A_237 = tpu.memref_slice %arg2[%add3A_234, %dma_start3A_235, %dma_start3A_236] : memref<2592x2x128xi32, #tpu.memory_space<hbm>> -> memref<1x2x128xi32, #tpu.memory_space<hbm>>
        %dma_start3A_238 = tpu.memref_squeeze %dma_start3A_237 : memref<1x2x128xi32, #tpu.memory_space<hbm>> -> memref<2x128xi32, #tpu.memory_space<hbm>>
        %dma_start3A_239 = arith.constant 0 : i32
        %dma_start3A_240 = arith.constant 0 : i32
        %dma_start3A_241 = tpu.memref_slice %arg2[%add3A_234, %dma_start3A_239, %dma_start3A_240] : memref<2592x2x128xi32, #tpu.memory_space<hbm>> -> memref<1x2x128xi32, #tpu.memory_space<hbm>>
        %dma_start3A_242 = tpu.memref_squeeze %dma_start3A_241 : memref<1x2x128xi32, #tpu.memory_space<hbm>> -> memref<2x128xi32, #tpu.memory_space<hbm>>
        tpu.enqueue_dma source(%dma_start3A_242 : memref<2x128xi32, #tpu.memory_space<hbm>>) target(%arg10 : memref<2x128xi32, #tpu.memory_space<vmem>>) target_semaphore(%arg26 : memref<!tpu.dma_semaphore, #tpu.memory_space<semaphore_mem>>)
      } else {
      }
      %mul3A_207 = arith.constant 128 : i32
      %mul3A_208 = arith.muli %add3A_192, %mul3A_207 : i32
      %add3A_209 = arith.addi %mul3A_4, %mul3A_208 : i32
      %dma_start3A_210 = tpu.memref_slice %arg3[%add3A_209] : memref<331776xi32, #tpu.memory_space<hbm>> -> memref<128xi32, #tpu.memory_space<hbm>>
      %dma_start3A_211 = tpu.memref_slice %arg3[%add3A_209] : memref<331776xi32, #tpu.memory_space<hbm>> -> memref<128xi32, #tpu.memory_space<hbm>>
      tpu.enqueue_dma source(%dma_start3A_211 : memref<128xi32, #tpu.memory_space<hbm>>) target(%arg14 : memref<128xi32, #tpu.memory_space<vmem>>) target_semaphore(%arg24 : memref<!tpu.dma_semaphore, #tpu.memory_space<semaphore_mem>>)
      %parallel_loop3A_212 = arith.constant 0 : i32
      %parallel_loop3A_213 = arith.constant 128 : i32
      %parallel_loop3A_214 = arith.constant 1 : i32
      scf.for %parallel_loop3A_232 = %parallel_loop3A_212 to %parallel_loop3A_213 step %parallel_loop3A_214  : i32 {
        %parallel_loop3A_233 = arith.constant 0 : i32
        %parallel_loop3A_234 = arith.index_cast %parallel_loop3A_233 : i32 to index
        %parallel_loop3A_235 = arith.index_cast %parallel_loop3A_232 : i32 to index
        %parallel_loop3A_236 = tpu.vector_load %arg11[%parallel_loop3A_234, %parallel_loop3A_235] {strides = array<i32>} : memref<2x128xi32, #tpu.memory_space<vmem>>, vector<1x16xi32>,
        %parallel_loop3A_237 = vector.shape_cast %parallel_loop3A_236 : vector<1x16xi32> to vector<16xi32>
        %parallel_loop3A_238 = vector.extract_strided_slice %parallel_loop3A_237 {offsets = [0], sizes = [1], strides = [1]} : vector<16xi32> to vector<1xi32>
        %parallel_loop3A_239 = vector.extract %parallel_loop3A_238[0] : i32 from vector<1xi32>
        %parallel_loop3A_240 = arith.bitcast %parallel_loop3A_239 : i32 to f32
        %parallel_loop3A_241 = arith.index_cast %parallel_loop3A_232 : i32 to index
        %parallel_loop3A_242 = arith.constant 0 : index
        %parallel_loop3A_243 = tpu.vector_load %arg8[%parallel_loop3A_241, %parallel_loop3A_242] {strides = array<i32>} : memref<128x128xf32, #tpu.memory_space<vmem>>, vector<1x16xf32>,
        %parallel_loop3A_244 = vector.shape_cast %parallel_loop3A_243 : vector<1x16xf32> to vector<16xf32>
        %parallel_loop3A_245 = vector.broadcast %parallel_loop3A_240 : f32 to vector<16xf32>
        %parallel_loop3A_246 = arith.mulf %parallel_loop3A_244, %parallel_loop3A_245 : vector<16xf32>
        %parallel_loop3A_247 = arith.index_cast %parallel_loop3A_232 : i32 to index
        %parallel_loop3A_248 = arith.constant 0 : index
        %parallel_loop3A_249 = tpu.vector_load %arg8[%parallel_loop3A_247, %parallel_loop3A_248] {strides = array<i32>} : memref<128x128xf32, #tpu.memory_space<vmem>>, vector<1x16xf32>,
        %parallel_loop3A_250 = vector.shape_cast %parallel_loop3A_249 : vector<1x16xf32> to vector<16xf32>
        %parallel_loop3A_251 = vector.shape_cast %parallel_loop3A_246 : vector<16xf32> to vector<1x16xf32>
        tpu.vector_store %arg8[%parallel_loop3A_247, %parallel_loop3A_248], %parallel_loop3A_251 {strides = array<i32>} : memref<128x128xf32, #tpu.memory_space<vmem>>, vector<1x16xf32>,
        %parallel_loop3A_252 = arith.index_cast %parallel_loop3A_232 : i32 to index
        %parallel_loop3A_253 = arith.constant 16 : index
        %parallel_loop3A_254 = tpu.vector_load %arg8[%parallel_loop3A_252, %parallel_loop3A_253] {strides = array<i32>} : memref<128x128xf32, #tpu.memory_space<vmem>>, vector<1x16xf32>,
        %parallel_loop3A_255 = vector.shape_cast %parallel_loop3A_254 : vector<1x16xf32> to vector<16xf32>
        %parallel_loop3A_256 = vector.broadcast %parallel_loop3A_240 : f32 to vector<16xf32>
        %parallel_loop3A_257 = arith.mulf %parallel_loop3A_255, %parallel_loop3A_256 : vector<16xf32>
        %parallel_loop3A_258 = arith.index_cast %parallel_loop3A_232 : i32 to index
        %parallel_loop3A_259 = arith.constant 16 : index
        %parallel_loop3A_260 = tpu.vector_load %arg8[%parallel_loop3A_258, %parallel_loop3A_259] {strides = array<i32>} : memref<128x128xf32, #tpu.memory_space<vmem>>, vector<1x16xf32>,
        %parallel_loop3A_261 = vector.shape_cast %parallel_loop3A_260 : vector<1x16xf32> to vector<16xf32>
        %parallel_loop3A_262 = vector.shape_cast %parallel_loop3A_257 : vector<16xf32> to vector<1x16xf32>
        tpu.vector_store %arg8[%parallel_loop3A_258, %parallel_loop3A_259], %parallel_loop3A_262 {strides = array<i32>} : memref<128x128xf32, #tpu.memory_space<vmem>>, vector<1x16xf32>,
        %parallel_loop3A_263 = arith.index_cast %parallel_loop3A_232 : i32 to index
        %parallel_loop3A_264 = arith.constant 32 : index
        %parallel_loop3A_265 = tpu.vector_load %arg8[%parallel_loop3A_263, %parallel_loop3A_264] {strides = array<i32>} : memref<128x128xf32, #tpu.memory_space<vmem>>, vector<1x16xf32>,
        %parallel_loop3A_266 = vector.shape_cast %parallel_loop3A_265 : vector<1x16xf32> to vector<16xf32>
        %parallel_loop3A_267 = vector.broadcast %parallel_loop3A_240 : f32 to vector<16xf32>
        %parallel_loop3A_268 = arith.mulf %parallel_loop3A_266, %parallel_loop3A_267 : vector<16xf32>
        %parallel_loop3A_269 = arith.index_cast %parallel_loop3A_232 : i32 to index
        %parallel_loop3A_270 = arith.constant 32 : index
        %parallel_loop3A_271 = tpu.vector_load %arg8[%parallel_loop3A_269, %parallel_loop3A_270] {strides = array<i32>} : memref<128x128xf32, #tpu.memory_space<vmem>>, vector<1x16xf32>,
        %parallel_loop3A_272 = vector.shape_cast %parallel_loop3A_271 : vector<1x16xf32> to vector<16xf32>
        %parallel_loop3A_273 = vector.shape_cast %parallel_loop3A_268 : vector<16xf32> to vector<1x16xf32>
        tpu.vector_store %arg8[%parallel_loop3A_269, %parallel_loop3A_270], %parallel_loop3A_273 {strides = array<i32>} : memref<128x128xf32, #tpu.memory_space<vmem>>, vector<1x16xf32>,
        %parallel_loop3A_274 = arith.index_cast %parallel_loop3A_232 : i32 to index
        %parallel_loop3A_275 = arith.constant 48 : index
        %parallel_loop3A_276 = tpu.vector_load %arg8[%parallel_loop3A_274, %parallel_loop3A_275] {strides = array<i32>} : memref<128x128xf32, #tpu.memory_space<vmem>>, vector<1x16xf32>,
        %parallel_loop3A_277 = vector.shape_cast %parallel_loop3A_276 : vector<1x16xf32> to vector<16xf32>
        %parallel_loop3A_278 = vector.broadcast %parallel_loop3A_240 : f32 to vector<16xf32>
        %parallel_loop3A_279 = arith.mulf %parallel_loop3A_277, %parallel_loop3A_278 : vector<16xf32>
        %parallel_loop3A_280 = arith.index_cast %parallel_loop3A_232 : i32 to index
        %parallel_loop3A_281 = arith.constant 48 : index
        %parallel_loop3A_282 = tpu.vector_load %arg8[%parallel_loop3A_280, %parallel_loop3A_281] {strides = array<i32>} : memref<128x128xf32, #tpu.memory_space<vmem>>, vector<1x16xf32>,
        %parallel_loop3A_283 = vector.shape_cast %parallel_loop3A_282 : vector<1x16xf32> to vector<16xf32>
        %parallel_loop3A_284 = vector.shape_cast %parallel_loop3A_279 : vector<16xf32> to vector<1x16xf32>
        tpu.vector_store %arg8[%parallel_loop3A_280, %parallel_loop3A_281], %parallel_loop3A_284 {strides = array<i32>} : memref<128x128xf32, #tpu.memory_space<vmem>>, vector<1x16xf32>,
        %parallel_loop3A_285 = arith.index_cast %parallel_loop3A_232 : i32 to index
        %parallel_loop3A_286 = arith.constant 64 : index
        %parallel_loop3A_287 = tpu.vector_load %arg8[%parallel_loop3A_285, %parallel_loop3A_286] {strides = array<i32>} : memref<128x128xf32, #tpu.memory_space<vmem>>, vector<1x16xf32>,
        %parallel_loop3A_288 = vector.shape_cast %parallel_loop3A_287 : vector<1x16xf32> to vector<16xf32>
        %parallel_loop3A_289 = vector.broadcast %parallel_loop3A_240 : f32 to vector<16xf32>
        %parallel_loop3A_290 = arith.mulf %parallel_loop3A_288, %parallel_loop3A_289 : vector<16xf32>
        %parallel_loop3A_291 = arith.index_cast %parallel_loop3A_232 : i32 to index
        %parallel_loop3A_292 = arith.constant 64 : index
        %parallel_loop3A_293 = tpu.vector_load %arg8[%parallel_loop3A_291, %parallel_loop3A_292] {strides = array<i32>} : memref<128x128xf32, #tpu.memory_space<vmem>>, vector<1x16xf32>,
        %parallel_loop3A_294 = vector.shape_cast %parallel_loop3A_293 : vector<1x16xf32> to vector<16xf32>
        %parallel_loop3A_295 = vector.shape_cast %parallel_loop3A_290 : vector<16xf32> to vector<1x16xf32>
        tpu.vector_store %arg8[%parallel_loop3A_291, %parallel_loop3A_292], %parallel_loop3A_295 {strides = array<i32>} : memref<128x128xf32, #tpu.memory_space<vmem>>, vector<1x16xf32>,
        %parallel_loop3A_296 = arith.index_cast %parallel_loop3A_232 : i32 to index
        %parallel_loop3A_297 = arith.constant 80 : index
        %parallel_loop3A_298 = tpu.vector_load %arg8[%parallel_loop3A_296, %parallel_loop3A_297] {strides = array<i32>} : memref<128x128xf32, #tpu.memory_space<vmem>>, vector<1x16xf32>,
        %parallel_loop3A_299 = vector.shape_cast %parallel_loop3A_298 : vector<1x16xf32> to vector<16xf32>
        %parallel_loop3A_300 = vector.broadcast %parallel_loop3A_240 : f32 to vector<16xf32>
        %parallel_loop3A_301 = arith.mulf %parallel_loop3A_299, %parallel_loop3A_300 : vector<16xf32>
        %parallel_loop3A_302 = arith.index_cast %parallel_loop3A_232 : i32 to index
        %parallel_loop3A_303 = arith.constant 80 : index
        %parallel_loop3A_304 = tpu.vector_load %arg8[%parallel_loop3A_302, %parallel_loop3A_303] {strides = array<i32>} : memref<128x128xf32, #tpu.memory_space<vmem>>, vector<1x16xf32>,
        %parallel_loop3A_305 = vector.shape_cast %parallel_loop3A_304 : vector<1x16xf32> to vector<16xf32>
        %parallel_loop3A_306 = vector.shape_cast %parallel_loop3A_301 : vector<16xf32> to vector<1x16xf32>
        tpu.vector_store %arg8[%parallel_loop3A_302, %parallel_loop3A_303], %parallel_loop3A_306 {strides = array<i32>} : memref<128x128xf32, #tpu.memory_space<vmem>>, vector<1x16xf32>,
        %parallel_loop3A_307 = arith.index_cast %parallel_loop3A_232 : i32 to index
        %parallel_loop3A_308 = arith.constant 96 : index
        %parallel_loop3A_309 = tpu.vector_load %arg8[%parallel_loop3A_307, %parallel_loop3A_308] {strides = array<i32>} : memref<128x128xf32, #tpu.memory_space<vmem>>, vector<1x16xf32>,
        %parallel_loop3A_310 = vector.shape_cast %parallel_loop3A_309 : vector<1x16xf32> to vector<16xf32>
        %parallel_loop3A_311 = vector.broadcast %parallel_loop3A_240 : f32 to vector<16xf32>
        %parallel_loop3A_312 = arith.mulf %parallel_loop3A_310, %parallel_loop3A_311 : vector<16xf32>
        %parallel_loop3A_313 = arith.index_cast %parallel_loop3A_232 : i32 to index
        %parallel_loop3A_314 = arith.constant 96 : index
        %parallel_loop3A_315 = tpu.vector_load %arg8[%parallel_loop3A_313, %parallel_loop3A_314] {strides = array<i32>} : memref<128x128xf32, #tpu.memory_space<vmem>>, vector<1x16xf32>,
        %parallel_loop3A_316 = vector.shape_cast %parallel_loop3A_315 : vector<1x16xf32> to vector<16xf32>
        %parallel_loop3A_317 = vector.shape_cast %parallel_loop3A_312 : vector<16xf32> to vector<1x16xf32>
        tpu.vector_store %arg8[%parallel_loop3A_313, %parallel_loop3A_314], %parallel_loop3A_317 {strides = array<i32>} : memref<128x128xf32, #tpu.memory_space<vmem>>, vector<1x16xf32>,
        %parallel_loop3A_318 = arith.index_cast %parallel_loop3A_232 : i32 to index
        %parallel_loop3A_319 = arith.constant 112 : index
        %parallel_loop3A_320 = tpu.vector_load %arg8[%parallel_loop3A_318, %parallel_loop3A_319] {strides = array<i32>} : memref<128x128xf32, #tpu.memory_space<vmem>>, vector<1x16xf32>,
        %parallel_loop3A_321 = vector.shape_cast %parallel_loop3A_320 : vector<1x16xf32> to vector<16xf32>
        %parallel_loop3A_322 = vector.broadcast %parallel_loop3A_240 : f32 to vector<16xf32>
        %parallel_loop3A_323 = arith.mulf %parallel_loop3A_321, %parallel_loop3A_322 : vector<16xf32>
        %parallel_loop3A_324 = arith.index_cast %parallel_loop3A_232 : i32 to index
        %parallel_loop3A_325 = arith.constant 112 : index
        %parallel_loop3A_326 = tpu.vector_load %arg8[%parallel_loop3A_324, %parallel_loop3A_325] {strides = array<i32>} : memref<128x128xf32, #tpu.memory_space<vmem>>, vector<1x16xf32>,
        %parallel_loop3A_327 = vector.shape_cast %parallel_loop3A_326 : vector<1x16xf32> to vector<16xf32>
        %parallel_loop3A_328 = vector.shape_cast %parallel_loop3A_323 : vector<16xf32> to vector<1x16xf32>
        tpu.vector_store %arg8[%parallel_loop3A_324, %parallel_loop3A_325], %parallel_loop3A_328 {strides = array<i32>} : memref<128x128xf32, #tpu.memory_space<vmem>>, vector<1x16xf32>,
      } {sc.loop_unroll_factor = 4 : i64, sc.parallel_access}
      %ge3A_215 = arith.constant 1 : i32
      %ge3A_216 = arith.cmpi sge, %add3A_192, %ge3A_215 : i32
      %and3A_217 = arith.andi %ge3A_216, %lt3A_196 : i1
      %convert_element_type3A_218 = arith.extui %and3A_217 : i1 to i32
      %cond3A_219 = arith.constant 0 : i32
      %cond3A_220 = arith.cmpi ne, %convert_element_type3A_218, %cond3A_219 : i32
      scf.if %cond3A_220 {
        %dma_wait3A_232 = arith.constant 0 : i32
        %dma_wait3A_233 = arith.constant 0 : i32
        %dma_wait3A_234 = tpu.memref_slice %arg15[%dma_wait3A_232, %dma_wait3A_233] : memref<10000x128xf32, #tpu.memory_space<vmem_shared>> -> memref<10000x128xf32, #tpu.memory_space<vmem_shared>>
        tpu.wait_indirect_dma semaphore(%arg20 : memref<!tpu.dma_semaphore, #tpu.memory_space<semaphore_mem>>) src(%arg7 : memref<128x128xf32, #tpu.memory_space<vmem>>) dst(%dma_wait3A_234 : memref<10000x128xf32, #tpu.memory_space<vmem_shared>>)
      } else {
      }
      %convert_element_type3A_221 = arith.extui %lt3A_196 : i1 to i32
      %cond3A_222 = arith.constant 0 : i32
      %cond3A_223 = arith.cmpi ne, %convert_element_type3A_221, %cond3A_222 : i32
      scf.if %cond3A_223 {
        %add3A_232 = arith.addi %mul3A_2, %add3A_192 : i32
        %add3A_233 = arith.constant 2 : i32
        %add3A_234 = arith.addi %add3A_232, %add3A_233 : i32
        %dma_wait3A_235 = arith.constant 0 : i32
        %dma_wait3A_236 = arith.constant 0 : i32
        %dma_wait3A_237 = tpu.memref_slice %arg2[%add3A_234, %dma_wait3A_235, %dma_wait3A_236] : memref<2592x2x128xi32, #tpu.memory_space<hbm>> -> memref<1x2x128xi32, #tpu.memory_space<hbm>>
        %dma_wait3A_238 = tpu.memref_squeeze %dma_wait3A_237 : memref<1x2x128xi32, #tpu.memory_space<hbm>> -> memref<2x128xi32, #tpu.memory_space<hbm>>
        %dma_wait3A_239 = arith.constant 0 : i32
        %dma_wait3A_240 = arith.constant 0 : i32
        %dma_wait3A_241 = tpu.memref_slice %arg2[%add3A_234, %dma_wait3A_239, %dma_wait3A_240] : memref<2592x2x128xi32, #tpu.memory_space<hbm>> -> memref<1x2x128xi32, #tpu.memory_space<hbm>>
        %dma_wait3A_242 = tpu.memref_squeeze %dma_wait3A_241 : memref<1x2x128xi32, #tpu.memory_space<hbm>> -> memref<2x128xi32, #tpu.memory_space<hbm>>
        tpu.wait_dma2 semaphore(%arg26 : memref<!tpu.dma_semaphore, #tpu.memory_space<semaphore_mem>>) src(%dma_wait3A_242 : memref<2x128xi32, #tpu.memory_space<hbm>>) dst(%arg10 : memref<2x128xi32, #tpu.memory_space<vmem>>)
        %dma_start3A_243 = arith.constant 1 : i32
        %dma_start3A_244 = arith.constant 0 : i32
        %dma_start3A_245 = tpu.memref_slice %arg10[%dma_start3A_243, %dma_start3A_244] : memref<2x128xi32, #tpu.memory_space<vmem>> -> memref<1x128xi32, #tpu.memory_space<vmem>>
        %dma_start3A_246 = tpu.memref_squeeze %dma_start3A_245 : memref<1x128xi32, #tpu.memory_space<vmem>> -> memref<128xi32, #tpu.memory_space<vmem>>
        %dma_start3A_247 = arith.constant 0 : i32
        %dma_start3A_248 = arith.constant 0 : i32
        %dma_start3A_249 = tpu.memref_slice %arg4[%dma_start3A_247, %dma_start3A_248] : memref<10000x128xf32, #tpu.memory_space<hbm>> -> memref<10000x128xf32, #tpu.memory_space<hbm>>
        tpu.enqueue_indirect_dma source(%dma_start3A_249 : memref<10000x128xf32, #tpu.memory_space<hbm>>) target(%arg7 : memref<128x128xf32, #tpu.memory_space<vmem>>) offsets(%dma_start3A_246 : memref<128xi32, #tpu.memory_space<vmem>>) semaphore(%arg17 : memref<!tpu.dma_semaphore, #tpu.memory_space<semaphore_mem>>)
      } else {
      }
      %mul3A_224 = arith.constant 128 : i32
      %mul3A_225 = arith.muli %add3A_192, %mul3A_224 : i32
      %add3A_226 = arith.addi %mul3A_4, %mul3A_225 : i32
      %dma_wait3A_227 = tpu.memref_slice %arg3[%add3A_226] : memref<331776xi32, #tpu.memory_space<hbm>> -> memref<128xi32, #tpu.memory_space<hbm>>
      %dma_wait3A_228 = tpu.memref_slice %arg3[%add3A_226] : memref<331776xi32, #tpu.memory_space<hbm>> -> memref<128xi32, #tpu.memory_space<hbm>>
      tpu.wait_dma2 semaphore(%arg24 : memref<!tpu.dma_semaphore, #tpu.memory_space<semaphore_mem>>) src(%dma_wait3A_228 : memref<128xi32, #tpu.memory_space<hbm>>) dst(%arg14 : memref<128xi32, #tpu.memory_space<vmem>>)
      %dma_start3A_229 = arith.constant 0 : i32
      %dma_start3A_230 = arith.constant 0 : i32
      %dma_start3A_231 = tpu.memref_slice %arg15[%dma_start3A_229, %dma_start3A_230] : memref<10000x128xf32, #tpu.memory_space<vmem_shared>> -> memref<10000x128xf32, #tpu.memory_space<vmem_shared>>
      tpu.enqueue_indirect_dma source(%arg8 : memref<128x128xf32, #tpu.memory_space<vmem>>) target(%dma_start3A_231 : memref<10000x128xf32, #tpu.memory_space<vmem_shared>>) offsets(%arg14 : memref<128xi32, #tpu.memory_space<vmem>>) semaphore(%arg21 : memref<!tpu.dma_semaphore, #tpu.memory_space<semaphore_mem>>) {add = true}
    }
    %scan3A_84 = arith.constant 27 : i32
    %dma_wait3A = arith.constant 0 : i32
    %dma_wait3A_85 = arith.constant 0 : i32
    %dma_wait3A_86 = tpu.memref_slice %arg15[%dma_wait3A, %dma_wait3A_85] : memref<10000x128xf32, #tpu.memory_space<vmem_shared>> -> memref<10000x128xf32, #tpu.memory_space<vmem_shared>>
    tpu.wait_indirect_dma semaphore(%arg19 : memref<!tpu.dma_semaphore, #tpu.memory_space<semaphore_mem>>) src(%arg6 : memref<128x128xf32, #tpu.memory_space<vmem>>) dst(%dma_wait3A_86 : memref<10000x128xf32, #tpu.memory_space<vmem_shared>>)
    %dma_wait3A_87 = arith.constant 0 : i32
    %dma_wait3A_88 = arith.constant 0 : i32
    %dma_wait3A_89 = tpu.memref_slice %arg15[%dma_wait3A_87, %dma_wait3A_88] : memref<10000x128xf32, #tpu.memory_space<vmem_shared>> -> memref<10000x128xf32, #tpu.memory_space<vmem_shared>>
    tpu.wait_indirect_dma semaphore(%arg20 : memref<!tpu.dma_semaphore, #tpu.memory_space<semaphore_mem>>) src(%arg7 : memref<128x128xf32, #tpu.memory_space<vmem>>) dst(%dma_wait3A_89 : memref<10000x128xf32, #tpu.memory_space<vmem_shared>>)
    %dma_wait3A_90 = arith.constant 0 : i32
    %dma_wait3A_91 = arith.constant 0 : i32
    %dma_wait3A_92 = tpu.memref_slice %arg15[%dma_wait3A_90, %dma_wait3A_91] : memref<10000x128xf32, #tpu.memory_space<vmem_shared>> -> memref<10000x128xf32, #tpu.memory_space<vmem_shared>>
    tpu.wait_indirect_dma semaphore(%arg21 : memref<!tpu.dma_semaphore, #tpu.memory_space<semaphore_mem>>) src(%arg8 : memref<128x128xf32, #tpu.memory_space<vmem>>) dst(%dma_wait3A_92 : memref<10000x128xf32, #tpu.memory_space<vmem_shared>>)
    %barrier3A_93 = arith.constant 0 : index
    tpu.barrier barrier_id(%barrier3A_93)
    %mul3A_94 = arith.constant 640 : i32
    %mul3A_95 = arith.muli %arg1, %mul3A_94 : i32
    %lt3A_96 = arith.constant 15 : i32
    %lt3A_97 = arith.cmpi slt, %arg1, %lt3A_96 : i32
    %convert_element_type3A_98 = arith.extui %lt3A_97 : i1 to i32
    %cond3A_99 = arith.constant 0 : i32
    %cond3A_100 = arith.cmpi ne, %convert_element_type3A_98, %cond3A_99 : i32
    scf.if %cond3A_100 {
      "tpu.region"() ({
        %run_scoped3A = tpu.sem_alloc : memref<!tpu.dma_semaphore, #tpu.memory_space<semaphore_mem>>
        %dma_start3A_105 = arith.constant 0 : i32
        %dma_start3A_106 = tpu.memref_slice %arg5[%arg0, %mul3A_95, %dma_start3A_105] : memref<2x10000x128xf32, #tpu.memory_space<hbm>> -> memref<1x640x128xf32, #tpu.memory_space<hbm>>
        %dma_start3A_107 = tpu.memref_squeeze %dma_start3A_106 : memref<1x640x128xf32, #tpu.memory_space<hbm>> -> memref<640x128xf32, #tpu.memory_space<hbm>>
        %dma_start3A_108 = arith.constant 0 : i32
        %dma_start3A_109 = tpu.memref_slice %arg15[%mul3A_95, %dma_start3A_108] : memref<10000x128xf32, #tpu.memory_space<vmem_shared>> -> memref<640x128xf32, #tpu.memory_space<vmem_shared>>
        tpu.enqueue_dma source(%dma_start3A_109 : memref<640x128xf32, #tpu.memory_space<vmem_shared>>) target(%dma_start3A_107 : memref<640x128xf32, #tpu.memory_space<hbm>>) target_semaphore(%run_scoped3A : memref<!tpu.dma_semaphore, #tpu.memory_space<semaphore_mem>>)
        %dma_wait3A_110 = arith.constant 0 : i32
        %dma_wait3A_111 = tpu.memref_slice %arg5[%arg0, %mul3A_95, %dma_wait3A_110] : memref<2x10000x128xf32, #tpu.memory_space<hbm>> -> memref<1x640x128xf32, #tpu.memory_space<hbm>>
        %dma_wait3A_112 = tpu.memref_squeeze %dma_wait3A_111 : memref<1x640x128xf32, #tpu.memory_space<hbm>> -> memref<640x128xf32, #tpu.memory_space<hbm>>
        %dma_wait3A_113 = arith.constant 0 : i32
        %dma_wait3A_114 = tpu.memref_slice %arg15[%mul3A_95, %dma_wait3A_113] : memref<10000x128xf32, #tpu.memory_space<vmem_shared>> -> memref<640x128xf32, #tpu.memory_space<vmem_shared>>
        tpu.wait_dma2 semaphore(%run_scoped3A : memref<!tpu.dma_semaphore, #tpu.memory_space<semaphore_mem>>) src(%dma_wait3A_114 : memref<640x128xf32, #tpu.memory_space<vmem_shared>>) dst(%dma_wait3A_112 : memref<640x128xf32, #tpu.memory_space<hbm>>)
        tpu.yield
      }) : () -> ()
    } else {
    }
    %eq3A = arith.constant 15 : i32
    %eq3A_101 = arith.cmpi eq, %arg1, %eq3A : i32
    %convert_element_type3A_102 = arith.extui %eq3A_101 : i1 to i32
    %cond3A_103 = arith.constant 0 : i32
    %cond3A_104 = arith.cmpi ne, %convert_element_type3A_102, %cond3A_103 : i32
    scf.if %cond3A_104 {
      "tpu.region"() ({
        %run_scoped3A = tpu.sem_alloc : memref<!tpu.dma_semaphore, #tpu.memory_space<semaphore_mem>>
        %dma_start3A_105 = arith.constant 0 : i32
        %dma_start3A_106 = tpu.memref_slice %arg5[%arg0, %mul3A_95, %dma_start3A_105] : memref<2x10000x128xf32, #tpu.memory_space<hbm>> -> memref<1x400x128xf32, #tpu.memory_space<hbm>>
        %dma_start3A_107 = tpu.memref_squeeze %dma_start3A_106 : memref<1x400x128xf32, #tpu.memory_space<hbm>> -> memref<400x128xf32, #tpu.memory_space<hbm>>
        %dma_start3A_108 = arith.constant 0 : i32
        %dma_start3A_109 = tpu.memref_slice %arg15[%mul3A_95, %dma_start3A_108] : memref<10000x128xf32, #tpu.memory_space<vmem_shared>> -> memref<400x128xf32, #tpu.memory_space<vmem_shared>>
        tpu.enqueue_dma source(%dma_start3A_109 : memref<400x128xf32, #tpu.memory_space<vmem_shared>>) target(%dma_start3A_107 : memref<400x128xf32, #tpu.memory_space<hbm>>) target_semaphore(%run_scoped3A : memref<!tpu.dma_semaphore, #tpu.memory_space<semaphore_mem>>)
        %dma_wait3A_110 = arith.constant 0 : i32
        %dma_wait3A_111 = tpu.memref_slice %arg5[%arg0, %mul3A_95, %dma_wait3A_110] : memref<2x10000x128xf32, #tpu.memory_space<hbm>> -> memref<1x400x128xf32, #tpu.memory_space<hbm>>
        %dma_wait3A_112 = tpu.memref_squeeze %dma_wait3A_111 : memref<1x400x128xf32, #tpu.memory_space<hbm>> -> memref<400x128xf32, #tpu.memory_space<hbm>>
        %dma_wait3A_113 = arith.constant 0 : i32
        %dma_wait3A_114 = tpu.memref_slice %arg15[%mul3A_95, %dma_wait3A_113] : memref<10000x128xf32, #tpu.memory_space<vmem_shared>> -> memref<400x128xf32, #tpu.memory_space<vmem_shared>>
        tpu.wait_dma2 semaphore(%run_scoped3A : memref<!tpu.dma_semaphore, #tpu.memory_space<semaphore_mem>>) src(%dma_wait3A_114 : memref<400x128xf32, #tpu.memory_space<vmem_shared>>) dst(%dma_wait3A_112 : memref<400x128xf32, #tpu.memory_space<hbm>>)
        tpu.yield
      }) : () -> ()
    } else {
    }
    return
  }
}

#map = affine_map<(d0, d1) -> (0, 0, 0)>
#map1 = affine_map<(d0, d1) -> (0)>
#map2 = affine_map<(d0, d1) -> (0, 0)>
module attributes {stable_mosaic.version = 14 : i64} {
  func.func @spmm(%arg0: i32, %arg1: i32, %arg2: memref<2592x2x128xi32, #tpu.memory_space<hbm>>, %arg3: memref<331776xi32, #tpu.memory_space<hbm>>, %arg4: memref<10000x64xf32, #tpu.memory_space<hbm>>, %arg5: memref<2x10000x64xf32, #tpu.memory_space<hbm>>, %arg6: memref<128x64xf32, #tpu.memory_space<vmem>>, %arg7: memref<128x64xf32, #tpu.memory_space<vmem>>, %arg8: memref<128x64xf32, #tpu.memory_space<vmem>>, %arg9: memref<2x128xi32, #tpu.memory_space<vmem>>, %arg10: memref<2x128xi32, #tpu.memory_space<vmem>>, %arg11: memref<2x128xi32, #tpu.memory_space<vmem>>, %arg12: memref<128xi32, #tpu.memory_space<vmem>>, %arg13: memref<128xi32, #tpu.memory_space<vmem>>, %arg14: memref<128xi32, #tpu.memory_space<vmem>>, %arg15: memref<10000x64xf32, #tpu.memory_space<vmem_shared>>, %arg16: memref<!tpu.dma_semaphore, #tpu.memory_space<semaphore_mem>>, %arg17: memref<!tpu.dma_semaphore, #tpu.memory_space<semaphore_mem>>, %arg18: memref<!tpu.dma_semaphore, #tpu.memory_space<semaphore_mem>>, %arg19: memref<!tpu.dma_semaphore, #tpu.memory_space<semaphore_mem>>, %arg20: memref<!tpu.dma_semaphore, #tpu.memory_space<semaphore_mem>>, %arg21: memref<!tpu.dma_semaphore, #tpu.memory_space<semaphore_mem>>, %arg22: memref<!tpu.dma_semaphore, #tpu.memory_space<semaphore_mem>>, %arg23: memref<!tpu.dma_semaphore, #tpu.memory_space<semaphore_mem>>, %arg24: memref<!tpu.dma_semaphore, #tpu.memory_space<semaphore_mem>>, %arg25: memref<!tpu.dma_semaphore, #tpu.memory_space<semaphore_mem>>, %arg26: memref<!tpu.dma_semaphore, #tpu.memory_space<semaphore_mem>>, %arg27: memref<!tpu.dma_semaphore, #tpu.memory_space<semaphore_mem>>) attributes {dimension_semantics = [#tpu.dimension_semantics<core_parallel>, #tpu.dimension_semantics<subcore_parallel>], iteration_bounds = array<i64: 2, 16>, scalar_prefetch = 0 : i64, scratch_operands = 22 : i64, tpu.core_type = #tpu.core_type<sc_vector_subcore>, window_params = [{transform_indices = #map}, {transform_indices = #map1}, {transform_indices = #map2}, {transform_indices = #map}]} {
    %mul3A = arith.constant 16 : i32
    %mul3A_0 = arith.muli %arg0, %mul3A : i32
    %add3A = arith.addi %mul3A_0, %arg1 : i32
    %mul3A_1 = arith.constant 81 : i32
    %mul3A_2 = arith.muli %add3A, %mul3A_1 : i32
    %mul3A_3 = arith.constant 128 : i32
    %mul3A_4 = arith.muli %mul3A_2, %mul3A_3 : i32
    %scan3A = arith.constant 0 : i32
    %scan3A_5 = arith.constant 0 : i32
    %scan3A_6 = arith.constant 80 : i32
    %scan3A_7 = arith.addi %scan3A_5, %scan3A_6 : i32
    %scan3A_8 = arith.constant 1 : i32
    scf.for %scan3A_105 = %scan3A_5 to %scan3A_7 step %scan3A_8  : i32 {
      %broadcast_in_dim3A = arith.constant 0.000000e+00 : f32
      %broadcast_in_dim3A_106 = vector.broadcast %broadcast_in_dim3A : f32 to vector<16xf32>
      %swap3A = arith.index_cast %scan3A_105 : i32 to index
      %swap3A_107 = arith.constant 0 : index
      %swap3A_108 = tpu.vector_load %arg6[%swap3A, %swap3A_107] {strides = array<i32>} : memref<128x64xf32, #tpu.memory_space<vmem>>, vector<1x16xf32>,
      %swap3A_109 = vector.shape_cast %swap3A_108 : vector<1x16xf32> to vector<16xf32>
      %swap3A_110 = vector.shape_cast %broadcast_in_dim3A_106 : vector<16xf32> to vector<1x16xf32>
      tpu.vector_store %arg6[%swap3A, %swap3A_107], %swap3A_110 {strides = array<i32>} : memref<128x64xf32, #tpu.memory_space<vmem>>, vector<1x16xf32>,
      %broadcast_in_dim3A_111 = arith.constant 0.000000e+00 : f32
      %broadcast_in_dim3A_112 = vector.broadcast %broadcast_in_dim3A_111 : f32 to vector<16xf32>
      %swap3A_113 = arith.index_cast %scan3A_105 : i32 to index
      %swap3A_114 = arith.constant 16 : index
      %swap3A_115 = tpu.vector_load %arg6[%swap3A_113, %swap3A_114] {strides = array<i32>} : memref<128x64xf32, #tpu.memory_space<vmem>>, vector<1x16xf32>,
      %swap3A_116 = vector.shape_cast %swap3A_115 : vector<1x16xf32> to vector<16xf32>
      %swap3A_117 = vector.shape_cast %broadcast_in_dim3A_112 : vector<16xf32> to vector<1x16xf32>
      tpu.vector_store %arg6[%swap3A_113, %swap3A_114], %swap3A_117 {strides = array<i32>} : memref<128x64xf32, #tpu.memory_space<vmem>>, vector<1x16xf32>,
      %broadcast_in_dim3A_118 = arith.constant 0.000000e+00 : f32
      %broadcast_in_dim3A_119 = vector.broadcast %broadcast_in_dim3A_118 : f32 to vector<16xf32>
      %swap3A_120 = arith.index_cast %scan3A_105 : i32 to index
      %swap3A_121 = arith.constant 32 : index
      %swap3A_122 = tpu.vector_load %arg6[%swap3A_120, %swap3A_121] {strides = array<i32>} : memref<128x64xf32, #tpu.memory_space<vmem>>, vector<1x16xf32>,
      %swap3A_123 = vector.shape_cast %swap3A_122 : vector<1x16xf32> to vector<16xf32>
      %swap3A_124 = vector.shape_cast %broadcast_in_dim3A_119 : vector<16xf32> to vector<1x16xf32>
      tpu.vector_store %arg6[%swap3A_120, %swap3A_121], %swap3A_124 {strides = array<i32>} : memref<128x64xf32, #tpu.memory_space<vmem>>, vector<1x16xf32>,
      %broadcast_in_dim3A_125 = arith.constant 0.000000e+00 : f32
      %broadcast_in_dim3A_126 = vector.broadcast %broadcast_in_dim3A_125 : f32 to vector<16xf32>
      %swap3A_127 = arith.index_cast %scan3A_105 : i32 to index
      %swap3A_128 = arith.constant 48 : index
      %swap3A_129 = tpu.vector_load %arg6[%swap3A_127, %swap3A_128] {strides = array<i32>} : memref<128x64xf32, #tpu.memory_space<vmem>>, vector<1x16xf32>,
      %swap3A_130 = vector.shape_cast %swap3A_129 : vector<1x16xf32> to vector<16xf32>
      %swap3A_131 = vector.shape_cast %broadcast_in_dim3A_126 : vector<16xf32> to vector<1x16xf32>
      tpu.vector_store %arg6[%swap3A_127, %swap3A_128], %swap3A_131 {strides = array<i32>} : memref<128x64xf32, #tpu.memory_space<vmem>>, vector<1x16xf32>,
    }
    %scan3A_9 = arith.constant 80 : i32
    %lt3A = arith.constant 15 : i32
    %lt3A_10 = arith.cmpi slt, %arg1, %lt3A : i32
    %or3A = arith.constant true
    %or3A_11 = arith.ori %lt3A_10, %or3A : i1
    %convert_element_type3A = arith.extui %or3A_11 : i1 to i32
    %cond3A = arith.constant 0 : i32
    %cond3A_12 = arith.cmpi ne, %convert_element_type3A, %cond3A : i32
    scf.if %cond3A_12 {
      %mul3A_105 = arith.constant 640 : i32
      %mul3A_106 = arith.muli %arg1, %mul3A_105 : i32
      %add3A_107 = arith.constant 0 : i32
      %add3A_108 = arith.addi %mul3A_106, %add3A_107 : i32
      "tpu.region"() ({
        %run_scoped3A = tpu.sem_alloc : memref<!tpu.dma_semaphore, #tpu.memory_space<semaphore_mem>>
        %dma_start3A_109 = arith.constant 0 : i32
        %dma_start3A_110 = arith.constant 0 : i32
        %dma_start3A_111 = tpu.memref_slice %arg6[%dma_start3A_109, %dma_start3A_110] : memref<128x64xf32, #tpu.memory_space<vmem>> -> memref<80x64xf32, #tpu.memory_space<vmem>>
        %dma_start3A_112 = arith.constant 0 : i32
        %dma_start3A_113 = tpu.memref_slice %arg15[%add3A_108, %dma_start3A_112] : memref<10000x64xf32, #tpu.memory_space<vmem_shared>> -> memref<80x64xf32, #tpu.memory_space<vmem_shared>>
        %dma_start3A_114 = arith.constant 0 : i32
        %dma_start3A_115 = tpu.memref_slice %arg15[%add3A_108, %dma_start3A_114] : memref<10000x64xf32, #tpu.memory_space<vmem_shared>> -> memref<80x64xf32, #tpu.memory_space<vmem_shared>>
        %dma_start3A_116 = arith.constant 0 : i32
        %dma_start3A_117 = arith.constant 0 : i32
        %dma_start3A_118 = tpu.memref_slice %arg6[%dma_start3A_116, %dma_start3A_117] : memref<128x64xf32, #tpu.memory_space<vmem>> -> memref<80x64xf32, #tpu.memory_space<vmem>>
        tpu.enqueue_dma source(%dma_start3A_118 : memref<80x64xf32, #tpu.memory_space<vmem>>) target(%dma_start3A_115 : memref<80x64xf32, #tpu.memory_space<vmem_shared>>) target_semaphore(%run_scoped3A : memref<!tpu.dma_semaphore, #tpu.memory_space<semaphore_mem>>)
        %dma_wait3A_119 = arith.constant 0 : i32
        %dma_wait3A_120 = arith.constant 0 : i32
        %dma_wait3A_121 = tpu.memref_slice %arg6[%dma_wait3A_119, %dma_wait3A_120] : memref<128x64xf32, #tpu.memory_space<vmem>> -> memref<80x64xf32, #tpu.memory_space<vmem>>
        %dma_wait3A_122 = arith.constant 0 : i32
        %dma_wait3A_123 = tpu.memref_slice %arg15[%add3A_108, %dma_wait3A_122] : memref<10000x64xf32, #tpu.memory_space<vmem_shared>> -> memref<80x64xf32, #tpu.memory_space<vmem_shared>>
        %dma_wait3A_124 = arith.constant 0 : i32
        %dma_wait3A_125 = tpu.memref_slice %arg15[%add3A_108, %dma_wait3A_124] : memref<10000x64xf32, #tpu.memory_space<vmem_shared>> -> memref<80x64xf32, #tpu.memory_space<vmem_shared>>
        %dma_wait3A_126 = arith.constant 0 : i32
        %dma_wait3A_127 = arith.constant 0 : i32
        %dma_wait3A_128 = tpu.memref_slice %arg6[%dma_wait3A_126, %dma_wait3A_127] : memref<128x64xf32, #tpu.memory_space<vmem>> -> memref<80x64xf32, #tpu.memory_space<vmem>>
        tpu.wait_dma2 semaphore(%run_scoped3A : memref<!tpu.dma_semaphore, #tpu.memory_space<semaphore_mem>>) src(%dma_wait3A_128 : memref<80x64xf32, #tpu.memory_space<vmem>>) dst(%dma_wait3A_125 : memref<80x64xf32, #tpu.memory_space<vmem_shared>>)
        tpu.yield
      }) : () -> ()
    } else {
    }
    %lt3A_13 = arith.constant 15 : i32
    %lt3A_14 = arith.cmpi slt, %arg1, %lt3A_13 : i32
    %or3A_15 = arith.constant true
    %or3A_16 = arith.ori %lt3A_14, %or3A_15 : i1
    %convert_element_type3A_17 = arith.extui %or3A_16 : i1 to i32
    %cond3A_18 = arith.constant 0 : i32
    %cond3A_19 = arith.cmpi ne, %convert_element_type3A_17, %cond3A_18 : i32
    scf.if %cond3A_19 {
      %mul3A_105 = arith.constant 640 : i32
      %mul3A_106 = arith.muli %arg1, %mul3A_105 : i32
      %add3A_107 = arith.constant 80 : i32
      %add3A_108 = arith.addi %mul3A_106, %add3A_107 : i32
      "tpu.region"() ({
        %run_scoped3A = tpu.sem_alloc : memref<!tpu.dma_semaphore, #tpu.memory_space<semaphore_mem>>
        %dma_start3A_109 = arith.constant 0 : i32
        %dma_start3A_110 = arith.constant 0 : i32
        %dma_start3A_111 = tpu.memref_slice %arg6[%dma_start3A_109, %dma_start3A_110] : memref<128x64xf32, #tpu.memory_space<vmem>> -> memref<80x64xf32, #tpu.memory_space<vmem>>
        %dma_start3A_112 = arith.constant 0 : i32
        %dma_start3A_113 = tpu.memref_slice %arg15[%add3A_108, %dma_start3A_112] : memref<10000x64xf32, #tpu.memory_space<vmem_shared>> -> memref<80x64xf32, #tpu.memory_space<vmem_shared>>
        %dma_start3A_114 = arith.constant 0 : i32
        %dma_start3A_115 = tpu.memref_slice %arg15[%add3A_108, %dma_start3A_114] : memref<10000x64xf32, #tpu.memory_space<vmem_shared>> -> memref<80x64xf32, #tpu.memory_space<vmem_shared>>
        %dma_start3A_116 = arith.constant 0 : i32
        %dma_start3A_117 = arith.constant 0 : i32
        %dma_start3A_118 = tpu.memref_slice %arg6[%dma_start3A_116, %dma_start3A_117] : memref<128x64xf32, #tpu.memory_space<vmem>> -> memref<80x64xf32, #tpu.memory_space<vmem>>
        tpu.enqueue_dma source(%dma_start3A_118 : memref<80x64xf32, #tpu.memory_space<vmem>>) target(%dma_start3A_115 : memref<80x64xf32, #tpu.memory_space<vmem_shared>>) target_semaphore(%run_scoped3A : memref<!tpu.dma_semaphore, #tpu.memory_space<semaphore_mem>>)
        %dma_wait3A_119 = arith.constant 0 : i32
        %dma_wait3A_120 = arith.constant 0 : i32
        %dma_wait3A_121 = tpu.memref_slice %arg6[%dma_wait3A_119, %dma_wait3A_120] : memref<128x64xf32, #tpu.memory_space<vmem>> -> memref<80x64xf32, #tpu.memory_space<vmem>>
        %dma_wait3A_122 = arith.constant 0 : i32
        %dma_wait3A_123 = tpu.memref_slice %arg15[%add3A_108, %dma_wait3A_122] : memref<10000x64xf32, #tpu.memory_space<vmem_shared>> -> memref<80x64xf32, #tpu.memory_space<vmem_shared>>
        %dma_wait3A_124 = arith.constant 0 : i32
        %dma_wait3A_125 = tpu.memref_slice %arg15[%add3A_108, %dma_wait3A_124] : memref<10000x64xf32, #tpu.memory_space<vmem_shared>> -> memref<80x64xf32, #tpu.memory_space<vmem_shared>>
        %dma_wait3A_126 = arith.constant 0 : i32
        %dma_wait3A_127 = arith.constant 0 : i32
        %dma_wait3A_128 = tpu.memref_slice %arg6[%dma_wait3A_126, %dma_wait3A_127] : memref<128x64xf32, #tpu.memory_space<vmem>> -> memref<80x64xf32, #tpu.memory_space<vmem>>
        tpu.wait_dma2 semaphore(%run_scoped3A : memref<!tpu.dma_semaphore, #tpu.memory_space<semaphore_mem>>) src(%dma_wait3A_128 : memref<80x64xf32, #tpu.memory_space<vmem>>) dst(%dma_wait3A_125 : memref<80x64xf32, #tpu.memory_space<vmem_shared>>)
        tpu.yield
      }) : () -> ()
    } else {
    }
    %lt3A_20 = arith.constant 15 : i32
    %lt3A_21 = arith.cmpi slt, %arg1, %lt3A_20 : i32
    %or3A_22 = arith.constant true
    %or3A_23 = arith.ori %lt3A_21, %or3A_22 : i1
    %convert_element_type3A_24 = arith.extui %or3A_23 : i1 to i32
    %cond3A_25 = arith.constant 0 : i32
    %cond3A_26 = arith.cmpi ne, %convert_element_type3A_24, %cond3A_25 : i32
    scf.if %cond3A_26 {
      %mul3A_105 = arith.constant 640 : i32
      %mul3A_106 = arith.muli %arg1, %mul3A_105 : i32
      %add3A_107 = arith.constant 160 : i32
      %add3A_108 = arith.addi %mul3A_106, %add3A_107 : i32
      "tpu.region"() ({
        %run_scoped3A = tpu.sem_alloc : memref<!tpu.dma_semaphore, #tpu.memory_space<semaphore_mem>>
        %dma_start3A_109 = arith.constant 0 : i32
        %dma_start3A_110 = arith.constant 0 : i32
        %dma_start3A_111 = tpu.memref_slice %arg6[%dma_start3A_109, %dma_start3A_110] : memref<128x64xf32, #tpu.memory_space<vmem>> -> memref<80x64xf32, #tpu.memory_space<vmem>>
        %dma_start3A_112 = arith.constant 0 : i32
        %dma_start3A_113 = tpu.memref_slice %arg15[%add3A_108, %dma_start3A_112] : memref<10000x64xf32, #tpu.memory_space<vmem_shared>> -> memref<80x64xf32, #tpu.memory_space<vmem_shared>>
        %dma_start3A_114 = arith.constant 0 : i32
        %dma_start3A_115 = tpu.memref_slice %arg15[%add3A_108, %dma_start3A_114] : memref<10000x64xf32, #tpu.memory_space<vmem_shared>> -> memref<80x64xf32, #tpu.memory_space<vmem_shared>>
        %dma_start3A_116 = arith.constant 0 : i32
        %dma_start3A_117 = arith.constant 0 : i32
        %dma_start3A_118 = tpu.memref_slice %arg6[%dma_start3A_116, %dma_start3A_117] : memref<128x64xf32, #tpu.memory_space<vmem>> -> memref<80x64xf32, #tpu.memory_space<vmem>>
        tpu.enqueue_dma source(%dma_start3A_118 : memref<80x64xf32, #tpu.memory_space<vmem>>) target(%dma_start3A_115 : memref<80x64xf32, #tpu.memory_space<vmem_shared>>) target_semaphore(%run_scoped3A : memref<!tpu.dma_semaphore, #tpu.memory_space<semaphore_mem>>)
        %dma_wait3A_119 = arith.constant 0 : i32
        %dma_wait3A_120 = arith.constant 0 : i32
        %dma_wait3A_121 = tpu.memref_slice %arg6[%dma_wait3A_119, %dma_wait3A_120] : memref<128x64xf32, #tpu.memory_space<vmem>> -> memref<80x64xf32, #tpu.memory_space<vmem>>
        %dma_wait3A_122 = arith.constant 0 : i32
        %dma_wait3A_123 = tpu.memref_slice %arg15[%add3A_108, %dma_wait3A_122] : memref<10000x64xf32, #tpu.memory_space<vmem_shared>> -> memref<80x64xf32, #tpu.memory_space<vmem_shared>>
        %dma_wait3A_124 = arith.constant 0 : i32
        %dma_wait3A_125 = tpu.memref_slice %arg15[%add3A_108, %dma_wait3A_124] : memref<10000x64xf32, #tpu.memory_space<vmem_shared>> -> memref<80x64xf32, #tpu.memory_space<vmem_shared>>
        %dma_wait3A_126 = arith.constant 0 : i32
        %dma_wait3A_127 = arith.constant 0 : i32
        %dma_wait3A_128 = tpu.memref_slice %arg6[%dma_wait3A_126, %dma_wait3A_127] : memref<128x64xf32, #tpu.memory_space<vmem>> -> memref<80x64xf32, #tpu.memory_space<vmem>>
        tpu.wait_dma2 semaphore(%run_scoped3A : memref<!tpu.dma_semaphore, #tpu.memory_space<semaphore_mem>>) src(%dma_wait3A_128 : memref<80x64xf32, #tpu.memory_space<vmem>>) dst(%dma_wait3A_125 : memref<80x64xf32, #tpu.memory_space<vmem_shared>>)
        tpu.yield
      }) : () -> ()
    } else {
    }
    %lt3A_27 = arith.constant 15 : i32
    %lt3A_28 = arith.cmpi slt, %arg1, %lt3A_27 : i32
    %or3A_29 = arith.constant true
    %or3A_30 = arith.ori %lt3A_28, %or3A_29 : i1
    %convert_element_type3A_31 = arith.extui %or3A_30 : i1 to i32
    %cond3A_32 = arith.constant 0 : i32
    %cond3A_33 = arith.cmpi ne, %convert_element_type3A_31, %cond3A_32 : i32
    scf.if %cond3A_33 {
      %mul3A_105 = arith.constant 640 : i32
      %mul3A_106 = arith.muli %arg1, %mul3A_105 : i32
      %add3A_107 = arith.constant 240 : i32
      %add3A_108 = arith.addi %mul3A_106, %add3A_107 : i32
      "tpu.region"() ({
        %run_scoped3A = tpu.sem_alloc : memref<!tpu.dma_semaphore, #tpu.memory_space<semaphore_mem>>
        %dma_start3A_109 = arith.constant 0 : i32
        %dma_start3A_110 = arith.constant 0 : i32
        %dma_start3A_111 = tpu.memref_slice %arg6[%dma_start3A_109, %dma_start3A_110] : memref<128x64xf32, #tpu.memory_space<vmem>> -> memref<80x64xf32, #tpu.memory_space<vmem>>
        %dma_start3A_112 = arith.constant 0 : i32
        %dma_start3A_113 = tpu.memref_slice %arg15[%add3A_108, %dma_start3A_112] : memref<10000x64xf32, #tpu.memory_space<vmem_shared>> -> memref<80x64xf32, #tpu.memory_space<vmem_shared>>
        %dma_start3A_114 = arith.constant 0 : i32
        %dma_start3A_115 = tpu.memref_slice %arg15[%add3A_108, %dma_start3A_114] : memref<10000x64xf32, #tpu.memory_space<vmem_shared>> -> memref<80x64xf32, #tpu.memory_space<vmem_shared>>
        %dma_start3A_116 = arith.constant 0 : i32
        %dma_start3A_117 = arith.constant 0 : i32
        %dma_start3A_118 = tpu.memref_slice %arg6[%dma_start3A_116, %dma_start3A_117] : memref<128x64xf32, #tpu.memory_space<vmem>> -> memref<80x64xf32, #tpu.memory_space<vmem>>
        tpu.enqueue_dma source(%dma_start3A_118 : memref<80x64xf32, #tpu.memory_space<vmem>>) target(%dma_start3A_115 : memref<80x64xf32, #tpu.memory_space<vmem_shared>>) target_semaphore(%run_scoped3A : memref<!tpu.dma_semaphore, #tpu.memory_space<semaphore_mem>>)
        %dma_wait3A_119 = arith.constant 0 : i32
        %dma_wait3A_120 = arith.constant 0 : i32
        %dma_wait3A_121 = tpu.memref_slice %arg6[%dma_wait3A_119, %dma_wait3A_120] : memref<128x64xf32, #tpu.memory_space<vmem>> -> memref<80x64xf32, #tpu.memory_space<vmem>>
        %dma_wait3A_122 = arith.constant 0 : i32
        %dma_wait3A_123 = tpu.memref_slice %arg15[%add3A_108, %dma_wait3A_122] : memref<10000x64xf32, #tpu.memory_space<vmem_shared>> -> memref<80x64xf32, #tpu.memory_space<vmem_shared>>
        %dma_wait3A_124 = arith.constant 0 : i32
        %dma_wait3A_125 = tpu.memref_slice %arg15[%add3A_108, %dma_wait3A_124] : memref<10000x64xf32, #tpu.memory_space<vmem_shared>> -> memref<80x64xf32, #tpu.memory_space<vmem_shared>>
        %dma_wait3A_126 = arith.constant 0 : i32
        %dma_wait3A_127 = arith.constant 0 : i32
        %dma_wait3A_128 = tpu.memref_slice %arg6[%dma_wait3A_126, %dma_wait3A_127] : memref<128x64xf32, #tpu.memory_space<vmem>> -> memref<80x64xf32, #tpu.memory_space<vmem>>
        tpu.wait_dma2 semaphore(%run_scoped3A : memref<!tpu.dma_semaphore, #tpu.memory_space<semaphore_mem>>) src(%dma_wait3A_128 : memref<80x64xf32, #tpu.memory_space<vmem>>) dst(%dma_wait3A_125 : memref<80x64xf32, #tpu.memory_space<vmem_shared>>)
        tpu.yield
      }) : () -> ()
    } else {
    }
    %lt3A_34 = arith.constant 15 : i32
    %lt3A_35 = arith.cmpi slt, %arg1, %lt3A_34 : i32
    %or3A_36 = arith.constant true
    %or3A_37 = arith.ori %lt3A_35, %or3A_36 : i1
    %convert_element_type3A_38 = arith.extui %or3A_37 : i1 to i32
    %cond3A_39 = arith.constant 0 : i32
    %cond3A_40 = arith.cmpi ne, %convert_element_type3A_38, %cond3A_39 : i32
    scf.if %cond3A_40 {
      %mul3A_105 = arith.constant 640 : i32
      %mul3A_106 = arith.muli %arg1, %mul3A_105 : i32
      %add3A_107 = arith.constant 320 : i32
      %add3A_108 = arith.addi %mul3A_106, %add3A_107 : i32
      "tpu.region"() ({
        %run_scoped3A = tpu.sem_alloc : memref<!tpu.dma_semaphore, #tpu.memory_space<semaphore_mem>>
        %dma_start3A_109 = arith.constant 0 : i32
        %dma_start3A_110 = arith.constant 0 : i32
        %dma_start3A_111 = tpu.memref_slice %arg6[%dma_start3A_109, %dma_start3A_110] : memref<128x64xf32, #tpu.memory_space<vmem>> -> memref<80x64xf32, #tpu.memory_space<vmem>>
        %dma_start3A_112 = arith.constant 0 : i32
        %dma_start3A_113 = tpu.memref_slice %arg15[%add3A_108, %dma_start3A_112] : memref<10000x64xf32, #tpu.memory_space<vmem_shared>> -> memref<80x64xf32, #tpu.memory_space<vmem_shared>>
        %dma_start3A_114 = arith.constant 0 : i32
        %dma_start3A_115 = tpu.memref_slice %arg15[%add3A_108, %dma_start3A_114] : memref<10000x64xf32, #tpu.memory_space<vmem_shared>> -> memref<80x64xf32, #tpu.memory_space<vmem_shared>>
        %dma_start3A_116 = arith.constant 0 : i32
        %dma_start3A_117 = arith.constant 0 : i32
        %dma_start3A_118 = tpu.memref_slice %arg6[%dma_start3A_116, %dma_start3A_117] : memref<128x64xf32, #tpu.memory_space<vmem>> -> memref<80x64xf32, #tpu.memory_space<vmem>>
        tpu.enqueue_dma source(%dma_start3A_118 : memref<80x64xf32, #tpu.memory_space<vmem>>) target(%dma_start3A_115 : memref<80x64xf32, #tpu.memory_space<vmem_shared>>) target_semaphore(%run_scoped3A : memref<!tpu.dma_semaphore, #tpu.memory_space<semaphore_mem>>)
        %dma_wait3A_119 = arith.constant 0 : i32
        %dma_wait3A_120 = arith.constant 0 : i32
        %dma_wait3A_121 = tpu.memref_slice %arg6[%dma_wait3A_119, %dma_wait3A_120] : memref<128x64xf32, #tpu.memory_space<vmem>> -> memref<80x64xf32, #tpu.memory_space<vmem>>
        %dma_wait3A_122 = arith.constant 0 : i32
        %dma_wait3A_123 = tpu.memref_slice %arg15[%add3A_108, %dma_wait3A_122] : memref<10000x64xf32, #tpu.memory_space<vmem_shared>> -> memref<80x64xf32, #tpu.memory_space<vmem_shared>>
        %dma_wait3A_124 = arith.constant 0 : i32
        %dma_wait3A_125 = tpu.memref_slice %arg15[%add3A_108, %dma_wait3A_124] : memref<10000x64xf32, #tpu.memory_space<vmem_shared>> -> memref<80x64xf32, #tpu.memory_space<vmem_shared>>
        %dma_wait3A_126 = arith.constant 0 : i32
        %dma_wait3A_127 = arith.constant 0 : i32
        %dma_wait3A_128 = tpu.memref_slice %arg6[%dma_wait3A_126, %dma_wait3A_127] : memref<128x64xf32, #tpu.memory_space<vmem>> -> memref<80x64xf32, #tpu.memory_space<vmem>>
        tpu.wait_dma2 semaphore(%run_scoped3A : memref<!tpu.dma_semaphore, #tpu.memory_space<semaphore_mem>>) src(%dma_wait3A_128 : memref<80x64xf32, #tpu.memory_space<vmem>>) dst(%dma_wait3A_125 : memref<80x64xf32, #tpu.memory_space<vmem_shared>>)
        tpu.yield
      }) : () -> ()
    } else {
    }
    %lt3A_41 = arith.constant 15 : i32
    %lt3A_42 = arith.cmpi slt, %arg1, %lt3A_41 : i32
    %or3A_43 = arith.constant false
    %or3A_44 = arith.ori %lt3A_42, %or3A_43 : i1
    %convert_element_type3A_45 = arith.extui %or3A_44 : i1 to i32
    %cond3A_46 = arith.constant 0 : i32
    %cond3A_47 = arith.cmpi ne, %convert_element_type3A_45, %cond3A_46 : i32
    scf.if %cond3A_47 {
      %mul3A_105 = arith.constant 640 : i32
      %mul3A_106 = arith.muli %arg1, %mul3A_105 : i32
      %add3A_107 = arith.constant 400 : i32
      %add3A_108 = arith.addi %mul3A_106, %add3A_107 : i32
      "tpu.region"() ({
        %run_scoped3A = tpu.sem_alloc : memref<!tpu.dma_semaphore, #tpu.memory_space<semaphore_mem>>
        %dma_start3A_109 = arith.constant 0 : i32
        %dma_start3A_110 = arith.constant 0 : i32
        %dma_start3A_111 = tpu.memref_slice %arg6[%dma_start3A_109, %dma_start3A_110] : memref<128x64xf32, #tpu.memory_space<vmem>> -> memref<80x64xf32, #tpu.memory_space<vmem>>
        %dma_start3A_112 = arith.constant 0 : i32
        %dma_start3A_113 = tpu.memref_slice %arg15[%add3A_108, %dma_start3A_112] : memref<10000x64xf32, #tpu.memory_space<vmem_shared>> -> memref<80x64xf32, #tpu.memory_space<vmem_shared>>
        %dma_start3A_114 = arith.constant 0 : i32
        %dma_start3A_115 = tpu.memref_slice %arg15[%add3A_108, %dma_start3A_114] : memref<10000x64xf32, #tpu.memory_space<vmem_shared>> -> memref<80x64xf32, #tpu.memory_space<vmem_shared>>
        %dma_start3A_116 = arith.constant 0 : i32
        %dma_start3A_117 = arith.constant 0 : i32
        %dma_start3A_118 = tpu.memref_slice %arg6[%dma_start3A_116, %dma_start3A_117] : memref<128x64xf32, #tpu.memory_space<vmem>> -> memref<80x64xf32, #tpu.memory_space<vmem>>
        tpu.enqueue_dma source(%dma_start3A_118 : memref<80x64xf32, #tpu.memory_space<vmem>>) target(%dma_start3A_115 : memref<80x64xf32, #tpu.memory_space<vmem_shared>>) target_semaphore(%run_scoped3A : memref<!tpu.dma_semaphore, #tpu.memory_space<semaphore_mem>>)
        %dma_wait3A_119 = arith.constant 0 : i32
        %dma_wait3A_120 = arith.constant 0 : i32
        %dma_wait3A_121 = tpu.memref_slice %arg6[%dma_wait3A_119, %dma_wait3A_120] : memref<128x64xf32, #tpu.memory_space<vmem>> -> memref<80x64xf32, #tpu.memory_space<vmem>>
        %dma_wait3A_122 = arith.constant 0 : i32
        %dma_wait3A_123 = tpu.memref_slice %arg15[%add3A_108, %dma_wait3A_122] : memref<10000x64xf32, #tpu.memory_space<vmem_shared>> -> memref<80x64xf32, #tpu.memory_space<vmem_shared>>
        %dma_wait3A_124 = arith.constant 0 : i32
        %dma_wait3A_125 = tpu.memref_slice %arg15[%add3A_108, %dma_wait3A_124] : memref<10000x64xf32, #tpu.memory_space<vmem_shared>> -> memref<80x64xf32, #tpu.memory_space<vmem_shared>>
        %dma_wait3A_126 = arith.constant 0 : i32
        %dma_wait3A_127 = arith.constant 0 : i32
        %dma_wait3A_128 = tpu.memref_slice %arg6[%dma_wait3A_126, %dma_wait3A_127] : memref<128x64xf32, #tpu.memory_space<vmem>> -> memref<80x64xf32, #tpu.memory_space<vmem>>
        tpu.wait_dma2 semaphore(%run_scoped3A : memref<!tpu.dma_semaphore, #tpu.memory_space<semaphore_mem>>) src(%dma_wait3A_128 : memref<80x64xf32, #tpu.memory_space<vmem>>) dst(%dma_wait3A_125 : memref<80x64xf32, #tpu.memory_space<vmem_shared>>)
        tpu.yield
      }) : () -> ()
    } else {
    }
    %lt3A_48 = arith.constant 15 : i32
    %lt3A_49 = arith.cmpi slt, %arg1, %lt3A_48 : i32
    %or3A_50 = arith.constant false
    %or3A_51 = arith.ori %lt3A_49, %or3A_50 : i1
    %convert_element_type3A_52 = arith.extui %or3A_51 : i1 to i32
    %cond3A_53 = arith.constant 0 : i32
    %cond3A_54 = arith.cmpi ne, %convert_element_type3A_52, %cond3A_53 : i32
    scf.if %cond3A_54 {
      %mul3A_105 = arith.constant 640 : i32
      %mul3A_106 = arith.muli %arg1, %mul3A_105 : i32
      %add3A_107 = arith.constant 480 : i32
      %add3A_108 = arith.addi %mul3A_106, %add3A_107 : i32
      "tpu.region"() ({
        %run_scoped3A = tpu.sem_alloc : memref<!tpu.dma_semaphore, #tpu.memory_space<semaphore_mem>>
        %dma_start3A_109 = arith.constant 0 : i32
        %dma_start3A_110 = arith.constant 0 : i32
        %dma_start3A_111 = tpu.memref_slice %arg6[%dma_start3A_109, %dma_start3A_110] : memref<128x64xf32, #tpu.memory_space<vmem>> -> memref<80x64xf32, #tpu.memory_space<vmem>>
        %dma_start3A_112 = arith.constant 0 : i32
        %dma_start3A_113 = tpu.memref_slice %arg15[%add3A_108, %dma_start3A_112] : memref<10000x64xf32, #tpu.memory_space<vmem_shared>> -> memref<80x64xf32, #tpu.memory_space<vmem_shared>>
        %dma_start3A_114 = arith.constant 0 : i32
        %dma_start3A_115 = tpu.memref_slice %arg15[%add3A_108, %dma_start3A_114] : memref<10000x64xf32, #tpu.memory_space<vmem_shared>> -> memref<80x64xf32, #tpu.memory_space<vmem_shared>>
        %dma_start3A_116 = arith.constant 0 : i32
        %dma_start3A_117 = arith.constant 0 : i32
        %dma_start3A_118 = tpu.memref_slice %arg6[%dma_start3A_116, %dma_start3A_117] : memref<128x64xf32, #tpu.memory_space<vmem>> -> memref<80x64xf32, #tpu.memory_space<vmem>>
        tpu.enqueue_dma source(%dma_start3A_118 : memref<80x64xf32, #tpu.memory_space<vmem>>) target(%dma_start3A_115 : memref<80x64xf32, #tpu.memory_space<vmem_shared>>) target_semaphore(%run_scoped3A : memref<!tpu.dma_semaphore, #tpu.memory_space<semaphore_mem>>)
        %dma_wait3A_119 = arith.constant 0 : i32
        %dma_wait3A_120 = arith.constant 0 : i32
        %dma_wait3A_121 = tpu.memref_slice %arg6[%dma_wait3A_119, %dma_wait3A_120] : memref<128x64xf32, #tpu.memory_space<vmem>> -> memref<80x64xf32, #tpu.memory_space<vmem>>
        %dma_wait3A_122 = arith.constant 0 : i32
        %dma_wait3A_123 = tpu.memref_slice %arg15[%add3A_108, %dma_wait3A_122] : memref<10000x64xf32, #tpu.memory_space<vmem_shared>> -> memref<80x64xf32, #tpu.memory_space<vmem_shared>>
        %dma_wait3A_124 = arith.constant 0 : i32
        %dma_wait3A_125 = tpu.memref_slice %arg15[%add3A_108, %dma_wait3A_124] : memref<10000x64xf32, #tpu.memory_space<vmem_shared>> -> memref<80x64xf32, #tpu.memory_space<vmem_shared>>
        %dma_wait3A_126 = arith.constant 0 : i32
        %dma_wait3A_127 = arith.constant 0 : i32
        %dma_wait3A_128 = tpu.memref_slice %arg6[%dma_wait3A_126, %dma_wait3A_127] : memref<128x64xf32, #tpu.memory_space<vmem>> -> memref<80x64xf32, #tpu.memory_space<vmem>>
        tpu.wait_dma2 semaphore(%run_scoped3A : memref<!tpu.dma_semaphore, #tpu.memory_space<semaphore_mem>>) src(%dma_wait3A_128 : memref<80x64xf32, #tpu.memory_space<vmem>>) dst(%dma_wait3A_125 : memref<80x64xf32, #tpu.memory_space<vmem_shared>>)
        tpu.yield
      }) : () -> ()
    } else {
    }
    %lt3A_55 = arith.constant 15 : i32
    %lt3A_56 = arith.cmpi slt, %arg1, %lt3A_55 : i32
    %or3A_57 = arith.constant false
    %or3A_58 = arith.ori %lt3A_56, %or3A_57 : i1
    %convert_element_type3A_59 = arith.extui %or3A_58 : i1 to i32
    %cond3A_60 = arith.constant 0 : i32
    %cond3A_61 = arith.cmpi ne, %convert_element_type3A_59, %cond3A_60 : i32
    scf.if %cond3A_61 {
      %mul3A_105 = arith.constant 640 : i32
      %mul3A_106 = arith.muli %arg1, %mul3A_105 : i32
      %add3A_107 = arith.constant 560 : i32
      %add3A_108 = arith.addi %mul3A_106, %add3A_107 : i32
      "tpu.region"() ({
        %run_scoped3A = tpu.sem_alloc : memref<!tpu.dma_semaphore, #tpu.memory_space<semaphore_mem>>
        %dma_start3A_109 = arith.constant 0 : i32
        %dma_start3A_110 = arith.constant 0 : i32
        %dma_start3A_111 = tpu.memref_slice %arg6[%dma_start3A_109, %dma_start3A_110] : memref<128x64xf32, #tpu.memory_space<vmem>> -> memref<80x64xf32, #tpu.memory_space<vmem>>
        %dma_start3A_112 = arith.constant 0 : i32
        %dma_start3A_113 = tpu.memref_slice %arg15[%add3A_108, %dma_start3A_112] : memref<10000x64xf32, #tpu.memory_space<vmem_shared>> -> memref<80x64xf32, #tpu.memory_space<vmem_shared>>
        %dma_start3A_114 = arith.constant 0 : i32
        %dma_start3A_115 = tpu.memref_slice %arg15[%add3A_108, %dma_start3A_114] : memref<10000x64xf32, #tpu.memory_space<vmem_shared>> -> memref<80x64xf32, #tpu.memory_space<vmem_shared>>
        %dma_start3A_116 = arith.constant 0 : i32
        %dma_start3A_117 = arith.constant 0 : i32
        %dma_start3A_118 = tpu.memref_slice %arg6[%dma_start3A_116, %dma_start3A_117] : memref<128x64xf32, #tpu.memory_space<vmem>> -> memref<80x64xf32, #tpu.memory_space<vmem>>
        tpu.enqueue_dma source(%dma_start3A_118 : memref<80x64xf32, #tpu.memory_space<vmem>>) target(%dma_start3A_115 : memref<80x64xf32, #tpu.memory_space<vmem_shared>>) target_semaphore(%run_scoped3A : memref<!tpu.dma_semaphore, #tpu.memory_space<semaphore_mem>>)
        %dma_wait3A_119 = arith.constant 0 : i32
        %dma_wait3A_120 = arith.constant 0 : i32
        %dma_wait3A_121 = tpu.memref_slice %arg6[%dma_wait3A_119, %dma_wait3A_120] : memref<128x64xf32, #tpu.memory_space<vmem>> -> memref<80x64xf32, #tpu.memory_space<vmem>>
        %dma_wait3A_122 = arith.constant 0 : i32
        %dma_wait3A_123 = tpu.memref_slice %arg15[%add3A_108, %dma_wait3A_122] : memref<10000x64xf32, #tpu.memory_space<vmem_shared>> -> memref<80x64xf32, #tpu.memory_space<vmem_shared>>
        %dma_wait3A_124 = arith.constant 0 : i32
        %dma_wait3A_125 = tpu.memref_slice %arg15[%add3A_108, %dma_wait3A_124] : memref<10000x64xf32, #tpu.memory_space<vmem_shared>> -> memref<80x64xf32, #tpu.memory_space<vmem_shared>>
        %dma_wait3A_126 = arith.constant 0 : i32
        %dma_wait3A_127 = arith.constant 0 : i32
        %dma_wait3A_128 = tpu.memref_slice %arg6[%dma_wait3A_126, %dma_wait3A_127] : memref<128x64xf32, #tpu.memory_space<vmem>> -> memref<80x64xf32, #tpu.memory_space<vmem>>
        tpu.wait_dma2 semaphore(%run_scoped3A : memref<!tpu.dma_semaphore, #tpu.memory_space<semaphore_mem>>) src(%dma_wait3A_128 : memref<80x64xf32, #tpu.memory_space<vmem>>) dst(%dma_wait3A_125 : memref<80x64xf32, #tpu.memory_space<vmem_shared>>)
        tpu.yield
      }) : () -> ()
    } else {
    }
    %barrier3A = arith.constant 0 : index
    tpu.barrier barrier_id(%barrier3A)
    %add3A_62 = arith.constant 0 : i32
    %add3A_63 = arith.addi %mul3A_2, %add3A_62 : i32
    "tpu.region"() ({
      %run_scoped3A = tpu.sem_alloc : memref<!tpu.dma_semaphore, #tpu.memory_space<semaphore_mem>>
      %dma_start3A_105 = arith.constant 0 : i32
      %dma_start3A_106 = arith.constant 0 : i32
      %dma_start3A_107 = tpu.memref_slice %arg2[%add3A_63, %dma_start3A_105, %dma_start3A_106] : memref<2592x2x128xi32, #tpu.memory_space<hbm>> -> memref<1x2x128xi32, #tpu.memory_space<hbm>>
      %dma_start3A_108 = tpu.memref_squeeze %dma_start3A_107 : memref<1x2x128xi32, #tpu.memory_space<hbm>> -> memref<2x128xi32, #tpu.memory_space<hbm>>
      %dma_start3A_109 = arith.constant 0 : i32
      %dma_start3A_110 = arith.constant 0 : i32
      %dma_start3A_111 = tpu.memref_slice %arg2[%add3A_63, %dma_start3A_109, %dma_start3A_110] : memref<2592x2x128xi32, #tpu.memory_space<hbm>> -> memref<1x2x128xi32, #tpu.memory_space<hbm>>
      %dma_start3A_112 = tpu.memref_squeeze %dma_start3A_111 : memref<1x2x128xi32, #tpu.memory_space<hbm>> -> memref<2x128xi32, #tpu.memory_space<hbm>>
      tpu.enqueue_dma source(%dma_start3A_112 : memref<2x128xi32, #tpu.memory_space<hbm>>) target(%arg9 : memref<2x128xi32, #tpu.memory_space<vmem>>) target_semaphore(%run_scoped3A : memref<!tpu.dma_semaphore, #tpu.memory_space<semaphore_mem>>)
      %dma_wait3A_113 = arith.constant 0 : i32
      %dma_wait3A_114 = arith.constant 0 : i32
      %dma_wait3A_115 = tpu.memref_slice %arg2[%add3A_63, %dma_wait3A_113, %dma_wait3A_114] : memref<2592x2x128xi32, #tpu.memory_space<hbm>> -> memref<1x2x128xi32, #tpu.memory_space<hbm>>
      %dma_wait3A_116 = tpu.memref_squeeze %dma_wait3A_115 : memref<1x2x128xi32, #tpu.memory_space<hbm>> -> memref<2x128xi32, #tpu.memory_space<hbm>>
      %dma_wait3A_117 = arith.constant 0 : i32
      %dma_wait3A_118 = arith.constant 0 : i32
      %dma_wait3A_119 = tpu.memref_slice %arg2[%add3A_63, %dma_wait3A_117, %dma_wait3A_118] : memref<2592x2x128xi32, #tpu.memory_space<hbm>> -> memref<1x2x128xi32, #tpu.memory_space<hbm>>
      %dma_wait3A_120 = tpu.memref_squeeze %dma_wait3A_119 : memref<1x2x128xi32, #tpu.memory_space<hbm>> -> memref<2x128xi32, #tpu.memory_space<hbm>>
      tpu.wait_dma2 semaphore(%run_scoped3A : memref<!tpu.dma_semaphore, #tpu.memory_space<semaphore_mem>>) src(%dma_wait3A_120 : memref<2x128xi32, #tpu.memory_space<hbm>>) dst(%arg9 : memref<2x128xi32, #tpu.memory_space<vmem>>)
      tpu.yield
    }) : () -> ()
    %dma_start3A = arith.constant 1 : i32
    %dma_start3A_64 = arith.constant 0 : i32
    %dma_start3A_65 = tpu.memref_slice %arg9[%dma_start3A, %dma_start3A_64] : memref<2x128xi32, #tpu.memory_space<vmem>> -> memref<1x128xi32, #tpu.memory_space<vmem>>
    %dma_start3A_66 = tpu.memref_squeeze %dma_start3A_65 : memref<1x128xi32, #tpu.memory_space<vmem>> -> memref<128xi32, #tpu.memory_space<vmem>>
    %dma_start3A_67 = arith.constant 0 : i32
    %dma_start3A_68 = arith.constant 0 : i32
    %dma_start3A_69 = tpu.memref_slice %arg4[%dma_start3A_67, %dma_start3A_68] : memref<10000x64xf32, #tpu.memory_space<hbm>> -> memref<10000x64xf32, #tpu.memory_space<hbm>>
    tpu.enqueue_indirect_dma source(%dma_start3A_69 : memref<10000x64xf32, #tpu.memory_space<hbm>>) target(%arg6 : memref<128x64xf32, #tpu.memory_space<vmem>>) offsets(%dma_start3A_66 : memref<128xi32, #tpu.memory_space<vmem>>) semaphore(%arg16 : memref<!tpu.dma_semaphore, #tpu.memory_space<semaphore_mem>>)
    %add3A_70 = arith.constant 1 : i32
    %add3A_71 = arith.addi %mul3A_2, %add3A_70 : i32
    "tpu.region"() ({
      %run_scoped3A = tpu.sem_alloc : memref<!tpu.dma_semaphore, #tpu.memory_space<semaphore_mem>>
      %dma_start3A_105 = arith.constant 0 : i32
      %dma_start3A_106 = arith.constant 0 : i32
      %dma_start3A_107 = tpu.memref_slice %arg2[%add3A_71, %dma_start3A_105, %dma_start3A_106] : memref<2592x2x128xi32, #tpu.memory_space<hbm>> -> memref<1x2x128xi32, #tpu.memory_space<hbm>>
      %dma_start3A_108 = tpu.memref_squeeze %dma_start3A_107 : memref<1x2x128xi32, #tpu.memory_space<hbm>> -> memref<2x128xi32, #tpu.memory_space<hbm>>
      %dma_start3A_109 = arith.constant 0 : i32
      %dma_start3A_110 = arith.constant 0 : i32
      %dma_start3A_111 = tpu.memref_slice %arg2[%add3A_71, %dma_start3A_109, %dma_start3A_110] : memref<2592x2x128xi32, #tpu.memory_space<hbm>> -> memref<1x2x128xi32, #tpu.memory_space<hbm>>
      %dma_start3A_112 = tpu.memref_squeeze %dma_start3A_111 : memref<1x2x128xi32, #tpu.memory_space<hbm>> -> memref<2x128xi32, #tpu.memory_space<hbm>>
      tpu.enqueue_dma source(%dma_start3A_112 : memref<2x128xi32, #tpu.memory_space<hbm>>) target(%arg10 : memref<2x128xi32, #tpu.memory_space<vmem>>) target_semaphore(%run_scoped3A : memref<!tpu.dma_semaphore, #tpu.memory_space<semaphore_mem>>)
      %dma_wait3A_113 = arith.constant 0 : i32
      %dma_wait3A_114 = arith.constant 0 : i32
      %dma_wait3A_115 = tpu.memref_slice %arg2[%add3A_71, %dma_wait3A_113, %dma_wait3A_114] : memref<2592x2x128xi32, #tpu.memory_space<hbm>> -> memref<1x2x128xi32, #tpu.memory_space<hbm>>
      %dma_wait3A_116 = tpu.memref_squeeze %dma_wait3A_115 : memref<1x2x128xi32, #tpu.memory_space<hbm>> -> memref<2x128xi32, #tpu.memory_space<hbm>>
      %dma_wait3A_117 = arith.constant 0 : i32
      %dma_wait3A_118 = arith.constant 0 : i32
      %dma_wait3A_119 = tpu.memref_slice %arg2[%add3A_71, %dma_wait3A_117, %dma_wait3A_118] : memref<2592x2x128xi32, #tpu.memory_space<hbm>> -> memref<1x2x128xi32, #tpu.memory_space<hbm>>
      %dma_wait3A_120 = tpu.memref_squeeze %dma_wait3A_119 : memref<1x2x128xi32, #tpu.memory_space<hbm>> -> memref<2x128xi32, #tpu.memory_space<hbm>>
      tpu.wait_dma2 semaphore(%run_scoped3A : memref<!tpu.dma_semaphore, #tpu.memory_space<semaphore_mem>>) src(%dma_wait3A_120 : memref<2x128xi32, #tpu.memory_space<hbm>>) dst(%arg10 : memref<2x128xi32, #tpu.memory_space<vmem>>)
      tpu.yield
    }) : () -> ()
    %dma_start3A_72 = arith.constant 1 : i32
    %dma_start3A_73 = arith.constant 0 : i32
    %dma_start3A_74 = tpu.memref_slice %arg10[%dma_start3A_72, %dma_start3A_73] : memref<2x128xi32, #tpu.memory_space<vmem>> -> memref<1x128xi32, #tpu.memory_space<vmem>>
    %dma_start3A_75 = tpu.memref_squeeze %dma_start3A_74 : memref<1x128xi32, #tpu.memory_space<vmem>> -> memref<128xi32, #tpu.memory_space<vmem>>
    %dma_start3A_76 = arith.constant 0 : i32
    %dma_start3A_77 = arith.constant 0 : i32
    %dma_start3A_78 = tpu.memref_slice %arg4[%dma_start3A_76, %dma_start3A_77] : memref<10000x64xf32, #tpu.memory_space<hbm>> -> memref<10000x64xf32, #tpu.memory_space<hbm>>
    tpu.enqueue_indirect_dma source(%dma_start3A_78 : memref<10000x64xf32, #tpu.memory_space<hbm>>) target(%arg7 : memref<128x64xf32, #tpu.memory_space<vmem>>) offsets(%dma_start3A_75 : memref<128xi32, #tpu.memory_space<vmem>>) semaphore(%arg17 : memref<!tpu.dma_semaphore, #tpu.memory_space<semaphore_mem>>)
    %scan3A_79 = arith.constant 0 : i32
    %scan3A_80 = arith.constant 0 : i32
    %scan3A_81 = arith.constant 27 : i32
    %scan3A_82 = arith.addi %scan3A_80, %scan3A_81 : i32
    %scan3A_83 = arith.constant 1 : i32
    scf.for %scan3A_105 = %scan3A_80 to %scan3A_82 step %scan3A_83  : i32 {
      %mul3A_106 = arith.constant 3 : i32
      %mul3A_107 = arith.muli %scan3A_105, %mul3A_106 : i32
      %add3A_108 = arith.constant 0 : i32
      %add3A_109 = arith.addi %mul3A_107, %add3A_108 : i32
      %add3A_110 = arith.constant 2 : i32
      %add3A_111 = arith.addi %add3A_109, %add3A_110 : i32
      %lt3A_112 = arith.constant 81 : i32
      %lt3A_113 = arith.cmpi slt, %add3A_111, %lt3A_112 : i32
      %dma_wait3A_114 = arith.constant 1 : i32
      %dma_wait3A_115 = arith.constant 0 : i32
      %dma_wait3A_116 = tpu.memref_slice %arg9[%dma_wait3A_114, %dma_wait3A_115] : memref<2x128xi32, #tpu.memory_space<vmem>> -> memref<1x128xi32, #tpu.memory_space<vmem>>
      %dma_wait3A_117 = tpu.memref_squeeze %dma_wait3A_116 : memref<1x128xi32, #tpu.memory_space<vmem>> -> memref<128xi32, #tpu.memory_space<vmem>>
      %dma_wait3A_118 = arith.constant 0 : i32
      %dma_wait3A_119 = arith.constant 0 : i32
      %dma_wait3A_120 = tpu.memref_slice %arg4[%dma_wait3A_118, %dma_wait3A_119] : memref<10000x64xf32, #tpu.memory_space<hbm>> -> memref<10000x64xf32, #tpu.memory_space<hbm>>
      tpu.wait_indirect_dma semaphore(%arg16 : memref<!tpu.dma_semaphore, #tpu.memory_space<semaphore_mem>>) src(%dma_wait3A_120 : memref<10000x64xf32, #tpu.memory_space<hbm>>) dst(%arg6 : memref<128x64xf32, #tpu.memory_space<vmem>>)
      %convert_element_type3A_121 = arith.extui %lt3A_113 : i1 to i32
      %cond3A_122 = arith.constant 0 : i32
      %cond3A_123 = arith.cmpi ne, %convert_element_type3A_121, %cond3A_122 : i32
      scf.if %cond3A_123 {
        %add3A_232 = arith.addi %mul3A_2, %add3A_109 : i32
        %add3A_233 = arith.constant 2 : i32
        %add3A_234 = arith.addi %add3A_232, %add3A_233 : i32
        %dma_start3A_235 = arith.constant 0 : i32
        %dma_start3A_236 = arith.constant 0 : i32
        %dma_start3A_237 = tpu.memref_slice %arg2[%add3A_234, %dma_start3A_235, %dma_start3A_236] : memref<2592x2x128xi32, #tpu.memory_space<hbm>> -> memref<1x2x128xi32, #tpu.memory_space<hbm>>
        %dma_start3A_238 = tpu.memref_squeeze %dma_start3A_237 : memref<1x2x128xi32, #tpu.memory_space<hbm>> -> memref<2x128xi32, #tpu.memory_space<hbm>>
        %dma_start3A_239 = arith.constant 0 : i32
        %dma_start3A_240 = arith.constant 0 : i32
        %dma_start3A_241 = tpu.memref_slice %arg2[%add3A_234, %dma_start3A_239, %dma_start3A_240] : memref<2592x2x128xi32, #tpu.memory_space<hbm>> -> memref<1x2x128xi32, #tpu.memory_space<hbm>>
        %dma_start3A_242 = tpu.memref_squeeze %dma_start3A_241 : memref<1x2x128xi32, #tpu.memory_space<hbm>> -> memref<2x128xi32, #tpu.memory_space<hbm>>
        tpu.enqueue_dma source(%dma_start3A_242 : memref<2x128xi32, #tpu.memory_space<hbm>>) target(%arg11 : memref<2x128xi32, #tpu.memory_space<vmem>>) target_semaphore(%arg27 : memref<!tpu.dma_semaphore, #tpu.memory_space<semaphore_mem>>)
      } else {
      }
      %mul3A_124 = arith.constant 128 : i32
      %mul3A_125 = arith.muli %add3A_109, %mul3A_124 : i32
      %add3A_126 = arith.addi %mul3A_4, %mul3A_125 : i32
      %dma_start3A_127 = tpu.memref_slice %arg3[%add3A_126] : memref<331776xi32, #tpu.memory_space<hbm>> -> memref<128xi32, #tpu.memory_space<hbm>>
      %dma_start3A_128 = tpu.memref_slice %arg3[%add3A_126] : memref<331776xi32, #tpu.memory_space<hbm>> -> memref<128xi32, #tpu.memory_space<hbm>>
      tpu.enqueue_dma source(%dma_start3A_128 : memref<128xi32, #tpu.memory_space<hbm>>) target(%arg12 : memref<128xi32, #tpu.memory_space<vmem>>) target_semaphore(%arg22 : memref<!tpu.dma_semaphore, #tpu.memory_space<semaphore_mem>>)
      %parallel_loop3A = arith.constant 0 : i32
      %parallel_loop3A_129 = arith.constant 128 : i32
      %parallel_loop3A_130 = arith.constant 1 : i32
      scf.for %parallel_loop3A_232 = %parallel_loop3A to %parallel_loop3A_129 step %parallel_loop3A_130  : i32 {
        %parallel_loop3A_233 = arith.constant 0 : i32
        %parallel_loop3A_234 = arith.index_cast %parallel_loop3A_233 : i32 to index
        %parallel_loop3A_235 = arith.index_cast %parallel_loop3A_232 : i32 to index
        %parallel_loop3A_236 = tpu.vector_load %arg9[%parallel_loop3A_234, %parallel_loop3A_235] {strides = array<i32>} : memref<2x128xi32, #tpu.memory_space<vmem>>, vector<1x16xi32>,
        %parallel_loop3A_237 = vector.shape_cast %parallel_loop3A_236 : vector<1x16xi32> to vector<16xi32>
        %parallel_loop3A_238 = vector.extract_strided_slice %parallel_loop3A_237 {offsets = [0], sizes = [1], strides = [1]} : vector<16xi32> to vector<1xi32>
        %parallel_loop3A_239 = vector.extract %parallel_loop3A_238[0] : i32 from vector<1xi32>
        %parallel_loop3A_240 = arith.bitcast %parallel_loop3A_239 : i32 to f32
        %parallel_loop3A_241 = arith.index_cast %parallel_loop3A_232 : i32 to index
        %parallel_loop3A_242 = arith.constant 0 : index
        %parallel_loop3A_243 = tpu.vector_load %arg6[%parallel_loop3A_241, %parallel_loop3A_242] {strides = array<i32>} : memref<128x64xf32, #tpu.memory_space<vmem>>, vector<1x16xf32>,
        %parallel_loop3A_244 = vector.shape_cast %parallel_loop3A_243 : vector<1x16xf32> to vector<16xf32>
        %parallel_loop3A_245 = vector.broadcast %parallel_loop3A_240 : f32 to vector<16xf32>
        %parallel_loop3A_246 = arith.mulf %parallel_loop3A_244, %parallel_loop3A_245 : vector<16xf32>
        %parallel_loop3A_247 = arith.index_cast %parallel_loop3A_232 : i32 to index
        %parallel_loop3A_248 = arith.constant 0 : index
        %parallel_loop3A_249 = tpu.vector_load %arg6[%parallel_loop3A_247, %parallel_loop3A_248] {strides = array<i32>} : memref<128x64xf32, #tpu.memory_space<vmem>>, vector<1x16xf32>,
        %parallel_loop3A_250 = vector.shape_cast %parallel_loop3A_249 : vector<1x16xf32> to vector<16xf32>
        %parallel_loop3A_251 = vector.shape_cast %parallel_loop3A_246 : vector<16xf32> to vector<1x16xf32>
        tpu.vector_store %arg6[%parallel_loop3A_247, %parallel_loop3A_248], %parallel_loop3A_251 {strides = array<i32>} : memref<128x64xf32, #tpu.memory_space<vmem>>, vector<1x16xf32>,
        %parallel_loop3A_252 = arith.index_cast %parallel_loop3A_232 : i32 to index
        %parallel_loop3A_253 = arith.constant 16 : index
        %parallel_loop3A_254 = tpu.vector_load %arg6[%parallel_loop3A_252, %parallel_loop3A_253] {strides = array<i32>} : memref<128x64xf32, #tpu.memory_space<vmem>>, vector<1x16xf32>,
        %parallel_loop3A_255 = vector.shape_cast %parallel_loop3A_254 : vector<1x16xf32> to vector<16xf32>
        %parallel_loop3A_256 = vector.broadcast %parallel_loop3A_240 : f32 to vector<16xf32>
        %parallel_loop3A_257 = arith.mulf %parallel_loop3A_255, %parallel_loop3A_256 : vector<16xf32>
        %parallel_loop3A_258 = arith.index_cast %parallel_loop3A_232 : i32 to index
        %parallel_loop3A_259 = arith.constant 16 : index
        %parallel_loop3A_260 = tpu.vector_load %arg6[%parallel_loop3A_258, %parallel_loop3A_259] {strides = array<i32>} : memref<128x64xf32, #tpu.memory_space<vmem>>, vector<1x16xf32>,
        %parallel_loop3A_261 = vector.shape_cast %parallel_loop3A_260 : vector<1x16xf32> to vector<16xf32>
        %parallel_loop3A_262 = vector.shape_cast %parallel_loop3A_257 : vector<16xf32> to vector<1x16xf32>
        tpu.vector_store %arg6[%parallel_loop3A_258, %parallel_loop3A_259], %parallel_loop3A_262 {strides = array<i32>} : memref<128x64xf32, #tpu.memory_space<vmem>>, vector<1x16xf32>,
        %parallel_loop3A_263 = arith.index_cast %parallel_loop3A_232 : i32 to index
        %parallel_loop3A_264 = arith.constant 32 : index
        %parallel_loop3A_265 = tpu.vector_load %arg6[%parallel_loop3A_263, %parallel_loop3A_264] {strides = array<i32>} : memref<128x64xf32, #tpu.memory_space<vmem>>, vector<1x16xf32>,
        %parallel_loop3A_266 = vector.shape_cast %parallel_loop3A_265 : vector<1x16xf32> to vector<16xf32>
        %parallel_loop3A_267 = vector.broadcast %parallel_loop3A_240 : f32 to vector<16xf32>
        %parallel_loop3A_268 = arith.mulf %parallel_loop3A_266, %parallel_loop3A_267 : vector<16xf32>
        %parallel_loop3A_269 = arith.index_cast %parallel_loop3A_232 : i32 to index
        %parallel_loop3A_270 = arith.constant 32 : index
        %parallel_loop3A_271 = tpu.vector_load %arg6[%parallel_loop3A_269, %parallel_loop3A_270] {strides = array<i32>} : memref<128x64xf32, #tpu.memory_space<vmem>>, vector<1x16xf32>,
        %parallel_loop3A_272 = vector.shape_cast %parallel_loop3A_271 : vector<1x16xf32> to vector<16xf32>
        %parallel_loop3A_273 = vector.shape_cast %parallel_loop3A_268 : vector<16xf32> to vector<1x16xf32>
        tpu.vector_store %arg6[%parallel_loop3A_269, %parallel_loop3A_270], %parallel_loop3A_273 {strides = array<i32>} : memref<128x64xf32, #tpu.memory_space<vmem>>, vector<1x16xf32>,
        %parallel_loop3A_274 = arith.index_cast %parallel_loop3A_232 : i32 to index
        %parallel_loop3A_275 = arith.constant 48 : index
        %parallel_loop3A_276 = tpu.vector_load %arg6[%parallel_loop3A_274, %parallel_loop3A_275] {strides = array<i32>} : memref<128x64xf32, #tpu.memory_space<vmem>>, vector<1x16xf32>,
        %parallel_loop3A_277 = vector.shape_cast %parallel_loop3A_276 : vector<1x16xf32> to vector<16xf32>
        %parallel_loop3A_278 = vector.broadcast %parallel_loop3A_240 : f32 to vector<16xf32>
        %parallel_loop3A_279 = arith.mulf %parallel_loop3A_277, %parallel_loop3A_278 : vector<16xf32>
        %parallel_loop3A_280 = arith.index_cast %parallel_loop3A_232 : i32 to index
        %parallel_loop3A_281 = arith.constant 48 : index
        %parallel_loop3A_282 = tpu.vector_load %arg6[%parallel_loop3A_280, %parallel_loop3A_281] {strides = array<i32>} : memref<128x64xf32, #tpu.memory_space<vmem>>, vector<1x16xf32>,
        %parallel_loop3A_283 = vector.shape_cast %parallel_loop3A_282 : vector<1x16xf32> to vector<16xf32>
        %parallel_loop3A_284 = vector.shape_cast %parallel_loop3A_279 : vector<16xf32> to vector<1x16xf32>
        tpu.vector_store %arg6[%parallel_loop3A_280, %parallel_loop3A_281], %parallel_loop3A_284 {strides = array<i32>} : memref<128x64xf32, #tpu.memory_space<vmem>>, vector<1x16xf32>,
      } {sc.loop_unroll_factor = 4 : i64, sc.parallel_access}
      %ge3A = arith.constant 1 : i32
      %ge3A_131 = arith.cmpi sge, %add3A_109, %ge3A : i32
      %and3A = arith.andi %ge3A_131, %lt3A_113 : i1
      %convert_element_type3A_132 = arith.extui %and3A : i1 to i32
      %cond3A_133 = arith.constant 0 : i32
      %cond3A_134 = arith.cmpi ne, %convert_element_type3A_132, %cond3A_133 : i32
      scf.if %cond3A_134 {
        %dma_wait3A_232 = arith.constant 0 : i32
        %dma_wait3A_233 = arith.constant 0 : i32
        %dma_wait3A_234 = tpu.memref_slice %arg15[%dma_wait3A_232, %dma_wait3A_233] : memref<10000x64xf32, #tpu.memory_space<vmem_shared>> -> memref<10000x64xf32, #tpu.memory_space<vmem_shared>>
        tpu.wait_indirect_dma semaphore(%arg21 : memref<!tpu.dma_semaphore, #tpu.memory_space<semaphore_mem>>) src(%arg8 : memref<128x64xf32, #tpu.memory_space<vmem>>) dst(%dma_wait3A_234 : memref<10000x64xf32, #tpu.memory_space<vmem_shared>>)
      } else {
      }
      %convert_element_type3A_135 = arith.extui %lt3A_113 : i1 to i32
      %cond3A_136 = arith.constant 0 : i32
      %cond3A_137 = arith.cmpi ne, %convert_element_type3A_135, %cond3A_136 : i32
      scf.if %cond3A_137 {
        %add3A_232 = arith.addi %mul3A_2, %add3A_109 : i32
        %add3A_233 = arith.constant 2 : i32
        %add3A_234 = arith.addi %add3A_232, %add3A_233 : i32
        %dma_wait3A_235 = arith.constant 0 : i32
        %dma_wait3A_236 = arith.constant 0 : i32
        %dma_wait3A_237 = tpu.memref_slice %arg2[%add3A_234, %dma_wait3A_235, %dma_wait3A_236] : memref<2592x2x128xi32, #tpu.memory_space<hbm>> -> memref<1x2x128xi32, #tpu.memory_space<hbm>>
        %dma_wait3A_238 = tpu.memref_squeeze %dma_wait3A_237 : memref<1x2x128xi32, #tpu.memory_space<hbm>> -> memref<2x128xi32, #tpu.memory_space<hbm>>
        %dma_wait3A_239 = arith.constant 0 : i32
        %dma_wait3A_240 = arith.constant 0 : i32
        %dma_wait3A_241 = tpu.memref_slice %arg2[%add3A_234, %dma_wait3A_239, %dma_wait3A_240] : memref<2592x2x128xi32, #tpu.memory_space<hbm>> -> memref<1x2x128xi32, #tpu.memory_space<hbm>>
        %dma_wait3A_242 = tpu.memref_squeeze %dma_wait3A_241 : memref<1x2x128xi32, #tpu.memory_space<hbm>> -> memref<2x128xi32, #tpu.memory_space<hbm>>
        tpu.wait_dma2 semaphore(%arg27 : memref<!tpu.dma_semaphore, #tpu.memory_space<semaphore_mem>>) src(%dma_wait3A_242 : memref<2x128xi32, #tpu.memory_space<hbm>>) dst(%arg11 : memref<2x128xi32, #tpu.memory_space<vmem>>)
        %dma_start3A_243 = arith.constant 1 : i32
        %dma_start3A_244 = arith.constant 0 : i32
        %dma_start3A_245 = tpu.memref_slice %arg11[%dma_start3A_243, %dma_start3A_244] : memref<2x128xi32, #tpu.memory_space<vmem>> -> memref<1x128xi32, #tpu.memory_space<vmem>>
        %dma_start3A_246 = tpu.memref_squeeze %dma_start3A_245 : memref<1x128xi32, #tpu.memory_space<vmem>> -> memref<128xi32, #tpu.memory_space<vmem>>
        %dma_start3A_247 = arith.constant 0 : i32
        %dma_start3A_248 = arith.constant 0 : i32
        %dma_start3A_249 = tpu.memref_slice %arg4[%dma_start3A_247, %dma_start3A_248] : memref<10000x64xf32, #tpu.memory_space<hbm>> -> memref<10000x64xf32, #tpu.memory_space<hbm>>
        tpu.enqueue_indirect_dma source(%dma_start3A_249 : memref<10000x64xf32, #tpu.memory_space<hbm>>) target(%arg8 : memref<128x64xf32, #tpu.memory_space<vmem>>) offsets(%dma_start3A_246 : memref<128xi32, #tpu.memory_space<vmem>>) semaphore(%arg18 : memref<!tpu.dma_semaphore, #tpu.memory_space<semaphore_mem>>)
      } else {
      }
      %mul3A_138 = arith.constant 128 : i32
      %mul3A_139 = arith.muli %add3A_109, %mul3A_138 : i32
      %add3A_140 = arith.addi %mul3A_4, %mul3A_139 : i32
      %dma_wait3A_141 = tpu.memref_slice %arg3[%add3A_140] : memref<331776xi32, #tpu.memory_space<hbm>> -> memref<128xi32, #tpu.memory_space<hbm>>
      %dma_wait3A_142 = tpu.memref_slice %arg3[%add3A_140] : memref<331776xi32, #tpu.memory_space<hbm>> -> memref<128xi32, #tpu.memory_space<hbm>>
      tpu.wait_dma2 semaphore(%arg22 : memref<!tpu.dma_semaphore, #tpu.memory_space<semaphore_mem>>) src(%dma_wait3A_142 : memref<128xi32, #tpu.memory_space<hbm>>) dst(%arg12 : memref<128xi32, #tpu.memory_space<vmem>>)
      %dma_start3A_143 = arith.constant 0 : i32
      %dma_start3A_144 = arith.constant 0 : i32
      %dma_start3A_145 = tpu.memref_slice %arg15[%dma_start3A_143, %dma_start3A_144] : memref<10000x64xf32, #tpu.memory_space<vmem_shared>> -> memref<10000x64xf32, #tpu.memory_space<vmem_shared>>
      tpu.enqueue_indirect_dma source(%arg6 : memref<128x64xf32, #tpu.memory_space<vmem>>) target(%dma_start3A_145 : memref<10000x64xf32, #tpu.memory_space<vmem_shared>>) offsets(%arg12 : memref<128xi32, #tpu.memory_space<vmem>>) semaphore(%arg19 : memref<!tpu.dma_semaphore, #tpu.memory_space<semaphore_mem>>) {add = true}
      %mul3A_146 = arith.constant 3 : i32
      %mul3A_147 = arith.muli %scan3A_105, %mul3A_146 : i32
      %add3A_148 = arith.constant 1 : i32
      %add3A_149 = arith.addi %mul3A_147, %add3A_148 : i32
      %add3A_150 = arith.constant 2 : i32
      %add3A_151 = arith.addi %add3A_149, %add3A_150 : i32
      %lt3A_152 = arith.constant 81 : i32
      %lt3A_153 = arith.cmpi slt, %add3A_151, %lt3A_152 : i32
      %dma_wait3A_154 = arith.constant 1 : i32
      %dma_wait3A_155 = arith.constant 0 : i32
      %dma_wait3A_156 = tpu.memref_slice %arg10[%dma_wait3A_154, %dma_wait3A_155] : memref<2x128xi32, #tpu.memory_space<vmem>> -> memref<1x128xi32, #tpu.memory_space<vmem>>
      %dma_wait3A_157 = tpu.memref_squeeze %dma_wait3A_156 : memref<1x128xi32, #tpu.memory_space<vmem>> -> memref<128xi32, #tpu.memory_space<vmem>>
      %dma_wait3A_158 = arith.constant 0 : i32
      %dma_wait3A_159 = arith.constant 0 : i32
      %dma_wait3A_160 = tpu.memref_slice %arg4[%dma_wait3A_158, %dma_wait3A_159] : memref<10000x64xf32, #tpu.memory_space<hbm>> -> memref<10000x64xf32, #tpu.memory_space<hbm>>
      tpu.wait_indirect_dma semaphore(%arg17 : memref<!tpu.dma_semaphore, #tpu.memory_space<semaphore_mem>>) src(%dma_wait3A_160 : memref<10000x64xf32, #tpu.memory_space<hbm>>) dst(%arg7 : memref<128x64xf32, #tpu.memory_space<vmem>>)
      %convert_element_type3A_161 = arith.extui %lt3A_153 : i1 to i32
      %cond3A_162 = arith.constant 0 : i32
      %cond3A_163 = arith.cmpi ne, %convert_element_type3A_161, %cond3A_162 : i32
      scf.if %cond3A_163 {
        %add3A_232 = arith.addi %mul3A_2, %add3A_149 : i32
        %add3A_233 = arith.constant 2 : i32
        %add3A_234 = arith.addi %add3A_232, %add3A_233 : i32
        %dma_start3A_235 = arith.constant 0 : i32
        %dma_start3A_236 = arith.constant 0 : i32
        %dma_start3A_237 = tpu.memref_slice %arg2[%add3A_234, %dma_start3A_235, %dma_start3A_236] : memref<2592x2x128xi32, #tpu.memory_space<hbm>> -> memref<1x2x128xi32, #tpu.memory_space<hbm>>
        %dma_start3A_238 = tpu.memref_squeeze %dma_start3A_237 : memref<1x2x128xi32, #tpu.memory_space<hbm>> -> memref<2x128xi32, #tpu.memory_space<hbm>>
        %dma_start3A_239 = arith.constant 0 : i32
        %dma_start3A_240 = arith.constant 0 : i32
        %dma_start3A_241 = tpu.memref_slice %arg2[%add3A_234, %dma_start3A_239, %dma_start3A_240] : memref<2592x2x128xi32, #tpu.memory_space<hbm>> -> memref<1x2x128xi32, #tpu.memory_space<hbm>>
        %dma_start3A_242 = tpu.memref_squeeze %dma_start3A_241 : memref<1x2x128xi32, #tpu.memory_space<hbm>> -> memref<2x128xi32, #tpu.memory_space<hbm>>
        tpu.enqueue_dma source(%dma_start3A_242 : memref<2x128xi32, #tpu.memory_space<hbm>>) target(%arg9 : memref<2x128xi32, #tpu.memory_space<vmem>>) target_semaphore(%arg25 : memref<!tpu.dma_semaphore, #tpu.memory_space<semaphore_mem>>)
      } else {
      }
      %mul3A_164 = arith.constant 128 : i32
      %mul3A_165 = arith.muli %add3A_149, %mul3A_164 : i32
      %add3A_166 = arith.addi %mul3A_4, %mul3A_165 : i32
      %dma_start3A_167 = tpu.memref_slice %arg3[%add3A_166] : memref<331776xi32, #tpu.memory_space<hbm>> -> memref<128xi32, #tpu.memory_space<hbm>>
      %dma_start3A_168 = tpu.memref_slice %arg3[%add3A_166] : memref<331776xi32, #tpu.memory_space<hbm>> -> memref<128xi32, #tpu.memory_space<hbm>>
      tpu.enqueue_dma source(%dma_start3A_168 : memref<128xi32, #tpu.memory_space<hbm>>) target(%arg13 : memref<128xi32, #tpu.memory_space<vmem>>) target_semaphore(%arg23 : memref<!tpu.dma_semaphore, #tpu.memory_space<semaphore_mem>>)
      %parallel_loop3A_169 = arith.constant 0 : i32
      %parallel_loop3A_170 = arith.constant 128 : i32
      %parallel_loop3A_171 = arith.constant 1 : i32
      scf.for %parallel_loop3A_232 = %parallel_loop3A_169 to %parallel_loop3A_170 step %parallel_loop3A_171  : i32 {
        %parallel_loop3A_233 = arith.constant 0 : i32
        %parallel_loop3A_234 = arith.index_cast %parallel_loop3A_233 : i32 to index
        %parallel_loop3A_235 = arith.index_cast %parallel_loop3A_232 : i32 to index
        %parallel_loop3A_236 = tpu.vector_load %arg10[%parallel_loop3A_234, %parallel_loop3A_235] {strides = array<i32>} : memref<2x128xi32, #tpu.memory_space<vmem>>, vector<1x16xi32>,
        %parallel_loop3A_237 = vector.shape_cast %parallel_loop3A_236 : vector<1x16xi32> to vector<16xi32>
        %parallel_loop3A_238 = vector.extract_strided_slice %parallel_loop3A_237 {offsets = [0], sizes = [1], strides = [1]} : vector<16xi32> to vector<1xi32>
        %parallel_loop3A_239 = vector.extract %parallel_loop3A_238[0] : i32 from vector<1xi32>
        %parallel_loop3A_240 = arith.bitcast %parallel_loop3A_239 : i32 to f32
        %parallel_loop3A_241 = arith.index_cast %parallel_loop3A_232 : i32 to index
        %parallel_loop3A_242 = arith.constant 0 : index
        %parallel_loop3A_243 = tpu.vector_load %arg7[%parallel_loop3A_241, %parallel_loop3A_242] {strides = array<i32>} : memref<128x64xf32, #tpu.memory_space<vmem>>, vector<1x16xf32>,
        %parallel_loop3A_244 = vector.shape_cast %parallel_loop3A_243 : vector<1x16xf32> to vector<16xf32>
        %parallel_loop3A_245 = vector.broadcast %parallel_loop3A_240 : f32 to vector<16xf32>
        %parallel_loop3A_246 = arith.mulf %parallel_loop3A_244, %parallel_loop3A_245 : vector<16xf32>
        %parallel_loop3A_247 = arith.index_cast %parallel_loop3A_232 : i32 to index
        %parallel_loop3A_248 = arith.constant 0 : index
        %parallel_loop3A_249 = tpu.vector_load %arg7[%parallel_loop3A_247, %parallel_loop3A_248] {strides = array<i32>} : memref<128x64xf32, #tpu.memory_space<vmem>>, vector<1x16xf32>,
        %parallel_loop3A_250 = vector.shape_cast %parallel_loop3A_249 : vector<1x16xf32> to vector<16xf32>
        %parallel_loop3A_251 = vector.shape_cast %parallel_loop3A_246 : vector<16xf32> to vector<1x16xf32>
        tpu.vector_store %arg7[%parallel_loop3A_247, %parallel_loop3A_248], %parallel_loop3A_251 {strides = array<i32>} : memref<128x64xf32, #tpu.memory_space<vmem>>, vector<1x16xf32>,
        %parallel_loop3A_252 = arith.index_cast %parallel_loop3A_232 : i32 to index
        %parallel_loop3A_253 = arith.constant 16 : index
        %parallel_loop3A_254 = tpu.vector_load %arg7[%parallel_loop3A_252, %parallel_loop3A_253] {strides = array<i32>} : memref<128x64xf32, #tpu.memory_space<vmem>>, vector<1x16xf32>,
        %parallel_loop3A_255 = vector.shape_cast %parallel_loop3A_254 : vector<1x16xf32> to vector<16xf32>
        %parallel_loop3A_256 = vector.broadcast %parallel_loop3A_240 : f32 to vector<16xf32>
        %parallel_loop3A_257 = arith.mulf %parallel_loop3A_255, %parallel_loop3A_256 : vector<16xf32>
        %parallel_loop3A_258 = arith.index_cast %parallel_loop3A_232 : i32 to index
        %parallel_loop3A_259 = arith.constant 16 : index
        %parallel_loop3A_260 = tpu.vector_load %arg7[%parallel_loop3A_258, %parallel_loop3A_259] {strides = array<i32>} : memref<128x64xf32, #tpu.memory_space<vmem>>, vector<1x16xf32>,
        %parallel_loop3A_261 = vector.shape_cast %parallel_loop3A_260 : vector<1x16xf32> to vector<16xf32>
        %parallel_loop3A_262 = vector.shape_cast %parallel_loop3A_257 : vector<16xf32> to vector<1x16xf32>
        tpu.vector_store %arg7[%parallel_loop3A_258, %parallel_loop3A_259], %parallel_loop3A_262 {strides = array<i32>} : memref<128x64xf32, #tpu.memory_space<vmem>>, vector<1x16xf32>,
        %parallel_loop3A_263 = arith.index_cast %parallel_loop3A_232 : i32 to index
        %parallel_loop3A_264 = arith.constant 32 : index
        %parallel_loop3A_265 = tpu.vector_load %arg7[%parallel_loop3A_263, %parallel_loop3A_264] {strides = array<i32>} : memref<128x64xf32, #tpu.memory_space<vmem>>, vector<1x16xf32>,
        %parallel_loop3A_266 = vector.shape_cast %parallel_loop3A_265 : vector<1x16xf32> to vector<16xf32>
        %parallel_loop3A_267 = vector.broadcast %parallel_loop3A_240 : f32 to vector<16xf32>
        %parallel_loop3A_268 = arith.mulf %parallel_loop3A_266, %parallel_loop3A_267 : vector<16xf32>
        %parallel_loop3A_269 = arith.index_cast %parallel_loop3A_232 : i32 to index
        %parallel_loop3A_270 = arith.constant 32 : index
        %parallel_loop3A_271 = tpu.vector_load %arg7[%parallel_loop3A_269, %parallel_loop3A_270] {strides = array<i32>} : memref<128x64xf32, #tpu.memory_space<vmem>>, vector<1x16xf32>,
        %parallel_loop3A_272 = vector.shape_cast %parallel_loop3A_271 : vector<1x16xf32> to vector<16xf32>
        %parallel_loop3A_273 = vector.shape_cast %parallel_loop3A_268 : vector<16xf32> to vector<1x16xf32>
        tpu.vector_store %arg7[%parallel_loop3A_269, %parallel_loop3A_270], %parallel_loop3A_273 {strides = array<i32>} : memref<128x64xf32, #tpu.memory_space<vmem>>, vector<1x16xf32>,
        %parallel_loop3A_274 = arith.index_cast %parallel_loop3A_232 : i32 to index
        %parallel_loop3A_275 = arith.constant 48 : index
        %parallel_loop3A_276 = tpu.vector_load %arg7[%parallel_loop3A_274, %parallel_loop3A_275] {strides = array<i32>} : memref<128x64xf32, #tpu.memory_space<vmem>>, vector<1x16xf32>,
        %parallel_loop3A_277 = vector.shape_cast %parallel_loop3A_276 : vector<1x16xf32> to vector<16xf32>
        %parallel_loop3A_278 = vector.broadcast %parallel_loop3A_240 : f32 to vector<16xf32>
        %parallel_loop3A_279 = arith.mulf %parallel_loop3A_277, %parallel_loop3A_278 : vector<16xf32>
        %parallel_loop3A_280 = arith.index_cast %parallel_loop3A_232 : i32 to index
        %parallel_loop3A_281 = arith.constant 48 : index
        %parallel_loop3A_282 = tpu.vector_load %arg7[%parallel_loop3A_280, %parallel_loop3A_281] {strides = array<i32>} : memref<128x64xf32, #tpu.memory_space<vmem>>, vector<1x16xf32>,
        %parallel_loop3A_283 = vector.shape_cast %parallel_loop3A_282 : vector<1x16xf32> to vector<16xf32>
        %parallel_loop3A_284 = vector.shape_cast %parallel_loop3A_279 : vector<16xf32> to vector<1x16xf32>
        tpu.vector_store %arg7[%parallel_loop3A_280, %parallel_loop3A_281], %parallel_loop3A_284 {strides = array<i32>} : memref<128x64xf32, #tpu.memory_space<vmem>>, vector<1x16xf32>,
      } {sc.loop_unroll_factor = 4 : i64, sc.parallel_access}
      %ge3A_172 = arith.constant 1 : i32
      %ge3A_173 = arith.cmpi sge, %add3A_149, %ge3A_172 : i32
      %and3A_174 = arith.andi %ge3A_173, %lt3A_153 : i1
      %convert_element_type3A_175 = arith.extui %and3A_174 : i1 to i32
      %cond3A_176 = arith.constant 0 : i32
      %cond3A_177 = arith.cmpi ne, %convert_element_type3A_175, %cond3A_176 : i32
      scf.if %cond3A_177 {
        %dma_wait3A_232 = arith.constant 0 : i32
        %dma_wait3A_233 = arith.constant 0 : i32
        %dma_wait3A_234 = tpu.memref_slice %arg15[%dma_wait3A_232, %dma_wait3A_233] : memref<10000x64xf32, #tpu.memory_space<vmem_shared>> -> memref<10000x64xf32, #tpu.memory_space<vmem_shared>>
        tpu.wait_indirect_dma semaphore(%arg19 : memref<!tpu.dma_semaphore, #tpu.memory_space<semaphore_mem>>) src(%arg6 : memref<128x64xf32, #tpu.memory_space<vmem>>) dst(%dma_wait3A_234 : memref<10000x64xf32, #tpu.memory_space<vmem_shared>>)
      } else {
      }
      %convert_element_type3A_178 = arith.extui %lt3A_153 : i1 to i32
      %cond3A_179 = arith.constant 0 : i32
      %cond3A_180 = arith.cmpi ne, %convert_element_type3A_178, %cond3A_179 : i32
      scf.if %cond3A_180 {
        %add3A_232 = arith.addi %mul3A_2, %add3A_149 : i32
        %add3A_233 = arith.constant 2 : i32
        %add3A_234 = arith.addi %add3A_232, %add3A_233 : i32
        %dma_wait3A_235 = arith.constant 0 : i32
        %dma_wait3A_236 = arith.constant 0 : i32
        %dma_wait3A_237 = tpu.memref_slice %arg2[%add3A_234, %dma_wait3A_235, %dma_wait3A_236] : memref<2592x2x128xi32, #tpu.memory_space<hbm>> -> memref<1x2x128xi32, #tpu.memory_space<hbm>>
        %dma_wait3A_238 = tpu.memref_squeeze %dma_wait3A_237 : memref<1x2x128xi32, #tpu.memory_space<hbm>> -> memref<2x128xi32, #tpu.memory_space<hbm>>
        %dma_wait3A_239 = arith.constant 0 : i32
        %dma_wait3A_240 = arith.constant 0 : i32
        %dma_wait3A_241 = tpu.memref_slice %arg2[%add3A_234, %dma_wait3A_239, %dma_wait3A_240] : memref<2592x2x128xi32, #tpu.memory_space<hbm>> -> memref<1x2x128xi32, #tpu.memory_space<hbm>>
        %dma_wait3A_242 = tpu.memref_squeeze %dma_wait3A_241 : memref<1x2x128xi32, #tpu.memory_space<hbm>> -> memref<2x128xi32, #tpu.memory_space<hbm>>
        tpu.wait_dma2 semaphore(%arg25 : memref<!tpu.dma_semaphore, #tpu.memory_space<semaphore_mem>>) src(%dma_wait3A_242 : memref<2x128xi32, #tpu.memory_space<hbm>>) dst(%arg9 : memref<2x128xi32, #tpu.memory_space<vmem>>)
        %dma_start3A_243 = arith.constant 1 : i32
        %dma_start3A_244 = arith.constant 0 : i32
        %dma_start3A_245 = tpu.memref_slice %arg9[%dma_start3A_243, %dma_start3A_244] : memref<2x128xi32, #tpu.memory_space<vmem>> -> memref<1x128xi32, #tpu.memory_space<vmem>>
        %dma_start3A_246 = tpu.memref_squeeze %dma_start3A_245 : memref<1x128xi32, #tpu.memory_space<vmem>> -> memref<128xi32, #tpu.memory_space<vmem>>
        %dma_start3A_247 = arith.constant 0 : i32
        %dma_start3A_248 = arith.constant 0 : i32
        %dma_start3A_249 = tpu.memref_slice %arg4[%dma_start3A_247, %dma_start3A_248] : memref<10000x64xf32, #tpu.memory_space<hbm>> -> memref<10000x64xf32, #tpu.memory_space<hbm>>
        tpu.enqueue_indirect_dma source(%dma_start3A_249 : memref<10000x64xf32, #tpu.memory_space<hbm>>) target(%arg6 : memref<128x64xf32, #tpu.memory_space<vmem>>) offsets(%dma_start3A_246 : memref<128xi32, #tpu.memory_space<vmem>>) semaphore(%arg16 : memref<!tpu.dma_semaphore, #tpu.memory_space<semaphore_mem>>)
      } else {
      }
      %mul3A_181 = arith.constant 128 : i32
      %mul3A_182 = arith.muli %add3A_149, %mul3A_181 : i32
      %add3A_183 = arith.addi %mul3A_4, %mul3A_182 : i32
      %dma_wait3A_184 = tpu.memref_slice %arg3[%add3A_183] : memref<331776xi32, #tpu.memory_space<hbm>> -> memref<128xi32, #tpu.memory_space<hbm>>
      %dma_wait3A_185 = tpu.memref_slice %arg3[%add3A_183] : memref<331776xi32, #tpu.memory_space<hbm>> -> memref<128xi32, #tpu.memory_space<hbm>>
      tpu.wait_dma2 semaphore(%arg23 : memref<!tpu.dma_semaphore, #tpu.memory_space<semaphore_mem>>) src(%dma_wait3A_185 : memref<128xi32, #tpu.memory_space<hbm>>) dst(%arg13 : memref<128xi32, #tpu.memory_space<vmem>>)
      %dma_start3A_186 = arith.constant 0 : i32
      %dma_start3A_187 = arith.constant 0 : i32
      %dma_start3A_188 = tpu.memref_slice %arg15[%dma_start3A_186, %dma_start3A_187] : memref<10000x64xf32, #tpu.memory_space<vmem_shared>> -> memref<10000x64xf32, #tpu.memory_space<vmem_shared>>
      tpu.enqueue_indirect_dma source(%arg7 : memref<128x64xf32, #tpu.memory_space<vmem>>) target(%dma_start3A_188 : memref<10000x64xf32, #tpu.memory_space<vmem_shared>>) offsets(%arg13 : memref<128xi32, #tpu.memory_space<vmem>>) semaphore(%arg20 : memref<!tpu.dma_semaphore, #tpu.memory_space<semaphore_mem>>) {add = true}
      %mul3A_189 = arith.constant 3 : i32
      %mul3A_190 = arith.muli %scan3A_105, %mul3A_189 : i32
      %add3A_191 = arith.constant 2 : i32
      %add3A_192 = arith.addi %mul3A_190, %add3A_191 : i32
      %add3A_193 = arith.constant 2 : i32
      %add3A_194 = arith.addi %add3A_192, %add3A_193 : i32
      %lt3A_195 = arith.constant 81 : i32
      %lt3A_196 = arith.cmpi slt, %add3A_194, %lt3A_195 : i32
      %dma_wait3A_197 = arith.constant 1 : i32
      %dma_wait3A_198 = arith.constant 0 : i32
      %dma_wait3A_199 = tpu.memref_slice %arg11[%dma_wait3A_197, %dma_wait3A_198] : memref<2x128xi32, #tpu.memory_space<vmem>> -> memref<1x128xi32, #tpu.memory_space<vmem>>
      %dma_wait3A_200 = tpu.memref_squeeze %dma_wait3A_199 : memref<1x128xi32, #tpu.memory_space<vmem>> -> memref<128xi32, #tpu.memory_space<vmem>>
      %dma_wait3A_201 = arith.constant 0 : i32
      %dma_wait3A_202 = arith.constant 0 : i32
      %dma_wait3A_203 = tpu.memref_slice %arg4[%dma_wait3A_201, %dma_wait3A_202] : memref<10000x64xf32, #tpu.memory_space<hbm>> -> memref<10000x64xf32, #tpu.memory_space<hbm>>
      tpu.wait_indirect_dma semaphore(%arg18 : memref<!tpu.dma_semaphore, #tpu.memory_space<semaphore_mem>>) src(%dma_wait3A_203 : memref<10000x64xf32, #tpu.memory_space<hbm>>) dst(%arg8 : memref<128x64xf32, #tpu.memory_space<vmem>>)
      %convert_element_type3A_204 = arith.extui %lt3A_196 : i1 to i32
      %cond3A_205 = arith.constant 0 : i32
      %cond3A_206 = arith.cmpi ne, %convert_element_type3A_204, %cond3A_205 : i32
      scf.if %cond3A_206 {
        %add3A_232 = arith.addi %mul3A_2, %add3A_192 : i32
        %add3A_233 = arith.constant 2 : i32
        %add3A_234 = arith.addi %add3A_232, %add3A_233 : i32
        %dma_start3A_235 = arith.constant 0 : i32
        %dma_start3A_236 = arith.constant 0 : i32
        %dma_start3A_237 = tpu.memref_slice %arg2[%add3A_234, %dma_start3A_235, %dma_start3A_236] : memref<2592x2x128xi32, #tpu.memory_space<hbm>> -> memref<1x2x128xi32, #tpu.memory_space<hbm>>
        %dma_start3A_238 = tpu.memref_squeeze %dma_start3A_237 : memref<1x2x128xi32, #tpu.memory_space<hbm>> -> memref<2x128xi32, #tpu.memory_space<hbm>>
        %dma_start3A_239 = arith.constant 0 : i32
        %dma_start3A_240 = arith.constant 0 : i32
        %dma_start3A_241 = tpu.memref_slice %arg2[%add3A_234, %dma_start3A_239, %dma_start3A_240] : memref<2592x2x128xi32, #tpu.memory_space<hbm>> -> memref<1x2x128xi32, #tpu.memory_space<hbm>>
        %dma_start3A_242 = tpu.memref_squeeze %dma_start3A_241 : memref<1x2x128xi32, #tpu.memory_space<hbm>> -> memref<2x128xi32, #tpu.memory_space<hbm>>
        tpu.enqueue_dma source(%dma_start3A_242 : memref<2x128xi32, #tpu.memory_space<hbm>>) target(%arg10 : memref<2x128xi32, #tpu.memory_space<vmem>>) target_semaphore(%arg26 : memref<!tpu.dma_semaphore, #tpu.memory_space<semaphore_mem>>)
      } else {
      }
      %mul3A_207 = arith.constant 128 : i32
      %mul3A_208 = arith.muli %add3A_192, %mul3A_207 : i32
      %add3A_209 = arith.addi %mul3A_4, %mul3A_208 : i32
      %dma_start3A_210 = tpu.memref_slice %arg3[%add3A_209] : memref<331776xi32, #tpu.memory_space<hbm>> -> memref<128xi32, #tpu.memory_space<hbm>>
      %dma_start3A_211 = tpu.memref_slice %arg3[%add3A_209] : memref<331776xi32, #tpu.memory_space<hbm>> -> memref<128xi32, #tpu.memory_space<hbm>>
      tpu.enqueue_dma source(%dma_start3A_211 : memref<128xi32, #tpu.memory_space<hbm>>) target(%arg14 : memref<128xi32, #tpu.memory_space<vmem>>) target_semaphore(%arg24 : memref<!tpu.dma_semaphore, #tpu.memory_space<semaphore_mem>>)
      %parallel_loop3A_212 = arith.constant 0 : i32
      %parallel_loop3A_213 = arith.constant 128 : i32
      %parallel_loop3A_214 = arith.constant 1 : i32
      scf.for %parallel_loop3A_232 = %parallel_loop3A_212 to %parallel_loop3A_213 step %parallel_loop3A_214  : i32 {
        %parallel_loop3A_233 = arith.constant 0 : i32
        %parallel_loop3A_234 = arith.index_cast %parallel_loop3A_233 : i32 to index
        %parallel_loop3A_235 = arith.index_cast %parallel_loop3A_232 : i32 to index
        %parallel_loop3A_236 = tpu.vector_load %arg11[%parallel_loop3A_234, %parallel_loop3A_235] {strides = array<i32>} : memref<2x128xi32, #tpu.memory_space<vmem>>, vector<1x16xi32>,
        %parallel_loop3A_237 = vector.shape_cast %parallel_loop3A_236 : vector<1x16xi32> to vector<16xi32>
        %parallel_loop3A_238 = vector.extract_strided_slice %parallel_loop3A_237 {offsets = [0], sizes = [1], strides = [1]} : vector<16xi32> to vector<1xi32>
        %parallel_loop3A_239 = vector.extract %parallel_loop3A_238[0] : i32 from vector<1xi32>
        %parallel_loop3A_240 = arith.bitcast %parallel_loop3A_239 : i32 to f32
        %parallel_loop3A_241 = arith.index_cast %parallel_loop3A_232 : i32 to index
        %parallel_loop3A_242 = arith.constant 0 : index
        %parallel_loop3A_243 = tpu.vector_load %arg8[%parallel_loop3A_241, %parallel_loop3A_242] {strides = array<i32>} : memref<128x64xf32, #tpu.memory_space<vmem>>, vector<1x16xf32>,
        %parallel_loop3A_244 = vector.shape_cast %parallel_loop3A_243 : vector<1x16xf32> to vector<16xf32>
        %parallel_loop3A_245 = vector.broadcast %parallel_loop3A_240 : f32 to vector<16xf32>
        %parallel_loop3A_246 = arith.mulf %parallel_loop3A_244, %parallel_loop3A_245 : vector<16xf32>
        %parallel_loop3A_247 = arith.index_cast %parallel_loop3A_232 : i32 to index
        %parallel_loop3A_248 = arith.constant 0 : index
        %parallel_loop3A_249 = tpu.vector_load %arg8[%parallel_loop3A_247, %parallel_loop3A_248] {strides = array<i32>} : memref<128x64xf32, #tpu.memory_space<vmem>>, vector<1x16xf32>,
        %parallel_loop3A_250 = vector.shape_cast %parallel_loop3A_249 : vector<1x16xf32> to vector<16xf32>
        %parallel_loop3A_251 = vector.shape_cast %parallel_loop3A_246 : vector<16xf32> to vector<1x16xf32>
        tpu.vector_store %arg8[%parallel_loop3A_247, %parallel_loop3A_248], %parallel_loop3A_251 {strides = array<i32>} : memref<128x64xf32, #tpu.memory_space<vmem>>, vector<1x16xf32>,
        %parallel_loop3A_252 = arith.index_cast %parallel_loop3A_232 : i32 to index
        %parallel_loop3A_253 = arith.constant 16 : index
        %parallel_loop3A_254 = tpu.vector_load %arg8[%parallel_loop3A_252, %parallel_loop3A_253] {strides = array<i32>} : memref<128x64xf32, #tpu.memory_space<vmem>>, vector<1x16xf32>,
        %parallel_loop3A_255 = vector.shape_cast %parallel_loop3A_254 : vector<1x16xf32> to vector<16xf32>
        %parallel_loop3A_256 = vector.broadcast %parallel_loop3A_240 : f32 to vector<16xf32>
        %parallel_loop3A_257 = arith.mulf %parallel_loop3A_255, %parallel_loop3A_256 : vector<16xf32>
        %parallel_loop3A_258 = arith.index_cast %parallel_loop3A_232 : i32 to index
        %parallel_loop3A_259 = arith.constant 16 : index
        %parallel_loop3A_260 = tpu.vector_load %arg8[%parallel_loop3A_258, %parallel_loop3A_259] {strides = array<i32>} : memref<128x64xf32, #tpu.memory_space<vmem>>, vector<1x16xf32>,
        %parallel_loop3A_261 = vector.shape_cast %parallel_loop3A_260 : vector<1x16xf32> to vector<16xf32>
        %parallel_loop3A_262 = vector.shape_cast %parallel_loop3A_257 : vector<16xf32> to vector<1x16xf32>
        tpu.vector_store %arg8[%parallel_loop3A_258, %parallel_loop3A_259], %parallel_loop3A_262 {strides = array<i32>} : memref<128x64xf32, #tpu.memory_space<vmem>>, vector<1x16xf32>,
        %parallel_loop3A_263 = arith.index_cast %parallel_loop3A_232 : i32 to index
        %parallel_loop3A_264 = arith.constant 32 : index
        %parallel_loop3A_265 = tpu.vector_load %arg8[%parallel_loop3A_263, %parallel_loop3A_264] {strides = array<i32>} : memref<128x64xf32, #tpu.memory_space<vmem>>, vector<1x16xf32>,
        %parallel_loop3A_266 = vector.shape_cast %parallel_loop3A_265 : vector<1x16xf32> to vector<16xf32>
        %parallel_loop3A_267 = vector.broadcast %parallel_loop3A_240 : f32 to vector<16xf32>
        %parallel_loop3A_268 = arith.mulf %parallel_loop3A_266, %parallel_loop3A_267 : vector<16xf32>
        %parallel_loop3A_269 = arith.index_cast %parallel_loop3A_232 : i32 to index
        %parallel_loop3A_270 = arith.constant 32 : index
        %parallel_loop3A_271 = tpu.vector_load %arg8[%parallel_loop3A_269, %parallel_loop3A_270] {strides = array<i32>} : memref<128x64xf32, #tpu.memory_space<vmem>>, vector<1x16xf32>,
        %parallel_loop3A_272 = vector.shape_cast %parallel_loop3A_271 : vector<1x16xf32> to vector<16xf32>
        %parallel_loop3A_273 = vector.shape_cast %parallel_loop3A_268 : vector<16xf32> to vector<1x16xf32>
        tpu.vector_store %arg8[%parallel_loop3A_269, %parallel_loop3A_270], %parallel_loop3A_273 {strides = array<i32>} : memref<128x64xf32, #tpu.memory_space<vmem>>, vector<1x16xf32>,
        %parallel_loop3A_274 = arith.index_cast %parallel_loop3A_232 : i32 to index
        %parallel_loop3A_275 = arith.constant 48 : index
        %parallel_loop3A_276 = tpu.vector_load %arg8[%parallel_loop3A_274, %parallel_loop3A_275] {strides = array<i32>} : memref<128x64xf32, #tpu.memory_space<vmem>>, vector<1x16xf32>,
        %parallel_loop3A_277 = vector.shape_cast %parallel_loop3A_276 : vector<1x16xf32> to vector<16xf32>
        %parallel_loop3A_278 = vector.broadcast %parallel_loop3A_240 : f32 to vector<16xf32>
        %parallel_loop3A_279 = arith.mulf %parallel_loop3A_277, %parallel_loop3A_278 : vector<16xf32>
        %parallel_loop3A_280 = arith.index_cast %parallel_loop3A_232 : i32 to index
        %parallel_loop3A_281 = arith.constant 48 : index
        %parallel_loop3A_282 = tpu.vector_load %arg8[%parallel_loop3A_280, %parallel_loop3A_281] {strides = array<i32>} : memref<128x64xf32, #tpu.memory_space<vmem>>, vector<1x16xf32>,
        %parallel_loop3A_283 = vector.shape_cast %parallel_loop3A_282 : vector<1x16xf32> to vector<16xf32>
        %parallel_loop3A_284 = vector.shape_cast %parallel_loop3A_279 : vector<16xf32> to vector<1x16xf32>
        tpu.vector_store %arg8[%parallel_loop3A_280, %parallel_loop3A_281], %parallel_loop3A_284 {strides = array<i32>} : memref<128x64xf32, #tpu.memory_space<vmem>>, vector<1x16xf32>,
      } {sc.loop_unroll_factor = 4 : i64, sc.parallel_access}
      %ge3A_215 = arith.constant 1 : i32
      %ge3A_216 = arith.cmpi sge, %add3A_192, %ge3A_215 : i32
      %and3A_217 = arith.andi %ge3A_216, %lt3A_196 : i1
      %convert_element_type3A_218 = arith.extui %and3A_217 : i1 to i32
      %cond3A_219 = arith.constant 0 : i32
      %cond3A_220 = arith.cmpi ne, %convert_element_type3A_218, %cond3A_219 : i32
      scf.if %cond3A_220 {
        %dma_wait3A_232 = arith.constant 0 : i32
        %dma_wait3A_233 = arith.constant 0 : i32
        %dma_wait3A_234 = tpu.memref_slice %arg15[%dma_wait3A_232, %dma_wait3A_233] : memref<10000x64xf32, #tpu.memory_space<vmem_shared>> -> memref<10000x64xf32, #tpu.memory_space<vmem_shared>>
        tpu.wait_indirect_dma semaphore(%arg20 : memref<!tpu.dma_semaphore, #tpu.memory_space<semaphore_mem>>) src(%arg7 : memref<128x64xf32, #tpu.memory_space<vmem>>) dst(%dma_wait3A_234 : memref<10000x64xf32, #tpu.memory_space<vmem_shared>>)
      } else {
      }
      %convert_element_type3A_221 = arith.extui %lt3A_196 : i1 to i32
      %cond3A_222 = arith.constant 0 : i32
      %cond3A_223 = arith.cmpi ne, %convert_element_type3A_221, %cond3A_222 : i32
      scf.if %cond3A_223 {
        %add3A_232 = arith.addi %mul3A_2, %add3A_192 : i32
        %add3A_233 = arith.constant 2 : i32
        %add3A_234 = arith.addi %add3A_232, %add3A_233 : i32
        %dma_wait3A_235 = arith.constant 0 : i32
        %dma_wait3A_236 = arith.constant 0 : i32
        %dma_wait3A_237 = tpu.memref_slice %arg2[%add3A_234, %dma_wait3A_235, %dma_wait3A_236] : memref<2592x2x128xi32, #tpu.memory_space<hbm>> -> memref<1x2x128xi32, #tpu.memory_space<hbm>>
        %dma_wait3A_238 = tpu.memref_squeeze %dma_wait3A_237 : memref<1x2x128xi32, #tpu.memory_space<hbm>> -> memref<2x128xi32, #tpu.memory_space<hbm>>
        %dma_wait3A_239 = arith.constant 0 : i32
        %dma_wait3A_240 = arith.constant 0 : i32
        %dma_wait3A_241 = tpu.memref_slice %arg2[%add3A_234, %dma_wait3A_239, %dma_wait3A_240] : memref<2592x2x128xi32, #tpu.memory_space<hbm>> -> memref<1x2x128xi32, #tpu.memory_space<hbm>>
        %dma_wait3A_242 = tpu.memref_squeeze %dma_wait3A_241 : memref<1x2x128xi32, #tpu.memory_space<hbm>> -> memref<2x128xi32, #tpu.memory_space<hbm>>
        tpu.wait_dma2 semaphore(%arg26 : memref<!tpu.dma_semaphore, #tpu.memory_space<semaphore_mem>>) src(%dma_wait3A_242 : memref<2x128xi32, #tpu.memory_space<hbm>>) dst(%arg10 : memref<2x128xi32, #tpu.memory_space<vmem>>)
        %dma_start3A_243 = arith.constant 1 : i32
        %dma_start3A_244 = arith.constant 0 : i32
        %dma_start3A_245 = tpu.memref_slice %arg10[%dma_start3A_243, %dma_start3A_244] : memref<2x128xi32, #tpu.memory_space<vmem>> -> memref<1x128xi32, #tpu.memory_space<vmem>>
        %dma_start3A_246 = tpu.memref_squeeze %dma_start3A_245 : memref<1x128xi32, #tpu.memory_space<vmem>> -> memref<128xi32, #tpu.memory_space<vmem>>
        %dma_start3A_247 = arith.constant 0 : i32
        %dma_start3A_248 = arith.constant 0 : i32
        %dma_start3A_249 = tpu.memref_slice %arg4[%dma_start3A_247, %dma_start3A_248] : memref<10000x64xf32, #tpu.memory_space<hbm>> -> memref<10000x64xf32, #tpu.memory_space<hbm>>
        tpu.enqueue_indirect_dma source(%dma_start3A_249 : memref<10000x64xf32, #tpu.memory_space<hbm>>) target(%arg7 : memref<128x64xf32, #tpu.memory_space<vmem>>) offsets(%dma_start3A_246 : memref<128xi32, #tpu.memory_space<vmem>>) semaphore(%arg17 : memref<!tpu.dma_semaphore, #tpu.memory_space<semaphore_mem>>)
      } else {
      }
      %mul3A_224 = arith.constant 128 : i32
      %mul3A_225 = arith.muli %add3A_192, %mul3A_224 : i32
      %add3A_226 = arith.addi %mul3A_4, %mul3A_225 : i32
      %dma_wait3A_227 = tpu.memref_slice %arg3[%add3A_226] : memref<331776xi32, #tpu.memory_space<hbm>> -> memref<128xi32, #tpu.memory_space<hbm>>
      %dma_wait3A_228 = tpu.memref_slice %arg3[%add3A_226] : memref<331776xi32, #tpu.memory_space<hbm>> -> memref<128xi32, #tpu.memory_space<hbm>>
      tpu.wait_dma2 semaphore(%arg24 : memref<!tpu.dma_semaphore, #tpu.memory_space<semaphore_mem>>) src(%dma_wait3A_228 : memref<128xi32, #tpu.memory_space<hbm>>) dst(%arg14 : memref<128xi32, #tpu.memory_space<vmem>>)
      %dma_start3A_229 = arith.constant 0 : i32
      %dma_start3A_230 = arith.constant 0 : i32
      %dma_start3A_231 = tpu.memref_slice %arg15[%dma_start3A_229, %dma_start3A_230] : memref<10000x64xf32, #tpu.memory_space<vmem_shared>> -> memref<10000x64xf32, #tpu.memory_space<vmem_shared>>
      tpu.enqueue_indirect_dma source(%arg8 : memref<128x64xf32, #tpu.memory_space<vmem>>) target(%dma_start3A_231 : memref<10000x64xf32, #tpu.memory_space<vmem_shared>>) offsets(%arg14 : memref<128xi32, #tpu.memory_space<vmem>>) semaphore(%arg21 : memref<!tpu.dma_semaphore, #tpu.memory_space<semaphore_mem>>) {add = true}
    }
    %scan3A_84 = arith.constant 27 : i32
    %dma_wait3A = arith.constant 0 : i32
    %dma_wait3A_85 = arith.constant 0 : i32
    %dma_wait3A_86 = tpu.memref_slice %arg15[%dma_wait3A, %dma_wait3A_85] : memref<10000x64xf32, #tpu.memory_space<vmem_shared>> -> memref<10000x64xf32, #tpu.memory_space<vmem_shared>>
    tpu.wait_indirect_dma semaphore(%arg19 : memref<!tpu.dma_semaphore, #tpu.memory_space<semaphore_mem>>) src(%arg6 : memref<128x64xf32, #tpu.memory_space<vmem>>) dst(%dma_wait3A_86 : memref<10000x64xf32, #tpu.memory_space<vmem_shared>>)
    %dma_wait3A_87 = arith.constant 0 : i32
    %dma_wait3A_88 = arith.constant 0 : i32
    %dma_wait3A_89 = tpu.memref_slice %arg15[%dma_wait3A_87, %dma_wait3A_88] : memref<10000x64xf32, #tpu.memory_space<vmem_shared>> -> memref<10000x64xf32, #tpu.memory_space<vmem_shared>>
    tpu.wait_indirect_dma semaphore(%arg20 : memref<!tpu.dma_semaphore, #tpu.memory_space<semaphore_mem>>) src(%arg7 : memref<128x64xf32, #tpu.memory_space<vmem>>) dst(%dma_wait3A_89 : memref<10000x64xf32, #tpu.memory_space<vmem_shared>>)
    %dma_wait3A_90 = arith.constant 0 : i32
    %dma_wait3A_91 = arith.constant 0 : i32
    %dma_wait3A_92 = tpu.memref_slice %arg15[%dma_wait3A_90, %dma_wait3A_91] : memref<10000x64xf32, #tpu.memory_space<vmem_shared>> -> memref<10000x64xf32, #tpu.memory_space<vmem_shared>>
    tpu.wait_indirect_dma semaphore(%arg21 : memref<!tpu.dma_semaphore, #tpu.memory_space<semaphore_mem>>) src(%arg8 : memref<128x64xf32, #tpu.memory_space<vmem>>) dst(%dma_wait3A_92 : memref<10000x64xf32, #tpu.memory_space<vmem_shared>>)
    %barrier3A_93 = arith.constant 0 : index
    tpu.barrier barrier_id(%barrier3A_93)
    %mul3A_94 = arith.constant 640 : i32
    %mul3A_95 = arith.muli %arg1, %mul3A_94 : i32
    %lt3A_96 = arith.constant 15 : i32
    %lt3A_97 = arith.cmpi slt, %arg1, %lt3A_96 : i32
    %convert_element_type3A_98 = arith.extui %lt3A_97 : i1 to i32
    %cond3A_99 = arith.constant 0 : i32
    %cond3A_100 = arith.cmpi ne, %convert_element_type3A_98, %cond3A_99 : i32
    scf.if %cond3A_100 {
      "tpu.region"() ({
        %run_scoped3A = tpu.sem_alloc : memref<!tpu.dma_semaphore, #tpu.memory_space<semaphore_mem>>
        %dma_start3A_105 = arith.constant 0 : i32
        %dma_start3A_106 = tpu.memref_slice %arg5[%arg0, %mul3A_95, %dma_start3A_105] : memref<2x10000x64xf32, #tpu.memory_space<hbm>> -> memref<1x640x64xf32, #tpu.memory_space<hbm>>
        %dma_start3A_107 = tpu.memref_squeeze %dma_start3A_106 : memref<1x640x64xf32, #tpu.memory_space<hbm>> -> memref<640x64xf32, #tpu.memory_space<hbm>>
        %dma_start3A_108 = arith.constant 0 : i32
        %dma_start3A_109 = tpu.memref_slice %arg15[%mul3A_95, %dma_start3A_108] : memref<10000x64xf32, #tpu.memory_space<vmem_shared>> -> memref<640x64xf32, #tpu.memory_space<vmem_shared>>
        tpu.enqueue_dma source(%dma_start3A_109 : memref<640x64xf32, #tpu.memory_space<vmem_shared>>) target(%dma_start3A_107 : memref<640x64xf32, #tpu.memory_space<hbm>>) target_semaphore(%run_scoped3A : memref<!tpu.dma_semaphore, #tpu.memory_space<semaphore_mem>>)
        %dma_wait3A_110 = arith.constant 0 : i32
        %dma_wait3A_111 = tpu.memref_slice %arg5[%arg0, %mul3A_95, %dma_wait3A_110] : memref<2x10000x64xf32, #tpu.memory_space<hbm>> -> memref<1x640x64xf32, #tpu.memory_space<hbm>>
        %dma_wait3A_112 = tpu.memref_squeeze %dma_wait3A_111 : memref<1x640x64xf32, #tpu.memory_space<hbm>> -> memref<640x64xf32, #tpu.memory_space<hbm>>
        %dma_wait3A_113 = arith.constant 0 : i32
        %dma_wait3A_114 = tpu.memref_slice %arg15[%mul3A_95, %dma_wait3A_113] : memref<10000x64xf32, #tpu.memory_space<vmem_shared>> -> memref<640x64xf32, #tpu.memory_space<vmem_shared>>
        tpu.wait_dma2 semaphore(%run_scoped3A : memref<!tpu.dma_semaphore, #tpu.memory_space<semaphore_mem>>) src(%dma_wait3A_114 : memref<640x64xf32, #tpu.memory_space<vmem_shared>>) dst(%dma_wait3A_112 : memref<640x64xf32, #tpu.memory_space<hbm>>)
        tpu.yield
      }) : () -> ()
    } else {
    }
    %eq3A = arith.constant 15 : i32
    %eq3A_101 = arith.cmpi eq, %arg1, %eq3A : i32
    %convert_element_type3A_102 = arith.extui %eq3A_101 : i1 to i32
    %cond3A_103 = arith.constant 0 : i32
    %cond3A_104 = arith.cmpi ne, %convert_element_type3A_102, %cond3A_103 : i32
    scf.if %cond3A_104 {
      "tpu.region"() ({
        %run_scoped3A = tpu.sem_alloc : memref<!tpu.dma_semaphore, #tpu.memory_space<semaphore_mem>>
        %dma_start3A_105 = arith.constant 0 : i32
        %dma_start3A_106 = tpu.memref_slice %arg5[%arg0, %mul3A_95, %dma_start3A_105] : memref<2x10000x64xf32, #tpu.memory_space<hbm>> -> memref<1x400x64xf32, #tpu.memory_space<hbm>>
        %dma_start3A_107 = tpu.memref_squeeze %dma_start3A_106 : memref<1x400x64xf32, #tpu.memory_space<hbm>> -> memref<400x64xf32, #tpu.memory_space<hbm>>
        %dma_start3A_108 = arith.constant 0 : i32
        %dma_start3A_109 = tpu.memref_slice %arg15[%mul3A_95, %dma_start3A_108] : memref<10000x64xf32, #tpu.memory_space<vmem_shared>> -> memref<400x64xf32, #tpu.memory_space<vmem_shared>>
        tpu.enqueue_dma source(%dma_start3A_109 : memref<400x64xf32, #tpu.memory_space<vmem_shared>>) target(%dma_start3A_107 : memref<400x64xf32, #tpu.memory_space<hbm>>) target_semaphore(%run_scoped3A : memref<!tpu.dma_semaphore, #tpu.memory_space<semaphore_mem>>)
        %dma_wait3A_110 = arith.constant 0 : i32
        %dma_wait3A_111 = tpu.memref_slice %arg5[%arg0, %mul3A_95, %dma_wait3A_110] : memref<2x10000x64xf32, #tpu.memory_space<hbm>> -> memref<1x400x64xf32, #tpu.memory_space<hbm>>
        %dma_wait3A_112 = tpu.memref_squeeze %dma_wait3A_111 : memref<1x400x64xf32, #tpu.memory_space<hbm>> -> memref<400x64xf32, #tpu.memory_space<hbm>>
        %dma_wait3A_113 = arith.constant 0 : i32
        %dma_wait3A_114 = tpu.memref_slice %arg15[%mul3A_95, %dma_wait3A_113] : memref<10000x64xf32, #tpu.memory_space<vmem_shared>> -> memref<400x64xf32, #tpu.memory_space<vmem_shared>>
        tpu.wait_dma2 semaphore(%run_scoped3A : memref<!tpu.dma_semaphore, #tpu.memory_space<semaphore_mem>>) src(%dma_wait3A_114 : memref<400x64xf32, #tpu.memory_space<vmem_shared>>) dst(%dma_wait3A_112 : memref<400x64xf32, #tpu.memory_space<hbm>>)
        tpu.yield
      }) : () -> ()
    } else {
    }
    return
  }
}

module attributes {stable_mosaic.version = 14 : i64} {
  func.func @body(%arg0: i32, %arg1: memref<1000x128xf32, #tpu.memory_space<vmem>>, %arg2: memref<128x128xf32, #tpu.memory_space<vmem>>, %arg3: memref<1000x128xf32, #tpu.memory_space<vmem>>) attributes {dimension_semantics = [#tpu.dimension_semantics<arbitrary>], iteration_bounds = array<i64: 10>, scalar_prefetch = 0 : i64, scratch_operands = 0 : i64, tpu.core_type = #tpu.core_type<tc>, window_params = [{transform_indices = @transform_0, window_bounds = array<i64: 1000, 128>}, {pipeline_mode = #tpu.pipeline_mode<synchronous>, transform_indices = @transform_1, window_bounds = array<i64: 128, 128>}, {transform_indices = @transform_2, window_bounds = array<i64: 1000, 128>}]} {
    %get3A = arith.constant 0 : index
    %get3A_0 = arith.constant 0 : index
    %get3A_1 = vector.load %arg1[%get3A, %get3A_0] : memref<1000x128xf32, #tpu.memory_space<vmem>>, vector<1000x128xf32>
    %get3A_2 = arith.constant 0 : index
    %get3A_3 = arith.constant 0 : index
    %get3A_4 = vector.load %arg2[%get3A_2, %get3A_3] : memref<128x128xf32, #tpu.memory_space<vmem>>, vector<128x128xf32>
    %dot_general3A = arith.constant dense<0.000000e+00> : vector<1000x128xf32>
    %dot_general3A_5 = tpu.matmul %get3A_1, %get3A_4, %dot_general3A {dimension_numbers = #tpu.dot_dimension_numbers<[1], [0], [0], [1], [0, 0, 1, 1], [], []>, transpose_lhs_hint = false} : vector<1000x128xf32>, vector<128x128xf32>, vector<1000x128xf32> -> vector<1000x128xf32>
    %swap3A = arith.constant 0 : index
    %swap3A_6 = arith.constant 0 : index
    %swap3A_7 = vector.load %arg3[%swap3A, %swap3A_6] : memref<1000x128xf32, #tpu.memory_space<vmem>>, vector<1000x128xf32>
    tpu.vector_store %arg3[%swap3A, %swap3A_6], %dot_general3A_5 {strides = array<i32>} : memref<1000x128xf32, #tpu.memory_space<vmem>>, vector<1000x128xf32>,
    return
  }
  func.func @transform_0(%arg0: i32) -> (i32, i32) {
    %c0_i32 = arith.constant 0 : i32
    %c0_i32_0 = arith.constant 0 : i32
    return %arg0, %c0_i32 : i32, i32
  }
  func.func @transform_1(%arg0: i32) -> (i32, i32) {
    %c0_i32 = arith.constant 0 : i32
    %c0_i32_0 = arith.constant 0 : i32
    %c0_i32_1 = arith.constant 0 : i32
    return %c0_i32, %c0_i32_0 : i32, i32
  }
  func.func @transform_2(%arg0: i32) -> (i32, i32) {
    %c0_i32 = arith.constant 0 : i32
    %c0_i32_0 = arith.constant 0 : i32
    return %arg0, %c0_i32 : i32, i32
  }
}

module attributes {stable_mosaic.version = 14 : i64} {
  func.func @body(%arg0: i32, %arg1: memref<2x1000x128xf32, #tpu.memory_space<vmem>>, %arg2: memref<1x128xf32, #tpu.memory_space<vmem>>, %arg3: memref<128x64xf32, #tpu.memory_space<vmem>>, %arg4: memref<1000x64xf32, #tpu.memory_space<vmem>>) attributes {dimension_semantics = [#tpu.dimension_semantics<arbitrary>], iteration_bounds = array<i64: 10>, scalar_prefetch = 0 : i64, scratch_operands = 0 : i64, tpu.core_type = #tpu.core_type<tc>, window_params = [{transform_indices = @transform_0, window_bounds = array<i64: 2, 1000, 128>}, {pipeline_mode = #tpu.pipeline_mode<synchronous>, transform_indices = @transform_1, window_bounds = array<i64: 1, 128>}, {pipeline_mode = #tpu.pipeline_mode<synchronous>, transform_indices = @transform_2, window_bounds = array<i64: 128, 64>}, {transform_indices = @transform_3, window_bounds = array<i64: 1000, 64>}]} {
    %get3A = arith.constant 0 : index
    %get3A_0 = arith.constant 0 : index
    %get3A_1 = arith.constant 0 : index
    %get3A_2 = vector.load %arg1[%get3A, %get3A_0, %get3A_1] : memref<2x1000x128xf32, #tpu.memory_space<vmem>>, vector<1x1000x128xf32>
    %get3A_3 = vector.shape_cast %get3A_2 : vector<1x1000x128xf32> to vector<1000x128xf32>
    %get3A_4 = arith.constant 1 : index
    %get3A_5 = arith.constant 0 : index
    %get3A_6 = arith.constant 0 : index
    %get3A_7 = vector.load %arg1[%get3A_4, %get3A_5, %get3A_6] : memref<2x1000x128xf32, #tpu.memory_space<vmem>>, vector<1x1000x128xf32>
    %get3A_8 = vector.shape_cast %get3A_7 : vector<1x1000x128xf32> to vector<1000x128xf32>
    %add3A = arith.addf %get3A_3, %get3A_8 : vector<1000x128xf32>
    %get3A_9 = arith.constant 0 : index
    %get3A_10 = arith.constant 0 : index
    %get3A_11 = vector.load %arg2[%get3A_9, %get3A_10] : memref<1x128xf32, #tpu.memory_space<vmem>>, vector<1x128xf32>
    %add3A_12 = vector.broadcast %get3A_11 : vector<1x128xf32> to vector<1000x128xf32>
    %add3A_13 = arith.addf %add3A, %add3A_12 : vector<1000x128xf32>
    %max3A = arith.constant 0.000000e+00 : f32
    %max3A_14 = vector.broadcast %max3A : f32 to vector<1000x128xf32>
    %max3A_15 = arith.maximumf %add3A_13, %max3A_14 : vector<1000x128xf32>
    %get3A_16 = arith.constant 0 : index
    %get3A_17 = arith.constant 0 : index
    %get3A_18 = vector.load %arg3[%get3A_16, %get3A_17] : memref<128x64xf32, #tpu.memory_space<vmem>>, vector<128x64xf32>
    %dot_general3A = arith.constant dense<0.000000e+00> : vector<1000x64xf32>
    %dot_general3A_19 = tpu.matmul %max3A_15, %get3A_18, %dot_general3A {dimension_numbers = #tpu.dot_dimension_numbers<[1], [0], [0], [1], [0, 0, 1, 1], [], []>, transpose_lhs_hint = false} : vector<1000x128xf32>, vector<128x64xf32>, vector<1000x64xf32> -> vector<1000x64xf32>
    %swap3A = arith.constant 0 : index
    %swap3A_20 = arith.constant 0 : index
    %swap3A_21 = vector.load %arg4[%swap3A, %swap3A_20] : memref<1000x64xf32, #tpu.memory_space<vmem>>, vector<1000x64xf32>
    tpu.vector_store %arg4[%swap3A, %swap3A_20], %dot_general3A_19 {strides = array<i32>} : memref<1000x64xf32, #tpu.memory_space<vmem>>, vector<1000x64xf32>,
    return
  }
  func.func @transform_0(%arg0: i32) -> (i32, i32, i32) {
    %c0_i32 = arith.constant 0 : i32
    %c0_i32_0 = arith.constant 0 : i32
    %c0_i32_1 = arith.constant 0 : i32
    return %c0_i32, %arg0, %c0_i32_0 : i32, i32, i32
  }
  func.func @transform_1(%arg0: i32) -> (i32, i32) {
    %c0_i32 = arith.constant 0 : i32
    %c0_i32_0 = arith.constant 0 : i32
    %c0_i32_1 = arith.constant 0 : i32
    return %c0_i32, %c0_i32_0 : i32, i32
  }
  func.func @transform_2(%arg0: i32) -> (i32, i32) {
    %c0_i32 = arith.constant 0 : i32
    %c0_i32_0 = arith.constant 0 : i32
    %c0_i32_1 = arith.constant 0 : i32
    return %c0_i32, %c0_i32_0 : i32, i32
  }
  func.func @transform_3(%arg0: i32) -> (i32, i32) {
    %c0_i32 = arith.constant 0 : i32
    %c0_i32_0 = arith.constant 0 : i32
    return %arg0, %c0_i32 : i32, i32
  }
}

module attributes {stable_mosaic.version = 14 : i64} {
  func.func @body(%arg0: i32, %arg1: memref<2x1000x64xf32, #tpu.memory_space<vmem>>, %arg2: memref<1x64xf32, #tpu.memory_space<vmem>>, %arg3: memref<1000x64xf32, #tpu.memory_space<vmem>>) attributes {dimension_semantics = [#tpu.dimension_semantics<arbitrary>], iteration_bounds = array<i64: 10>, scalar_prefetch = 0 : i64, scratch_operands = 0 : i64, tpu.core_type = #tpu.core_type<tc>, window_params = [{transform_indices = @transform_0, window_bounds = array<i64: 2, 1000, 64>}, {pipeline_mode = #tpu.pipeline_mode<synchronous>, transform_indices = @transform_1, window_bounds = array<i64: 1, 64>}, {transform_indices = @transform_2, window_bounds = array<i64: 1000, 64>}]} {
    %get3A = arith.constant 0 : index
    %get3A_0 = arith.constant 0 : index
    %get3A_1 = arith.constant 0 : index
    %get3A_2 = vector.load %arg1[%get3A, %get3A_0, %get3A_1] : memref<2x1000x64xf32, #tpu.memory_space<vmem>>, vector<1x1000x64xf32>
    %get3A_3 = vector.shape_cast %get3A_2 : vector<1x1000x64xf32> to vector<1000x64xf32>
    %get3A_4 = arith.constant 1 : index
    %get3A_5 = arith.constant 0 : index
    %get3A_6 = arith.constant 0 : index
    %get3A_7 = vector.load %arg1[%get3A_4, %get3A_5, %get3A_6] : memref<2x1000x64xf32, #tpu.memory_space<vmem>>, vector<1x1000x64xf32>
    %get3A_8 = vector.shape_cast %get3A_7 : vector<1x1000x64xf32> to vector<1000x64xf32>
    %add3A = arith.addf %get3A_3, %get3A_8 : vector<1000x64xf32>
    %get3A_9 = arith.constant 0 : index
    %get3A_10 = arith.constant 0 : index
    %get3A_11 = vector.load %arg2[%get3A_9, %get3A_10] : memref<1x64xf32, #tpu.memory_space<vmem>>, vector<1x64xf32>
    %add3A_12 = vector.broadcast %get3A_11 : vector<1x64xf32> to vector<1000x64xf32>
    %add3A_13 = arith.addf %add3A, %add3A_12 : vector<1000x64xf32>
    %max3A = arith.constant 0.000000e+00 : f32
    %max3A_14 = vector.broadcast %max3A : f32 to vector<1000x64xf32>
    %max3A_15 = arith.maximumf %add3A_13, %max3A_14 : vector<1000x64xf32>
    %swap3A = arith.constant 0 : index
    %swap3A_16 = arith.constant 0 : index
    %swap3A_17 = vector.load %arg3[%swap3A, %swap3A_16] : memref<1000x64xf32, #tpu.memory_space<vmem>>, vector<1000x64xf32>
    tpu.vector_store %arg3[%swap3A, %swap3A_16], %max3A_15 {strides = array<i32>} : memref<1000x64xf32, #tpu.memory_space<vmem>>, vector<1000x64xf32>,
    return
  }
  func.func @transform_0(%arg0: i32) -> (i32, i32, i32) {
    %c0_i32 = arith.constant 0 : i32
    %c0_i32_0 = arith.constant 0 : i32
    %c0_i32_1 = arith.constant 0 : i32
    return %c0_i32, %arg0, %c0_i32_0 : i32, i32, i32
  }
  func.func @transform_1(%arg0: i32) -> (i32, i32) {
    %c0_i32 = arith.constant 0 : i32
    %c0_i32_0 = arith.constant 0 : i32
    %c0_i32_1 = arith.constant 0 : i32
    return %c0_i32, %c0_i32_0 : i32, i32
  }
  func.func @transform_2(%arg0: i32) -> (i32, i32) {
    %c0_i32 = arith.constant 0 : i32
    %c0_i32_0 = arith.constant 0 : i32
    return %arg0, %c0_i32 : i32, i32
  }
}

</mosaic_0001>

<sc_bundles>
// kernel: kernel.10.cloned.1.call-start
scs
__scs_entry_jumppad:
0x0: {  	(pc) =	sbr.rel $0x88, $3  }
0x1: {  	(tag) =	ssettag $0x0;
	lr =	simm.s32 $0x1  }
0x2: {  	[smem:$0x3F9A] =	sst lr;
	_ =	strace $0xD0000000  }
0x3: {  	_ = 	snop  }
0x4: {  	_ = 	snop  }
0x5: {  	_ = 	snop  }
0x6: {  	_ = 	snop  }
0x7: {  	_ = 	snop  }
__scs_overlays_trampoline_lowered:
0x8: {  	[smem:$0x3FA9] =	sst s0  }
0x9: {  	[smem:$0x3FAA] =	sst s1  }
0xa: {  	[smem:$0x3FAB] =	sst s2  }
0xb: {  	[smem:$0x3FAC] =	sst s3  }
0xc: {  	[smem:$0x3FAD] =	sst s4  }
0xd: {  	[smem:$0x3FAE] =	sst s5  }
0xe: {  	[smem:$0x3FAF] =	sst s6  }
0xf: {  	[smem:$0x3FB0] =	sst s7  }
0x10: {  	[smem:$0x3FB1] =	sst s8  }
0x11: {  	[smem:$0x3FB2] =	sst s9;
	s0 =	simm.s32 @!p0 $0x0  }
0x12: {  	s1 =	sld [smem:$0x3F98];
	s0 =	simm.s32 @p0 $0x1  }
0x13: {  	[smem:$0x3FB3] =	sst s0;
	s0 =	simm.s32 @!p1 $0x0  }
0x14: {  	s2 =	sld [smem:$0x3F97];
	s0 =	simm.s32 @p1 $0x1  }
0x15: {  	[smem:$0x3FB4] =	sst s0;
	s0 =	simm.s32 @!p2 $0x0  }
0x16: {  	s3 =	sld [smem:$0x3FDB];
	s0 =	simm.s32 @p2 $0x1  }
0x17: {  	s4 =	simm.s32 $0x1BF5;
	[smem:$0x3FB6] =	sst s0  }
0x18: {  	s0 =	sld [smem:$0x3F99];
	_ =	swait.ge [sflag:s4], $0x0  }
0x19: {  	s7 =	sld [smem:$0x3F9A]  }
0x1a: {  	s8 =	sadd.s32 $0xFFFFE003, lr  }
0x1b: {  	s9 =	sadd.s32 $0xFFFFFEF7, lr;
	s5 =	simm.s32 $0xFFFFFFFF;
	p2 =	slt.u32 s8, $0xFFFFF086  }
0x1c: {  	p1 =	slt.u32 s9, $0xF7A;
	s5 =	simm.s32 @!p2 $0x0  }
0x1d: {  	s5 =	simm.s32 @p1 $0x1;
	p0 =	seq.s32 s7, s2  }
0x1e: {  	s7 =	smul.u32 @!p0 $0xF7A, s2;
	p2 =	seq.s32 @!p0 s5, $0x0  }
0x1f: {  	s9 =	smul.u32 $0xF7A, s1;
	s8 =	simm.s32 @!p0 $0x1BF5;
	p2 =	por !p2, p0  }
0x20: {  	[sflag:s8] =	ssyncset.s32 @!p0 $0xFFFFF086;
	s6 =	sadd.s32 @!p0 s3, s7;
	s7 =	simm.s32 @!p0 $0x108  }
0x21: {  	s3 =	sadd.s32 s3, s9;
	s6 =	sadd.s32 @!p0 $0x88, s6;
	s7 =	simm.s32 @p2 $0x1082  }
0x22: {  	[simem:s7], [sflag:s8] =	dma.local @!p0 [hbm:s6], $0xF7A  }
0x23: {  	s9 =	sor.u32 $0xD0000000, s2;
	s6 =	simm.s32 $0x108;
	_ =	swait.ge @!p0 [sflag:s8], $0x0  }
0x24: {  	s3 =	sadd.s32 $0x88, s3;
	s6 =	simm.s32 @!p1 $0x1082;
	[sflag:s4] =	ssyncset.s32 $0xFFFFF086  }
0x25: {  	[simem:s6], [sflag:s4] =	dma.local [hbm:s3], $0xF7A  }
0x26: {  	[smem:$0x3F9A] =	sst s1;
	(tag) =	ssettag s2;
	_ =	strace s9  }
0x27: {  	s1 =	sld [smem:$0x3FAA]  }
0x28: {  	s2 =	sld [smem:$0x3FAB]  }
0x29: {  	s4 =	sld [smem:$0x3FAD]  }
0x2a: {  	p0 =	seq.s32 s5, $0x0;
	s5 =	sld [smem:$0x3FAE]  }
0x2b: {  	s6 =	sld [smem:$0x3FAF]  }
0x2c: {  	s7 =	sld [smem:$0x3FB0]  }
0x2d: {  	s3 =	simm.s32 $0x108;
	s8 =	sld [smem:$0x3FB1]  }
0x2e: {  	s3 =	simm.s32 @!p0 $0x1082;
	s9 =	sld [smem:$0x3FB2]  }
0x2f: {  	lr =	sadd.s32 s0, s3;
	s0 =	sld [smem:$0x3FA9]  }
0x30: {  	s3 =	sld [smem:$0x3FAC]  }
0x31: {  	[smem:$0x3FB5] =	sst s10  }
0x32: {  	s10 =	sld [smem:$0x3FB3];
	_ =	sdelay $0x3  }
0x33: {  	p0 =	seq.s32 s10, $0x1;
	s10 =	sld [smem:$0x3FB5];
	_ =	sdelay $0x3  }
0x34: {  	[smem:$0x3FB5] =	sst s10  }
0x35: {  	s10 =	sld [smem:$0x3FB4];
	_ =	sdelay $0x3  }
0x36: {  	p1 =	seq.s32 s10, $0x1;
	s10 =	sld [smem:$0x3FB5];
	_ =	sdelay $0x3  }
0x37: {  	[smem:$0x3FB5] =	sst s10  }
0x38: {  	s10 =	sld [smem:$0x3FB6]  }
0x39: {  	_ = 	snop;
	(pc) =	sbr.ind lr, $3  }
0x3a: {  	_ = 	snop  }
0x3b: {  	_ = 	snop  }
0x3c: {  	p2 =	seq.s32 s10, $0x1;
	s10 =	sld [smem:$0x3FB5]  }
0x3d: {  	_ =	shalt  }
0x3e: {  	_ =	shalt  }
0x3f: {  	_ =	shalt  }
0x40: {  	_ =	shalt  }
0x41: {  	_ =	shalt  }
0x42: {  	_ =	shalt  }
0x43: {  	_ =	shalt  }
0x44: {  	_ =	shalt  }
0x45: {  	_ =	shalt  }
0x46: {  	_ =	shalt  }
0x47: {  	_ =	shalt  }
0x48: {  	_ =	shalt  }
0x49: {  	_ =	shalt  }
0x4a: {  	_ =	shalt  }
0x4b: {  	_ =	shalt  }
0x4c: {  	_ =	shalt  }
0x4d: {  	_ =	shalt  }
0x4e: {  	_ =	shalt  }
0x4f: {  	_ =	shalt  }
0x50: {  	_ =	shalt  }
0x51: {  	_ =	shalt  }
0x52: {  	_ =	shalt  }
0x53: {  	_ =	shalt  }
0x54: {  	_ =	shalt  }
0x55: {  	_ =	shalt  }
0x56: {  	_ =	shalt  }
0x57: {  	_ =	shalt  }
0x58: {  	_ =	shalt  }
0x59: {  	_ =	shalt  }
0x5a: {  	_ =	shalt  }
0x5b: {  	_ =	shalt  }
0x5c: {  	_ =	shalt  }
0x5d: {  	_ =	shalt  }
0x5e: {  	_ =	shalt  }
0x5f: {  	_ =	shalt  }
0x60: {  	_ =	shalt  }
0x61: {  	_ =	shalt  }
0x62: {  	_ =	shalt  }
0x63: {  	_ =	shalt  }
0x64: {  	_ =	shalt  }
0x65: {  	_ =	shalt  }
0x66: {  	_ =	shalt  }
0x67: {  	_ =	shalt  }
0x68: {  	_ =	shalt  }
0x69: {  	_ =	shalt  }
0x6a: {  	_ =	shalt  }
0x6b: {  	_ =	shalt  }
0x6c: {  	_ =	shalt  }
0x6d: {  	_ =	shalt  }
0x6e: {  	_ =	shalt  }
0x6f: {  	_ =	shalt  }
0x70: {  	_ =	shalt  }
0x71: {  	_ =	shalt  }
0x72: {  	_ =	shalt  }
0x73: {  	_ =	shalt  }
0x74: {  	_ =	shalt  }
0x75: {  	_ =	shalt  }
0x76: {  	_ =	shalt  }
0x77: {  	_ =	shalt  }
0x78: {  	_ =	shalt  }
0x79: {  	_ =	shalt  }
0x7a: {  	_ =	shalt  }
0x7b: {  	_ =	shalt  }
0x7c: {  	_ =	shalt  }
0x7d: {  	_ =	shalt  }
0x7e: {  	_ =	shalt  }
0x7f: {  	_ =	shalt  }
0x80: {  	_ =	shalt  }
0x81: {  	_ =	shalt  }
0x82: {  	_ =	shalt  }
0x83: {  	_ =	shalt  }
0x84: {  	_ =	shalt  }
0x85: {  	_ =	shalt  }
0x86: {  	_ =	shalt  }
0x87: {  	_ =	shalt  }
.Lfunc_end0:
.L_simem_size_0:
called_computation.1_lowered:
.L_overlay_start_0:
0x88: {  	s2 =	sld [smem:$0x3FD9]  }
0x89: {  	s3 =	sld [smem:$0x3FFE];
	_ =	sdelay $0x1  }
0x8a: {  	s1 =	srdreg.scid  }
0x8b: {  	s0 =	sand.u32 $0x1, s1  }
0x8c: {  	s17 =	sshll.u32 s0, $0xA;
	s2 =	sadd.s32 s3, s2  }
0x8d: {  	s2 =	sadd.s32 s2, s17  }
0x8e: {  	[smem:$0x3FC1] =	sst s2  }
0x8f: {  	_ = 	snop  }
0x90: {  	s2 =	sld [smem:$0x3FD0];
	(tm) =	ssettm $0x1  }
0x91: {  	s18 =	sld [smem:$0x3FFB];
	_ =	sdelay $0x3  }
0x92: {  	_ =	strace s18  }
0x93: {  	s3 =	sld [smem:$0x3FFC];
	_ =	sdelay $0x3  }
0x94: {  	_ =	strace s3  }
0x95: {  	s3 =	sld [smem:$0x3FFD];
	_ =	sdelay $0x3  }
0x96: {  	_ =	strace s3  }
0x97: {  	_ =	strace $0x8FFFFFFF  }
0x98: {  	s19 =	sld [smem:$0x3FDB];
	_ =	sdelay $0x1  }
0x99: {  	s4 =	simm.s32 $_scs_section_size  }
0x9a: {  	s5 =	simm.s32 $_size__tile_overlayer_lowered;
	s6 =	simm.s32 $_tile_overlayer_lowered  }
0x9b: {  	s22 =	simm.s32 $0x1BFF;
	s21 =	sshll.u32 s6, $0x1;
	s3 =	sadd.s32 s4, s19  }
0x9c: {  	s7 =	simm.s32 $0x0;
	s20 =	sshll.u32 s5, $0x1;
	s5 =	sadd.s32 s21, s3  }
0x9d: {  	[timem:s7], [sflag:s22] =	dma.local [hbm:s5], s20  }
0x9e: {  	_ =	swait.ge [sflag:s22], s20  }
0x9f: {  	s4 =	ssub.s32 $0x0, s20;
	[sflag:s22] =	ssyncset.done $0x0  }
0xa0: {  	[sflag:s22] =	ssyncadd.s32 s4;
	_ =	sdelay $0x1  }
0xa1: {  	s23 =	simm.s32 $0x1B8B  }
0xa2: {  	_ =	swait.ge [sflag:s23], $0x1  }
0xa3: {  	[sflag:s23] =	ssyncset.done $0x0  }
0xa4: {  	s25 =	simm.s32 $0x1B8E;
	s24 =	sld [smem:$0x3FFE];
	[sflag:s23] =	ssyncadd.s32 $0xFFFFFFFF  }
0xa5: {  	s26 =	simm.s32 $execute0_lowered;
	[smem:$0x3FD2] =	sst s25  }
0xa6: {  	s5 =	sshll.u32 s26, $0x1;
	_ =	strace $0x80000049;
	[dreg:$0x1] =	wrdreg $0xFFFFFFFF  }
0xa7: {  	s28 =	simm.s32 $_size_execute0_lowered;
	s3 =	sadd.s32 s3, s5;
	[dreg:$0x0] =	wrdreg $0x0  }
0xa8: {  	s5 =	sshll.u32 s28, $0x1;
	[dreg:$0x2] =	wrdreg s3  }
0xa9: {  	[dreg:$0x3] =	wrdreg s5  }
0xaa: {  	[dreg:$0x4] =	wrdreg $0xC0  }
0xab: {  	_ =	task [dreg:s7], $0x5FFFF  }
0xac: {  	[dreg:$0x1] =	wrdreg $0xFFFFFFFF  }
0xad: {  	[dreg:$0x0] =	wrdreg $0x60  }
0xae: {  	[dreg:$0x2] =	wrdreg s24  }
0xaf: {  	[dreg:$0x3] =	wrdreg s2  }
0xb0: {  	[dreg:$0x4] =	wrdreg $0x64800  }
0xb1: {  	[dreg:$0x5] =	wrdreg $0x9  }
0xb2: {  	_ =	task.clear_ibuf [dreg:s7], $0x6FFFF;
	_ =	strace $0x90000049  }
0xb3: {  	s29 =	simm.s32 $0x9;
	_ =	strace $0x8000004B  }
0xb4: {  	_ =	swait.ge [sflag:s29], $0x1  }
0xb5: {  	[sflag:s29] =	ssyncadd.s32 $0xFFFFFFFF  }
0xb6: {  	_ =	strace $0x9000004B  }
0xb7: {  	_ =	sfence  }
0xb8: {  	s30 =	sld [smem:$0x0];
	_ =	sdelay $0x2  }
0xb9: {  	s31 =	sshll.u32 s1, $0xD;
	s1 =	sshrl.u32 s1, $0x2  }
0xba: {  	s3 =	sand.u32 $0x4000, s31;
	s1 =	sadd.s32 s1, s30  }
0xbb: {  	s0 =	sor.u32 s3, s0;
	s1 =	sshll.u32 s1, $0x11  }
0xbc: {  	s0 =	sor.u32 s1, s0  }
0xbd: {  	s0 =	sadd.s32 $0x8F2B, s0  }
0xbe: {  	[sflag:s0] =	ssyncadd.remote.s32 $0x1  }
0xbf: {  	_ =	sfence.sel $0xFFFF  }
0xc0: {  	[dreg:$0x0] =	wrdreg $0xFFFFFFFF;
	(pc) =	sbr.abs _section_cstart, $3  }
0xc1: {  	[dreg:$0x1] =	wrdreg $0xFFFFFFFF  }
0xc2: {  	_ =	task.clear_ibuf [dreg:s7], $0x2FFFF;
	_ =	strace $0x9FFFFFFF  }
0xc3: {  	(tm) =	ssettm $0x7FFFFFFF  }
tec
execute0_lowered:
.L_overlay_start_1:
0x0: {  	(tag) =	ssettag $0x1  }
0x1: {  	s0 =	rddreg [dreg:$0x0]  }
0x2: {  	s1 =	rddreg [dreg:$0x1]  }
0x3: {  	s2 =	rddreg [dreg:$0x2];
	s3 =	simm.s32 $0x0  }
0x4: {  	s6 =	srdreg.scid;
	s16 =	stileid.u32;
	s30 =	simm.s32 $0x1  }
0x5: {  	s31 =	simm.s32 $0x6200;
	s28 =	simm.s32 $0x7;
	s29 =	simm.s32 $0x2  }
0x6: {  	[smem:$0x7FF] =	sst s3;
	s4 =	sadd.s32 $0xBA00, s0;
	s5 =	sadd.s32 $0x1800, s0  }
0x7: {  	s9 =	sadd.s32 $0x1FE00, s0;
	s10 =	sand.u32 $0x1, s6;
	s8 =	smul.u32 $0x28000, s16  }
0x8: {  	s13 =	smul.u32 $0xA000, s16;
	p0 =	seq.s32 s16, $0xF;
	_ =	strace $0x8000004A  }
0x9: {  	s6 =	ssub.s32 $0x2, s10;
	s7 =	sshll.u32 s10, $0x4;
	s10 =	smul.u32 $0x9C400, s10  }
0xa: {  	s11 =	sshrl.u32 s6, $0x1;
	s12 =	sor.u32 s16, s7;
	s14 =	sshrl.u32 s8, $0x2  }
0xb: {  	s11 =	ssub.s32 s6, s11;
	s6 =	smul.u32 $0x51, s12;
	s14 =	sadd.s32 s14, s2  }
0xc: {  	s8 =	sadd.s32 s13, s2;
	s7 =	smul.u32 $0x2880, s12;
	s15 =	sadd.s32 $0x1400, s14  }
0xd: {  	s26 =	smul.u32 $0xA20, s12;
	s25 =	sadd.s32 $0x2800, s14;
	[dreg:$0x4] =	wrdreg s15  }
0xe: {  	s12 =	smul.u32 $0x5100, s12;
	s17 =	sadd.s32 $0x3C00, s14;
	[dreg:$0x5] =	wrdreg s25  }
0xf: {  	s22 =	sadd.s32 s13, s10;
	s18 =	sadd.s32 $0x5000, s14;
	[dreg:$0x6] =	wrdreg s17  }
0x10: {  	s10 =	sshrl.u32 s10, $0x3;
	s19 =	sadd.s32 $0x6400, s14;
	[dreg:$0x7] =	wrdreg s18  }
0x11: {  	s13 =	simm.s32 $0x6;
	s20 =	sadd.s32 $0x7800, s14;
	[dreg:$0x8] =	wrdreg s19  }
0x12: {  	s14 =	sadd.s32 $0x8C00, s14;
	s23 =	sshrl.u32 s22, $0x3;
	[dreg:$0x9] =	wrdreg s20  }
0x13: {  	s10 =	sadd.s32 s9, s10;
	s22 =	simm.s32 $0xD;
	[dreg:$0xa] =	wrdreg s14  }
0x14: {  	s21 =	sadd.s32 s4, s26;
	s12 =	sshrl.u32 s12, $0x3;
	s18 =	sadd.s32 $0xBA40, s0  }
0x15: {  	s24 =	sadd.s32 s9, s23;
	s25 =	sadd.s32 $0x12C00, s10;
	s26 =	smax.u32 s11, $0x1  }
0x16: {  	s0 =	simm.s32 $0x6300;
	s23 =	simm.s32 $0xC;
	[dreg:$0xb] =	wrdreg s21  }
0x17: {  	s9 =	simm.s32 $0x6400;
	s10 =	simm.s32 $0x9;
	[dreg:$0xd] =	wrdreg s24  }
0x18: {  	s11 =	simm.s32 $0x4;
	s14 =	simm.s32 $0x0;
	[dreg:$0xe] =	wrdreg s25  }
0x19: {  	s4 =	sadd.s32 s4, s12;
	[dreg:$0xf] =	wrdreg s26;
	s24 =	simm.s32 $0x80  }
0x1a: {  	s25 =	simm.s32 $0x6280;
	s26 =	simm.s32 $0x4000;
	s4 =	sadd.s32 $0x20, s4  }
0x1b: {  	v0 =	vimm.f32 $0.0e+00;
	s12 =	simm.s32 $0x5;
	[dreg:$0xc] =	wrdreg s4;
	s4 =	simm.s32 $0x6380  }
.LBB2_1:
0x1c: {  	s16 =	simm.s32 $0x100;
	s15 =	simm.s32 $0x0  }
.LBB2_2:
0x1d: {  	p1 =	sne.s32 s16, $0x4F00;
	[tilespmem:s15+$0x30] =	vst v0;
	s17 =	smov.u32 s16;
	s16 =	sadd.s32 $0x100, s16  }
.Ltmp0:
0x1e: {  	[tilespmem:s15+$0x20] =	vst v0;
	(pc) =	sbr.rel @p1 .LBB2_2-.Ltmp0, $3  }
0x1f: {  	[tilespmem:s15+$0x0] =	vst v0  }
0x20: {  	[tilespmem:s15+$0x10] =	vst v0;
	_ =	sdelay $0x1  }
0x21: {  	s15 =	sshra.s32 s17, $0x2  }
0x22: {  	[tilespmem:s15+$0x30] =	vst v0  }
0x23: {  	[tilespmem:s15+$0x20] =	vst v0  }
0x24: {  	[tilespmem:s15+$0x0] =	vst v0  }
0x25: {  	[tilespmem:s15+$0x10] =	vst v0  }
0x26: {  	[spmem:s8] =	stream.linear.scatter [tilespmem:s3], [sflag:$0xD], $0x1400, $0x38;
	[tilespmem:$0x100C0] =	vst v63  }
0x27: {  	_ =	swait.ge [sflag:s22], $0x1400  }
0x28: {  	[sflag:s22] =	ssyncset.done $0x0  }
0x29: {  	s20 =	rddreg [dreg:$0x4];
	[sflag:s22] =	ssyncadd.s32 $0xFFFFEC00  }
0x2a: {  	[spmem:s20] =	stream.linear.scatter [tilespmem:s3], [sflag:$0xD], $0x1400, $0x38;
	[tilespmem:$0x100C0] =	vst v63  }
0x2b: {  	_ =	swait.ge [sflag:s22], $0x1400  }
0x2c: {  	[sflag:s22] =	ssyncset.done $0x0  }
0x2d: {  	s21 =	rddreg [dreg:$0x5];
	[sflag:s22] =	ssyncadd.s32 $0xFFFFEC00  }
0x2e: {  	[spmem:s21] =	stream.linear.scatter [tilespmem:s3], [sflag:$0xD], $0x1400, $0x38;
	[tilespmem:$0x100C0] =	vst v63  }
0x2f: {  	_ =	swait.ge [sflag:s22], $0x1400  }
0x30: {  	[sflag:s22] =	ssyncset.done $0x0  }
0x31: {  	s16 =	rddreg [dreg:$0x6];
	[sflag:s22] =	ssyncadd.s32 $0xFFFFEC00  }
0x32: {  	[spmem:s16] =	stream.linear.scatter [tilespmem:s3], [sflag:$0xD], $0x1400, $0x38;
	[tilespmem:$0x100C0] =	vst v63  }
0x33: {  	_ =	swait.ge [sflag:s22], $0x1400  }
0x34: {  	[sflag:s22] =	ssyncset.done $0x0  }
0x35: {  	s17 =	rddreg [dreg:$0x7];
	[sflag:s22] =	ssyncadd.s32 $0xFFFFEC00  }
0x36: {  	[spmem:s17] =	stream.linear.scatter [tilespmem:s3], [sflag:$0xD], $0x1400, $0x38;
	[tilespmem:$0x100C0] =	vst v63  }
0x37: {  	_ =	swait.ge [sflag:s22], $0x1400  }
0x38: {  	[sflag:s22] =	ssyncset.done $0x0  }
0x39: {  	s15 =	simm.s32 @!p0 $0x0;
	s16 =	rddreg [dreg:$0x8];
	[sflag:s22] =	ssyncadd.s32 $0xFFFFEC00  }
0x3a: {  	[spmem:s16] =	stream.linear.scatter @!p0 [tilespmem:s15], [sflag:$0xD], $0x1400, $0x38;
	[tilespmem:$0x100C0] =	vst v63  }
0x3b: {  	s16 =	simm.s32 @!p0 $0xD  }
0x3c: {  	_ =	swait.ge @!p0 [sflag:s16], $0x1400  }
0x3d: {  	[sflag:s16] =	ssyncset.done @!p0 $0x0  }
0x3e: {  	s17 =	rddreg [dreg:$0x9];
	[sflag:s16] =	ssyncadd.s32 @!p0 $0xFFFFEC00  }
0x3f: {  	[spmem:s17] =	stream.linear.scatter @!p0 [tilespmem:s15], [sflag:$0xD], $0x1400, $0x38;
	[tilespmem:$0x100C0] =	vst v63  }
0x40: {  	_ =	swait.ge @!p0 [sflag:s16], $0x1400  }
0x41: {  	[sflag:s16] =	ssyncset.done @!p0 $0x0  }
0x42: {  	s17 =	rddreg [dreg:$0xa];
	[sflag:s16] =	ssyncadd.s32 @!p0 $0xFFFFEC00  }
0x43: {  	[spmem:s17] =	stream.linear.scatter @!p0 [tilespmem:s15], [sflag:$0xD], $0x1400, $0x38;
	[tilespmem:$0x100C0] =	vst v63  }
0x44: {  	_ =	swait.ge @!p0 [sflag:s16], $0x1400  }
0x45: {  	[sflag:s16] =	ssyncset.done @!p0 $0x0  }
0x46: {  	[sflag:s16] =	ssyncadd.s32 @!p0 $0xFFFFEC00  }
0x47: {  	[bflag:$0x0] =	sbarrier.arrive $0xFFFF  }
0x48: {  	s20 =	simm.s32 $0x6000;
	s15 =	simm.s32 $0x0;
	s19 =	rddreg [dreg:$0xb]  }
0x49: {  	[tilespmem:s20], [sflag:$0xD] =	stream.linear.gather [hbm4b:s19+s15], $0x100, $0x38;
	[tilespmem:$0x100C0] =	vst v63  }
0x4a: {  	_ =	swait.ge [sflag:s22], $0x100  }
0x4b: {  	[sflag:s22] =	ssyncset.done $0x0  }
0x4c: {  	s21 =	simm.s32 $0x6080;
	[sflag:s22] =	ssyncadd.s32 $0xFFFFFF00  }
0x4d: {  	[tilespmem:s15], [sflag:$0x1] =	stream.indirect.gather [hbm4b:s1+s24], $0x40, s21, s24, $0xb8;
	[tilespmem:$0x100C0] =	vst v63  }
0x4e: {  	s19 =	simm.s32 $0x6100;
	s17 =	rddreg [dreg:$0xc]  }
0x4f: {  	[tilespmem:s19], [sflag:$0xD] =	stream.linear.gather [hbm4b:s17+s15], $0x100, $0x38;
	[tilespmem:$0x100C0] =	vst v63  }
0x50: {  	_ =	swait.ge [sflag:s22], $0x100  }
0x51: {  	[sflag:s22] =	ssyncset.done $0x0  }
0x52: {  	s20 =	simm.s32 $0x6180;
	s21 =	simm.s32 $0x2000;
	[sflag:s22] =	ssyncadd.s32 $0xFFFFFF00  }
0x53: {  	[tilespmem:s21], [sflag:$0x2] =	stream.indirect.gather [hbm4b:s1+s24], $0x40, s20, s24, $0xb8;
	[tilespmem:$0x100C0] =	vst v63  }
.LBB2_4:
0x54: {  	s16 =	smul.u32 $0x3, s15;
	_ =	sdelay $0x1  }
0x55: {  	_ =	swait.ge [sflag:s30], $0x2000;
	s19 =	smul.u32 $0x180, s15;
	s17 =	sadd.s32 s6, s16  }
0x56: {  	[sflag:s30] =	ssyncset.done $0x0;
	s17 =	sshll.u32 s17, $0x5  }
0x57: {  	[sflag:s30] =	ssyncadd.s32 $0xFFFFE000;
	s20 =	sadd.s32 s7, s19;
	s17 =	sadd.s32 s17, s18  }
0x58: {  	[tilespmem:s31], [sflag:$0xC] =	stream.linear.gather [hbm4b:s17+s3], $0x100, $0x38;
	[tilespmem:$0x100C0] =	vst v63  }
0x59: {  	s17 =	sshrl.u32 s20, $0x3  }
0x5a: {  	s21 =	simm.s32 $0x6002;
	s17 =	sadd.s32 s5, s17  }
0x5b: {  	[tilespmem:s0], [sflag:$0x7] =	stream.linear.gather [hbm4b:s17+s3], $0x80, $0x38;
	[tilespmem:$0x100C0] =	vst v63  }
0x5c: {  	s17 =	simm.s32 $0x80;
	v1 =	vld.msk [tilespmem:s21+$0x1 ss:$0x0], $0xffff  }
0x5d: {  	v4 =	vld [tilespmem:s17+$0x70]  }
0x5e: {  	v2 =	vld.msk [tilespmem:s21+$0xFFFFFFFE ss:$0x0], $0xffff  }
0x5f: {  	v6 =	vld.msk [tilespmem:s21+$0xFFFFFFFF ss:$0x0], $0xffff  }
0x60: {  	v5 =	vld [tilespmem:s17+$0xFFFFFF90]  }
0x61: {  	v7 =	vld [tilespmem:s17+$0xFFFFFFA0]  }
0x62: {  	v8 =	vld [tilespmem:s17+$0xFFFFFFB0]  }
0x63: {  	v10 =	vld [tilespmem:s17+$0xFFFFFFD0]  }
0x64: {  	v9 =	vld [tilespmem:s17+$0xFFFFFFC0]  }
0x65: {  	v3 =	vld.msk [tilespmem:s21+$0x0 ss:$0x0], $0xffff;
	v4 =	vmul.f32 v4, v1  }
0x66: {  	v11 =	vld [tilespmem:s17+$0xFFFFFFE0];
	v5 =	vmul.f32 v5, v2  }
0x67: {  	[tilespmem:s17+$0x70] =	vst v4;
	v4 =	vmul.f32 v7, v2;
	v7 =	vld [tilespmem:s17+$0xFFFFFFF0]  }
0x68: {  	v10 =	vmul.f32 v10, v6;
	[tilespmem:s17+$0xFFFFFF90] =	vst v5;
	v5 =	vmul.f32 v8, v2;
	v8 =	vld [tilespmem:s17+$0x0]  }
0x69: {  	[tilespmem:s17+$0xFFFFFFA0] =	vst v4;
	v4 =	vmul.f32 v6, v9;
	v9 =	vld [tilespmem:s17+$0x10]  }
0x6a: {  	v12 =	vld [tilespmem:s17+$0x20];
	[tilespmem:s17+$0xFFFFFFD0] =	vst v10  }
0x6b: {  	v11 =	vmul.f32 v11, v6;
	[tilespmem:s17+$0xFFFFFFB0] =	vst v5;
	v5 =	vld [tilespmem:s17+$0x30]  }
0x6c: {  	[tilespmem:s17+$0xFFFFFFC0] =	vst v4;
	v4 =	vld [tilespmem:s17+$0x40];
	v7 =	vmul.f32 v7, v6  }
0x6d: {  	[tilespmem:s17+$0xFFFFFFE0] =	vst v11;
	v10 =	vmul.f32 v3, v8;
	v6 =	vld [tilespmem:s17+$0x50]  }
0x6e: {  	[tilespmem:s17+$0xFFFFFFF0] =	vst v7;
	v7 =	vld [tilespmem:s17+$0x60];
	v9 =	vmul.f32 v9, v3  }
0x6f: {  	s19 =	simm.s32 $0x0;
	s20 =	simm.s32 $0x6006;
	s21 =	simm.s32 $0x80;
	v8 =	vld [tilespmem:s17+$0xFFFFFF80];
	[tilespmem:s17+$0x0] =	vst v10;
	v10 =	vmul.f32 v12, v3  }
.LBB2_5:
0x70: {  	v11 =	vld.msk [tilespmem:s20+$0x1 ss:$0x0], $0xffff;
	s19 =	sadd.s32 $0x4, s19;
	[tilespmem:s17+$0x10] =	vst v9;
	v3 =	vmul.f32 v5, v3;
	s21 =	sadd.s32 $0x100, s21  }
0x71: {  	v5 =	vld [tilespmem:s21+$0x70];
	p1 =	slt.u32 s19, $0x7C;
	[tilespmem:s17+$0x20] =	vst v10;
	v4 =	vmul.f32 v1, v4  }
0x72: {  	v9 =	vld.msk [tilespmem:s20+$0xFFFFFFFE ss:$0x0], $0xffff;
	[tilespmem:s17+$0x30] =	vst v3;
	v6 =	vmul.f32 v6, v1  }
0x73: {  	v10 =	vld.msk [tilespmem:s20+$0xFFFFFFFF ss:$0x0], $0xffff;
	[tilespmem:s17+$0x40] =	vst v4;
	v7 =	vmul.f32 v7, v1  }
0x74: {  	v3 =	vld.msk [tilespmem:s20+$0x0 ss:$0x0], $0xffff;
	v2 =	vmul.f32 v2, v8;
	[tilespmem:s17+$0x50] =	vst v6  }
0x75: {  	v4 =	vld [tilespmem:s21+$0xFFFFFF90];
	[tilespmem:s17+$0x60] =	vst v7  }
0x76: {  	v1 =	vmov v11;
	v6 =	vld [tilespmem:s21+$0xFFFFFFA0];
	v5 =	vmul.f32 v5, v11;
	[tilespmem:s17+$0xFFFFFF80] =	vst v2;
	s17 =	smov.u32 s21  }
0x77: {  	v7 =	vld [tilespmem:s21+$0xFFFFFFB0]  }
0x78: {  	v8 =	vld [tilespmem:s21+$0xFFFFFFC0];
	[tilespmem:s21+$0x70] =	vst v5;
	v2 =	vmov v9  }
0x79: {  	v5 =	vld [tilespmem:s21+$0xFFFFFFD0]  }
0x7a: {  	v4 =	vmul.f32 v4, v2;
	v9 =	vld [tilespmem:s21+$0xFFFFFFE0]  }
0x7b: {  	v6 =	vmul.f32 v6, v2;
	v11 =	vld [tilespmem:s21+$0xFFFFFFF0]  }
0x7c: {  	[tilespmem:s21+$0xFFFFFF90] =	vst v4;
	v4 =	vmul.f32 v7, v2;
	v7 =	vld [tilespmem:s21+$0x0]  }
0x7d: {  	[tilespmem:s21+$0xFFFFFFA0] =	vst v6;
	v6 =	vmul.f32 v10, v8;
	v8 =	vld [tilespmem:s21+$0x10]  }
0x7e: {  	[tilespmem:s21+$0xFFFFFFB0] =	vst v4;
	v4 =	vmul.f32 v5, v10;
	v12 =	vld [tilespmem:s21+$0x20]  }
.Ltmp1:
0x7f: {  	[tilespmem:s21+$0xFFFFFFC0] =	vst v6;
	v6 =	vmul.f32 v9, v10;
	v5 =	vld [tilespmem:s21+$0x30];
	(pc) =	sbr.rel @p1 .LBB2_5-.Ltmp1, $4  }
0x80: {  	[tilespmem:s21+$0xFFFFFFD0] =	vst v4;
	v9 =	vmul.f32 v11, v10;
	v4 =	vld [tilespmem:s21+$0x40]  }
0x81: {  	[tilespmem:s21+$0xFFFFFFE0] =	vst v6;
	v10 =	vmul.f32 v3, v7;
	v6 =	vld [tilespmem:s21+$0x50]  }
0x82: {  	[tilespmem:s21+$0xFFFFFFF0] =	vst v9;
	v9 =	vmul.f32 v8, v3;
	v7 =	vld [tilespmem:s21+$0x60]  }
0x83: {  	s20 =	sadd.s32 $0x4, s20;
	v8 =	vld [tilespmem:s21+$0xFFFFFF80];
	[tilespmem:s21+$0x0] =	vst v10;
	v10 =	vmul.f32 v12, v3  }
0x84: {  	[tilespmem:s17+$0x10] =	vst v9;
	v3 =	vmul.f32 v5, v3  }
0x85: {  	[tilespmem:s17+$0x20] =	vst v10;
	v4 =	vmul.f32 v1, v4  }
0x86: {  	[tilespmem:s17+$0x30] =	vst v3;
	v3 =	vmul.f32 v6, v1  }
0x87: {  	[tilespmem:s17+$0x40] =	vst v4;
	v1 =	vmul.f32 v7, v1  }
0x88: {  	v2 =	vmul.f32 v2, v8;
	[tilespmem:s17+$0x50] =	vst v3  }
0x89: {  	p1 =	seq.s32 s15, $0x0;
	[tilespmem:s17+$0x60] =	vst v1  }
0x8a: {  	[tilespmem:s17+$0xFFFFFF80] =	vst v2;
	s17 =	simm.s32 @!p1 $0x6  }
0x8b: {  	_ =	swait.ge @!p1 [sflag:s17], $0x2000  }
0x8c: {  	[sflag:s17] =	ssyncset.done @!p1 $0x0  }
0x8d: {  	[sflag:s17] =	ssyncadd.s32 @!p1 $0xFFFFE000  }
0x8e: {  	_ =	swait.ge [sflag:s23], $0x100  }
0x8f: {  	[sflag:s23] =	ssyncset.done $0x0  }
0x90: {  	[sflag:s23] =	ssyncadd.s32 $0xFFFFFF00  }
0x91: {  	[tilespmem:s26], [sflag:$0x3] =	stream.indirect.gather [hbm4b:s1+s24], $0x40, s25, s24, $0xb8;
	[tilespmem:$0x100C0] =	vst v63  }
0x92: {  	_ =	swait.ge [sflag:s28], $0x80  }
0x93: {  	s17 =	sadd.s32 $0x1, s16;
	p1 =	seq.s32 s15, $0x1A;
	[sflag:s28] =	ssyncset.done $0x0  }
0x94: {  	s19 =	sadd.s32 @!p1 s6, s17;
	s20 =	simm.s32 @!p1 $0x0;
	[sflag:s28] =	ssyncadd.s32 $0xFFFFFF80  }
0x95: {  	[spmem:s2] =	stream.indirect.scatter.add.f32 [tilespmem:s3], [sflag:$0x4], $0x40, s0, s24, $0xb8;
	[tilespmem:$0x100C0] =	vst v63  }
0x96: {  	s21 =	simm.s32 @!p1 $0x6000;
	s17 =	sshll.u32 s17, $0x7;
	_ =	swait.ge [sflag:s29], $0x2000  }
0x97: {  	s19 =	sshll.u32 @!p1 s19, $0x5;
	s17 =	sadd.s32 s7, s17;
	[sflag:s29] =	ssyncset.done $0x0  }
0x98: {  	s19 =	sadd.s32 @!p1 s19, s18;
	s17 =	sshrl.u32 s17, $0x3;
	[sflag:s29] =	ssyncadd.s32 $0xFFFFE000  }
0x99: {  	[tilespmem:s21], [sflag:$0xA] =	stream.linear.gather @!p1 [hbm4b:s19+s20], $0x100, $0x38;
	[tilespmem:$0x100C0] =	vst v63  }
0x9a: {  	s17 =	sadd.s32 s5, s17;
	s21 =	simm.s32 $0x6102  }
0x9b: {  	[tilespmem:s4], [sflag:$0x8] =	stream.linear.gather [hbm4b:s17+s3], $0x80, $0x38;
	[tilespmem:$0x100C0] =	vst v63  }
0x9c: {  	s17 =	simm.s32 $0x2080;
	v1 =	vld.msk [tilespmem:s21+$0x1 ss:$0x0], $0xffff  }
0x9d: {  	v4 =	vld [tilespmem:s17+$0x70]  }
0x9e: {  	v2 =	vld.msk [tilespmem:s21+$0xFFFFFFFE ss:$0x0], $0xffff  }
0x9f: {  	v6 =	vld.msk [tilespmem:s21+$0xFFFFFFFF ss:$0x0], $0xffff  }
0xa0: {  	v5 =	vld [tilespmem:s17+$0xFFFFFF90]  }
0xa1: {  	v7 =	vld [tilespmem:s17+$0xFFFFFFA0]  }
0xa2: {  	v8 =	vld [tilespmem:s17+$0xFFFFFFB0]  }
0xa3: {  	v10 =	vld [tilespmem:s17+$0xFFFFFFD0]  }
0xa4: {  	v9 =	vld [tilespmem:s17+$0xFFFFFFC0]  }
0xa5: {  	v3 =	vld.msk [tilespmem:s21+$0x0 ss:$0x0], $0xffff;
	v4 =	vmul.f32 v4, v1  }
0xa6: {  	v11 =	vld [tilespmem:s17+$0xFFFFFFE0];
	v5 =	vmul.f32 v5, v2  }
0xa7: {  	[tilespmem:s17+$0x70] =	vst v4;
	v4 =	vmul.f32 v7, v2;
	v7 =	vld [tilespmem:s17+$0xFFFFFFF0]  }
0xa8: {  	v10 =	vmul.f32 v10, v6;
	[tilespmem:s17+$0xFFFFFF90] =	vst v5;
	v5 =	vmul.f32 v8, v2;
	v8 =	vld [tilespmem:s17+$0x0]  }
0xa9: {  	[tilespmem:s17+$0xFFFFFFA0] =	vst v4;
	v4 =	vmul.f32 v6, v9;
	v9 =	vld [tilespmem:s17+$0x10]  }
0xaa: {  	v12 =	vld [tilespmem:s17+$0x20];
	[tilespmem:s17+$0xFFFFFFD0] =	vst v10  }
0xab: {  	v11 =	vmul.f32 v11, v6;
	[tilespmem:s17+$0xFFFFFFB0] =	vst v5;
	v5 =	vld [tilespmem:s17+$0x30]  }
0xac: {  	[tilespmem:s17+$0xFFFFFFC0] =	vst v4;
	v4 =	vld [tilespmem:s17+$0x40];
	v7 =	vmul.f32 v7, v6  }
0xad: {  	[tilespmem:s17+$0xFFFFFFE0] =	vst v11;
	v10 =	vmul.f32 v3, v8;
	v6 =	vld [tilespmem:s17+$0x50]  }
0xae: {  	s16 =	sadd.s32 $0x2, s16;
	[tilespmem:s17+$0xFFFFFFF0] =	vst v7;
	v7 =	vld [tilespmem:s17+$0x60];
	v9 =	vmul.f32 v9, v3  }
0xaf: {  	s19 =	simm.s32 $0x0;
	s20 =	simm.s32 $0x6106;
	s21 =	simm.s32 $0x2080;
	v8 =	vld [tilespmem:s17+$0xFFFFFF80];
	[tilespmem:s17+$0x0] =	vst v10;
	v10 =	vmul.f32 v12, v3  }
.LBB2_7:
0xb0: {  	v11 =	vld.msk [tilespmem:s20+$0x1 ss:$0x0], $0xffff;
	s19 =	sadd.s32 $0x4, s19;
	[tilespmem:s17+$0x10] =	vst v9;
	v3 =	vmul.f32 v5, v3;
	s21 =	sadd.s32 $0x100, s21  }
0xb1: {  	v5 =	vld [tilespmem:s21+$0x70];
	p2 =	slt.u32 s19, $0x7C;
	[tilespmem:s17+$0x20] =	vst v10;
	v4 =	vmul.f32 v1, v4  }
0xb2: {  	v9 =	vld.msk [tilespmem:s20+$0xFFFFFFFE ss:$0x0], $0xffff;
	[tilespmem:s17+$0x30] =	vst v3;
	v6 =	vmul.f32 v6, v1  }
0xb3: {  	v10 =	vld.msk [tilespmem:s20+$0xFFFFFFFF ss:$0x0], $0xffff;
	[tilespmem:s17+$0x40] =	vst v4;
	v7 =	vmul.f32 v7, v1  }
0xb4: {  	v3 =	vld.msk [tilespmem:s20+$0x0 ss:$0x0], $0xffff;
	v2 =	vmul.f32 v2, v8;
	[tilespmem:s17+$0x50] =	vst v6  }
0xb5: {  	v4 =	vld [tilespmem:s21+$0xFFFFFF90];
	[tilespmem:s17+$0x60] =	vst v7  }
0xb6: {  	v1 =	vmov v11;
	v6 =	vld [tilespmem:s21+$0xFFFFFFA0];
	v5 =	vmul.f32 v5, v11;
	[tilespmem:s17+$0xFFFFFF80] =	vst v2;
	s17 =	smov.u32 s21  }
0xb7: {  	v7 =	vld [tilespmem:s21+$0xFFFFFFB0]  }
0xb8: {  	v8 =	vld [tilespmem:s21+$0xFFFFFFC0];
	[tilespmem:s21+$0x70] =	vst v5;
	v2 =	vmov v9  }
0xb9: {  	v5 =	vld [tilespmem:s21+$0xFFFFFFD0]  }
0xba: {  	v4 =	vmul.f32 v4, v2;
	v9 =	vld [tilespmem:s21+$0xFFFFFFE0]  }
0xbb: {  	v6 =	vmul.f32 v6, v2;
	v11 =	vld [tilespmem:s21+$0xFFFFFFF0]  }
0xbc: {  	[tilespmem:s21+$0xFFFFFF90] =	vst v4;
	v4 =	vmul.f32 v7, v2;
	v7 =	vld [tilespmem:s21+$0x0]  }
0xbd: {  	[tilespmem:s21+$0xFFFFFFA0] =	vst v6;
	v6 =	vmul.f32 v10, v8;
	v8 =	vld [tilespmem:s21+$0x10]  }
0xbe: {  	[tilespmem:s21+$0xFFFFFFB0] =	vst v4;
	v4 =	vmul.f32 v5, v10;
	v12 =	vld [tilespmem:s21+$0x20]  }
.Ltmp2:
0xbf: {  	[tilespmem:s21+$0xFFFFFFC0] =	vst v6;
	v6 =	vmul.f32 v9, v10;
	v5 =	vld [tilespmem:s21+$0x30];
	(pc) =	sbr.rel @p2 .LBB2_7-.Ltmp2, $4  }
0xc0: {  	[tilespmem:s21+$0xFFFFFFD0] =	vst v4;
	v9 =	vmul.f32 v11, v10;
	v4 =	vld [tilespmem:s21+$0x40]  }
0xc1: {  	[tilespmem:s21+$0xFFFFFFE0] =	vst v6;
	v10 =	vmul.f32 v3, v7;
	v6 =	vld [tilespmem:s21+$0x50]  }
0xc2: {  	[tilespmem:s21+$0xFFFFFFF0] =	vst v9;
	v9 =	vmul.f32 v8, v3;
	v7 =	vld [tilespmem:s21+$0x60]  }
0xc3: {  	s20 =	sadd.s32 $0x4, s20;
	v8 =	vld [tilespmem:s21+$0xFFFFFF80];
	[tilespmem:s21+$0x0] =	vst v10;
	v10 =	vmul.f32 v12, v3  }
0xc4: {  	[tilespmem:s17+$0x10] =	vst v9;
	v3 =	vmul.f32 v5, v3  }
0xc5: {  	[tilespmem:s17+$0x20] =	vst v10;
	v4 =	vmul.f32 v1, v4  }
0xc6: {  	[tilespmem:s17+$0x30] =	vst v3;
	v3 =	vmul.f32 v6, v1  }
0xc7: {  	[tilespmem:s17+$0x40] =	vst v4;
	v1 =	vmul.f32 v7, v1  }
0xc8: {  	v2 =	vmul.f32 v2, v8;
	[tilespmem:s17+$0x50] =	vst v3  }
0xc9: {  	[tilespmem:s17+$0x60] =	vst v1  }
0xca: {  	[tilespmem:s17+$0xFFFFFF80] =	vst v2;
	s17 =	simm.s32 @p1 $0x8  }
0xcb: {  	_ =	swait.ge @p1 [sflag:s17], $0x80  }
0xcc: {  	s19 =	simm.s32 @p1 $0x6380;
	[sflag:s17] =	ssyncset.done @p1 $0x0  }
0xcd: {  	s20 =	simm.s32 @p1 $0x2000;
	[sflag:s17] =	ssyncadd.s32 @p1 $0xFFFFFF80;
	s17 =	simm.s32 @p1 $0x80  }
0xce: {  	[spmem:s2] =	stream.indirect.scatter.add.f32 @p1 [tilespmem:s20], [sflag:$0x5], $0x40, s19, s17, $0xb8;
	[tilespmem:$0x100C0] =	vst v63  }
0xcf: {  	s17 =	simm.s32 @p1 $0x3  }
0xd0: {  	_ =	swait.ge @p1 [sflag:s17], $0x2000  }
0xd1: {  	[sflag:s17] =	ssyncset.done @p1 $0x0  }
0xd2: {  	[sflag:s17] =	ssyncadd.s32 @p1 $0xFFFFE000;
	s17 =	simm.s32 @!p1 $0x4  }
0xd3: {  	_ =	swait.ge @!p1 [sflag:s17], $0x2000  }
0xd4: {  	[sflag:s17] =	ssyncset.done @!p1 $0x0  }
0xd5: {  	[sflag:s17] =	ssyncadd.s32 @!p1 $0xFFFFE000;
	s17 =	simm.s32 @!p1 $0xA  }
0xd6: {  	_ =	swait.ge @!p1 [sflag:s17], $0x100  }
0xd7: {  	s19 =	simm.s32 @!p1 $0x6080;
	[sflag:s17] =	ssyncset.done @!p1 $0x0  }
0xd8: {  	s20 =	simm.s32 @!p1 $0x0;
	[sflag:s17] =	ssyncadd.s32 @!p1 $0xFFFFFF00;
	s17 =	simm.s32 @!p1 $0x80  }
0xd9: {  	[tilespmem:s20], [sflag:$0x1] =	stream.indirect.gather @!p1 [hbm4b:s1+s17], $0x40, s19, s17, $0xb8;
	[tilespmem:$0x100C0] =	vst v63  }
0xda: {  	s19 =	simm.s32 @!p1 $0x8  }
0xdb: {  	_ =	swait.ge @!p1 [sflag:s19], $0x80  }
0xdc: {  	[sflag:s19] =	ssyncset.done @!p1 $0x0  }
0xdd: {  	s21 =	simm.s32 @!p1 $0x2000;
	[sflag:s19] =	ssyncadd.s32 @!p1 $0xFFFFFF80;
	s19 =	simm.s32 @!p1 $0x6380  }
0xde: {  	[spmem:s2] =	stream.indirect.scatter.add.f32 @!p1 [tilespmem:s21], [sflag:$0x5], $0x40, s19, s17, $0xb8;
	[tilespmem:$0x100C0] =	vst v63  }
0xdf: {  	s17 =	simm.s32 @!p1 $0x3  }
0xe0: {  	s19 =	sadd.s32 @!p1 s6, s16;
	_ =	swait.ge @!p1 [sflag:s17], $0x2000  }
0xe1: {  	s19 =	sshll.u32 @!p1 s19, $0x5;
	[sflag:s17] =	ssyncset.done @!p1 $0x0  }
0xe2: {  	[sflag:s17] =	ssyncadd.s32 @!p1 $0xFFFFE000;
	s17 =	sadd.s32 @!p1 s19, s18;
	s19 =	simm.s32 @!p1 $0x6100  }
0xe3: {  	[tilespmem:s19], [sflag:$0xB] =	stream.linear.gather @!p1 [hbm4b:s17+s20], $0x100, $0x38;
	[tilespmem:$0x100C0] =	vst v63  }
0xe4: {  	s20 =	sshll.u32 s16, $0x7  }
0xe5: {  	s16 =	sadd.s32 s7, s20  }
0xe6: {  	s16 =	sshrl.u32 s16, $0x3  }
0xe7: {  	s21 =	simm.s32 $0x6202;
	s16 =	sadd.s32 s5, s16  }
0xe8: {  	[tilespmem:s9], [sflag:$0x9] =	stream.linear.gather [hbm4b:s16+s3], $0x80, $0x38;
	[tilespmem:$0x100C0] =	vst v63  }
0xe9: {  	s16 =	simm.s32 $0x4080;
	v1 =	vld.msk [tilespmem:s21+$0x1 ss:$0x0], $0xffff  }
0xea: {  	v4 =	vld [tilespmem:s16+$0x70]  }
0xeb: {  	v2 =	vld.msk [tilespmem:s21+$0xFFFFFFFE ss:$0x0], $0xffff  }
0xec: {  	v6 =	vld.msk [tilespmem:s21+$0xFFFFFFFF ss:$0x0], $0xffff  }
0xed: {  	v5 =	vld [tilespmem:s16+$0xFFFFFF90]  }
0xee: {  	v7 =	vld [tilespmem:s16+$0xFFFFFFA0]  }
0xef: {  	v8 =	vld [tilespmem:s16+$0xFFFFFFB0]  }
0xf0: {  	v10 =	vld [tilespmem:s16+$0xFFFFFFD0]  }
0xf1: {  	v9 =	vld [tilespmem:s16+$0xFFFFFFC0]  }
0xf2: {  	v3 =	vld.msk [tilespmem:s21+$0x0 ss:$0x0], $0xffff;
	v4 =	vmul.f32 v4, v1  }
0xf3: {  	v11 =	vld [tilespmem:s16+$0xFFFFFFE0];
	v5 =	vmul.f32 v5, v2  }
0xf4: {  	[tilespmem:s16+$0x70] =	vst v4;
	v4 =	vmul.f32 v7, v2;
	v7 =	vld [tilespmem:s16+$0xFFFFFFF0]  }
0xf5: {  	v10 =	vmul.f32 v10, v6;
	[tilespmem:s16+$0xFFFFFF90] =	vst v5;
	v5 =	vmul.f32 v8, v2;
	v8 =	vld [tilespmem:s16+$0x0]  }
0xf6: {  	[tilespmem:s16+$0xFFFFFFA0] =	vst v4;
	v4 =	vmul.f32 v6, v9;
	v9 =	vld [tilespmem:s16+$0x10]  }
0xf7: {  	v12 =	vld [tilespmem:s16+$0x20];
	[tilespmem:s16+$0xFFFFFFD0] =	vst v10  }
0xf8: {  	v11 =	vmul.f32 v11, v6;
	[tilespmem:s16+$0xFFFFFFB0] =	vst v5;
	v5 =	vld [tilespmem:s16+$0x30]  }
0xf9: {  	[tilespmem:s16+$0xFFFFFFC0] =	vst v4;
	v4 =	vld [tilespmem:s16+$0x40];
	v7 =	vmul.f32 v7, v6  }
0xfa: {  	[tilespmem:s16+$0xFFFFFFE0] =	vst v11;
	v10 =	vmul.f32 v3, v8;
	v6 =	vld [tilespmem:s16+$0x50]  }
0xfb: {  	[tilespmem:s16+$0xFFFFFFF0] =	vst v7;
	v7 =	vld [tilespmem:s16+$0x60];
	v9 =	vmul.f32 v9, v3  }
0xfc: {  	s17 =	simm.s32 $0x0;
	s19 =	simm.s32 $0x6206;
	s20 =	simm.s32 $0x4080;
	v8 =	vld [tilespmem:s16+$0xFFFFFF80];
	[tilespmem:s16+$0x0] =	vst v10;
	v10 =	vmul.f32 v12, v3  }
.LBB2_9:
0xfd: {  	v11 =	vld.msk [tilespmem:s19+$0x1 ss:$0x0], $0xffff;
	s17 =	sadd.s32 $0x4, s17;
	[tilespmem:s16+$0x10] =	vst v9;
	v3 =	vmul.f32 v5, v3;
	s20 =	sadd.s32 $0x100, s20  }
0xfe: {  	v5 =	vld [tilespmem:s20+$0x70];
	p2 =	slt.u32 s17, $0x7C;
	[tilespmem:s16+$0x20] =	vst v10;
	v4 =	vmul.f32 v1, v4  }
0xff: {  	v9 =	vld.msk [tilespmem:s19+$0xFFFFFFFE ss:$0x0], $0xffff;
	[tilespmem:s16+$0x30] =	vst v3;
	v6 =	vmul.f32 v6, v1  }
0x100: {  	v10 =	vld.msk [tilespmem:s19+$0xFFFFFFFF ss:$0x0], $0xffff;
	[tilespmem:s16+$0x40] =	vst v4;
	v7 =	vmul.f32 v7, v1  }
0x101: {  	v3 =	vld.msk [tilespmem:s19+$0x0 ss:$0x0], $0xffff;
	v2 =	vmul.f32 v2, v8;
	[tilespmem:s16+$0x50] =	vst v6  }
0x102: {  	v4 =	vld [tilespmem:s20+$0xFFFFFF90];
	[tilespmem:s16+$0x60] =	vst v7  }
0x103: {  	v1 =	vmov v11;
	v6 =	vld [tilespmem:s20+$0xFFFFFFA0];
	v5 =	vmul.f32 v5, v11;
	[tilespmem:s16+$0xFFFFFF80] =	vst v2;
	s16 =	smov.u32 s20  }
0x104: {  	v7 =	vld [tilespmem:s20+$0xFFFFFFB0]  }
0x105: {  	v8 =	vld [tilespmem:s20+$0xFFFFFFC0];
	[tilespmem:s20+$0x70] =	vst v5;
	v2 =	vmov v9  }
0x106: {  	v5 =	vld [tilespmem:s20+$0xFFFFFFD0]  }
0x107: {  	v4 =	vmul.f32 v4, v2;
	v9 =	vld [tilespmem:s20+$0xFFFFFFE0]  }
0x108: {  	v6 =	vmul.f32 v6, v2;
	v11 =	vld [tilespmem:s20+$0xFFFFFFF0]  }
0x109: {  	[tilespmem:s20+$0xFFFFFF90] =	vst v4;
	v4 =	vmul.f32 v7, v2;
	v7 =	vld [tilespmem:s20+$0x0]  }
0x10a: {  	[tilespmem:s20+$0xFFFFFFA0] =	vst v6;
	v6 =	vmul.f32 v10, v8;
	v8 =	vld [tilespmem:s20+$0x10]  }
0x10b: {  	[tilespmem:s20+$0xFFFFFFB0] =	vst v4;
	v4 =	vmul.f32 v5, v10;
	v12 =	vld [tilespmem:s20+$0x20]  }
.Ltmp3:
0x10c: {  	[tilespmem:s20+$0xFFFFFFC0] =	vst v6;
	v6 =	vmul.f32 v9, v10;
	v5 =	vld [tilespmem:s20+$0x30];
	(pc) =	sbr.rel @p2 .LBB2_9-.Ltmp3, $4  }
0x10d: {  	[tilespmem:s20+$0xFFFFFFD0] =	vst v4;
	v9 =	vmul.f32 v11, v10;
	v4 =	vld [tilespmem:s20+$0x40]  }
0x10e: {  	[tilespmem:s20+$0xFFFFFFE0] =	vst v6;
	v10 =	vmul.f32 v3, v7;
	v6 =	vld [tilespmem:s20+$0x50]  }
0x10f: {  	[tilespmem:s20+$0xFFFFFFF0] =	vst v9;
	v9 =	vmul.f32 v8, v3;
	v7 =	vld [tilespmem:s20+$0x60]  }
0x110: {  	s19 =	sadd.s32 $0x4, s19;
	v8 =	vld [tilespmem:s20+$0xFFFFFF80];
	[tilespmem:s20+$0x0] =	vst v10;
	v10 =	vmul.f32 v12, v3  }
0x111: {  	[tilespmem:s16+$0x10] =	vst v9;
	v3 =	vmul.f32 v5, v3  }
0x112: {  	[tilespmem:s16+$0x20] =	vst v10;
	v4 =	vmul.f32 v1, v4  }
0x113: {  	[tilespmem:s16+$0x30] =	vst v3;
	v3 =	vmul.f32 v6, v1  }
0x114: {  	[tilespmem:s16+$0x40] =	vst v4;
	v1 =	vmul.f32 v7, v1  }
0x115: {  	v2 =	vmul.f32 v2, v8;
	[tilespmem:s16+$0x50] =	vst v3  }
0x116: {  	[tilespmem:s16+$0x60] =	vst v1  }
0x117: {  	[tilespmem:s16+$0xFFFFFF80] =	vst v2;
	s16 =	simm.s32 @!p1 $0x5  }
0x118: {  	_ =	swait.ge @!p1 [sflag:s16], $0x2000  }
0x119: {  	[sflag:s16] =	ssyncset.done @!p1 $0x0  }
0x11a: {  	[sflag:s16] =	ssyncadd.s32 @!p1 $0xFFFFE000;
	s16 =	simm.s32 @!p1 $0xB  }
0x11b: {  	_ =	swait.ge @!p1 [sflag:s16], $0x100  }
0x11c: {  	s17 =	simm.s32 @!p1 $0x6180;
	s19 =	simm.s32 @!p1 $0x2000;
	[sflag:s16] =	ssyncset.done @!p1 $0x0  }
0x11d: {  	s15 =	sadd.s32 $0x1, s15;
	[sflag:s16] =	ssyncadd.s32 @!p1 $0xFFFFFF00;
	s16 =	simm.s32 @!p1 $0x80  }
0x11e: {  	[tilespmem:s19], [sflag:$0x2] =	stream.indirect.gather @!p1 [hbm4b:s1+s16], $0x40, s17, s16, $0xb8;
	[tilespmem:$0x100C0] =	vst v63  }
0x11f: {  	p1 =	sne.s32 s15, $0x1B  }
.Ltmp4:
0x120: {  	_ = 	snop;
	(pc) =	sbr.rel @p1 .LBB2_4-.Ltmp4, $4  }
0x121: {  	_ =	swait.ge [sflag:s10], $0x80  }
0x122: {  	[sflag:s10] =	ssyncset.done $0x0  }
0x123: {  	[sflag:s10] =	ssyncadd.s32 $0xFFFFFF80  }
0x124: {  	[spmem:s2] =	stream.indirect.scatter.add.f32 [tilespmem:s26], [sflag:$0x6], $0x40, s9, s24, $0xb8;
	[tilespmem:$0x100C0] =	vst v63  }
0x125: {  	_ =	swait.ge [sflag:s11], $0x2000  }
0x126: {  	[sflag:s11] =	ssyncset.done $0x0  }
0x127: {  	[sflag:s11] =	ssyncadd.s32 $0xFFFFE000  }
0x128: {  	_ =	swait.ge [sflag:s12], $0x2000  }
0x129: {  	[sflag:s12] =	ssyncset.done $0x0  }
0x12a: {  	[sflag:s12] =	ssyncadd.s32 $0xFFFFE000  }
0x12b: {  	_ =	swait.ge [sflag:s13], $0x2000  }
0x12c: {  	[sflag:s13] =	ssyncset.done $0x0  }
0x12d: {  	[sflag:s13] =	ssyncadd.s32 $0xFFFFE000  }
0x12e: {  	[bflag:$0x0] =	sbarrier.arrive $0xFFFF  }
0x12f: {  	s15 =	sshrl.u32 @p0 s8, $0x3;
	s16 =	simm.s32 @p0 $0x1FCD;
	s17 =	rddreg [dreg:$0xe]  }
0x130: {  	[hbm:s17], [sflag:s16] =	dma.local @p0 [spmem:s15], $0xC80  }
0x131: {  	s15 =	simm.s32 @p0 $0xD  }
0x132: {  	s16 =	stileid.u32;
	_ =	swait.ge @p0 [sflag:s15], $0xC80  }
0x133: {  	s16 =	sshll.u32 @!p0 s16, $0x6;
	[sflag:s15] =	ssyncset.done @p0 $0x0;
	s17 =	rddreg [dreg:$0xd]  }
0x134: {  	[sflag:s15] =	ssyncadd.s32 @p0 $0xFFFFF380;
	s15 =	sor.u32 @!p0 $0x1C0D, s16;
	s16 =	sshrl.u32 @!p0 s8, $0x3  }
0x135: {  	[hbm:s17], [sflag:s15] =	dma.local @!p0 [spmem:s16], $0x1400  }
0x136: {  	s15 =	simm.s32 @!p0 $0xD  }
0x137: {  	_ =	swait.ge @!p0 [sflag:s15], $0x1400  }
0x138: {  	s14 =	sadd.s32 $0x1, s14;
	s21 =	rddreg [dreg:$0xf]  }
0x139: {  	p1 =	sne.s32 s14, s21  }
.Ltmp5:
0x13a: {  	_ = 	snop;
	(pc) =	sbr.rel @p1 .LBB2_1-.Ltmp5, $3  }
0x13b: {  	_ =	sdelay $0x1  }
0x13c: {  	[sflag:s15] =	ssyncset.done @!p0 $0x0  }
0x13d: {  	[sflag:s15] =	ssyncadd.s32 @!p0 $0xFFFFEC00  }
0x13e: {  	_ =	sfence.sel $0x180000  }
0x13f: {  	[bflag:$0x0] =	sbarrier.arrive $0xFFFF  }
0x140: {  	_ =	strace $0x9000004A  }
0x141: {  	s0 =	stileid.u32;
	[bflag:$0x2] =	sbarrier.arrive $0xFFFF  }
0x142: {  	p0 =	sne.s32 s0, $0x0;
	s0 =	rddreg [dreg:$0x3]  }
0x143: {  	s0 =	sadd.s32 @!p0 $0x100000, s0  }
0x144: {  	[sflag:s0] =	ssyncadd.tile.s32 @!p0 $0x1;
	_ =	shalt  }
.Lfunc_end2:
_tile_overlayer_lowered:
.L_overlay_start_2:
0x145: {  	(tag) =	ssettag $0x2  }
0x146: {  	s0 =	rddreg [dreg:$0x0];
	s2 =	stileid.u32  }
0x147: {  	s1 =	rddreg [dreg:$0x1];
	p0 =	sne.s32 s2, $0x0  }
0x148: {  	s3 =	rddreg [dreg:$0x2];
	[bflag:$0x3] =	sbarrier.arrive $0xFFFF;
	s2 =	simm.s32 @!p0 $0x1C0D  }
0x149: {  	[timem:s3], [sflag:s2] =	dma.local @!p0 [hbm:s0], s1  }
0x14a: {  	s0 =	simm.s32 @!p0 $0xD  }
0x14b: {  	_ =	swait.ge @!p0 [sflag:s0], s1  }
0x14c: {  	s1 =	ssub.s32 @!p0 $0x0, s1;
	[sflag:s0] =	ssyncset.done @!p0 $0x0  }
0x14d: {  	[sflag:s0] =	ssyncadd.s32 @!p0 s1  }
0x14e: {  	[bflag:$0x3] =	sbarrier.arrive $0xFFFF  }
0x14f: {  	_ =	shalt  }

// kernel: kernel.7.cloned.1.call-start
scs
__scs_entry_jumppad:
0x0: {  	(pc) =	sbr.rel $0x88, $3  }
0x1: {  	(tag) =	ssettag $0x0;
	lr =	simm.s32 $0x1  }
0x2: {  	[smem:$0x3F9A] =	sst lr;
	_ =	strace $0xD0000000  }
0x3: {  	_ = 	snop  }
0x4: {  	_ = 	snop  }
0x5: {  	_ = 	snop  }
0x6: {  	_ = 	snop  }
0x7: {  	_ = 	snop  }
__scs_overlays_trampoline_lowered:
0x8: {  	[smem:$0x3FA9] =	sst s0  }
0x9: {  	[smem:$0x3FAA] =	sst s1  }
0xa: {  	[smem:$0x3FAB] =	sst s2  }
0xb: {  	[smem:$0x3FAC] =	sst s3  }
0xc: {  	[smem:$0x3FAD] =	sst s4  }
0xd: {  	[smem:$0x3FAE] =	sst s5  }
0xe: {  	[smem:$0x3FAF] =	sst s6  }
0xf: {  	[smem:$0x3FB0] =	sst s7  }
0x10: {  	[smem:$0x3FB1] =	sst s8  }
0x11: {  	[smem:$0x3FB2] =	sst s9;
	s0 =	simm.s32 @!p0 $0x0  }
0x12: {  	s1 =	sld [smem:$0x3F98];
	s0 =	simm.s32 @p0 $0x1  }
0x13: {  	[smem:$0x3FB3] =	sst s0;
	s0 =	simm.s32 @!p1 $0x0  }
0x14: {  	s2 =	sld [smem:$0x3F97];
	s0 =	simm.s32 @p1 $0x1  }
0x15: {  	[smem:$0x3FB4] =	sst s0;
	s0 =	simm.s32 @!p2 $0x0  }
0x16: {  	s3 =	sld [smem:$0x3FDB];
	s0 =	simm.s32 @p2 $0x1  }
0x17: {  	s4 =	simm.s32 $0x1BF5;
	[smem:$0x3FB6] =	sst s0  }
0x18: {  	s0 =	sld [smem:$0x3F99];
	_ =	swait.ge [sflag:s4], $0x0  }
0x19: {  	s7 =	sld [smem:$0x3F9A]  }
0x1a: {  	s8 =	sadd.s32 $0xFFFFE003, lr  }
0x1b: {  	s9 =	sadd.s32 $0xFFFFFEF7, lr;
	s5 =	simm.s32 $0xFFFFFFFF;
	p2 =	slt.u32 s8, $0xFFFFF086  }
0x1c: {  	p1 =	slt.u32 s9, $0xF7A;
	s5 =	simm.s32 @!p2 $0x0  }
0x1d: {  	s5 =	simm.s32 @p1 $0x1;
	p0 =	seq.s32 s7, s2  }
0x1e: {  	s7 =	smul.u32 @!p0 $0xF7A, s2;
	p2 =	seq.s32 @!p0 s5, $0x0  }
0x1f: {  	s9 =	smul.u32 $0xF7A, s1;
	s8 =	simm.s32 @!p0 $0x1BF5;
	p2 =	por !p2, p0  }
0x20: {  	[sflag:s8] =	ssyncset.s32 @!p0 $0xFFFFF086;
	s6 =	sadd.s32 @!p0 s3, s7;
	s7 =	simm.s32 @!p0 $0x108  }
0x21: {  	s3 =	sadd.s32 s3, s9;
	s6 =	sadd.s32 @!p0 $0x88, s6;
	s7 =	simm.s32 @p2 $0x1082  }
0x22: {  	[simem:s7], [sflag:s8] =	dma.local @!p0 [hbm:s6], $0xF7A  }
0x23: {  	s9 =	sor.u32 $0xD0000000, s2;
	s6 =	simm.s32 $0x108;
	_ =	swait.ge @!p0 [sflag:s8], $0x0  }
0x24: {  	s3 =	sadd.s32 $0x88, s3;
	s6 =	simm.s32 @!p1 $0x1082;
	[sflag:s4] =	ssyncset.s32 $0xFFFFF086  }
0x25: {  	[simem:s6], [sflag:s4] =	dma.local [hbm:s3], $0xF7A  }
0x26: {  	[smem:$0x3F9A] =	sst s1;
	(tag) =	ssettag s2;
	_ =	strace s9  }
0x27: {  	s1 =	sld [smem:$0x3FAA]  }
0x28: {  	s2 =	sld [smem:$0x3FAB]  }
0x29: {  	s4 =	sld [smem:$0x3FAD]  }
0x2a: {  	p0 =	seq.s32 s5, $0x0;
	s5 =	sld [smem:$0x3FAE]  }
0x2b: {  	s6 =	sld [smem:$0x3FAF]  }
0x2c: {  	s7 =	sld [smem:$0x3FB0]  }
0x2d: {  	s3 =	simm.s32 $0x108;
	s8 =	sld [smem:$0x3FB1]  }
0x2e: {  	s3 =	simm.s32 @!p0 $0x1082;
	s9 =	sld [smem:$0x3FB2]  }
0x2f: {  	lr =	sadd.s32 s0, s3;
	s0 =	sld [smem:$0x3FA9]  }
0x30: {  	s3 =	sld [smem:$0x3FAC]  }
0x31: {  	[smem:$0x3FB5] =	sst s10  }
0x32: {  	s10 =	sld [smem:$0x3FB3];
	_ =	sdelay $0x3  }
0x33: {  	p0 =	seq.s32 s10, $0x1;
	s10 =	sld [smem:$0x3FB5];
	_ =	sdelay $0x3  }
0x34: {  	[smem:$0x3FB5] =	sst s10  }
0x35: {  	s10 =	sld [smem:$0x3FB4];
	_ =	sdelay $0x3  }
0x36: {  	p1 =	seq.s32 s10, $0x1;
	s10 =	sld [smem:$0x3FB5];
	_ =	sdelay $0x3  }
0x37: {  	[smem:$0x3FB5] =	sst s10  }
0x38: {  	s10 =	sld [smem:$0x3FB6]  }
0x39: {  	_ = 	snop;
	(pc) =	sbr.ind lr, $3  }
0x3a: {  	_ = 	snop  }
0x3b: {  	_ = 	snop  }
0x3c: {  	p2 =	seq.s32 s10, $0x1;
	s10 =	sld [smem:$0x3FB5]  }
0x3d: {  	_ =	shalt  }
0x3e: {  	_ =	shalt  }
0x3f: {  	_ =	shalt  }
0x40: {  	_ =	shalt  }
0x41: {  	_ =	shalt  }
0x42: {  	_ =	shalt  }
0x43: {  	_ =	shalt  }
0x44: {  	_ =	shalt  }
0x45: {  	_ =	shalt  }
0x46: {  	_ =	shalt  }
0x47: {  	_ =	shalt  }
0x48: {  	_ =	shalt  }
0x49: {  	_ =	shalt  }
0x4a: {  	_ =	shalt  }
0x4b: {  	_ =	shalt  }
0x4c: {  	_ =	shalt  }
0x4d: {  	_ =	shalt  }
0x4e: {  	_ =	shalt  }
0x4f: {  	_ =	shalt  }
0x50: {  	_ =	shalt  }
0x51: {  	_ =	shalt  }
0x52: {  	_ =	shalt  }
0x53: {  	_ =	shalt  }
0x54: {  	_ =	shalt  }
0x55: {  	_ =	shalt  }
0x56: {  	_ =	shalt  }
0x57: {  	_ =	shalt  }
0x58: {  	_ =	shalt  }
0x59: {  	_ =	shalt  }
0x5a: {  	_ =	shalt  }
0x5b: {  	_ =	shalt  }
0x5c: {  	_ =	shalt  }
0x5d: {  	_ =	shalt  }
0x5e: {  	_ =	shalt  }
0x5f: {  	_ =	shalt  }
0x60: {  	_ =	shalt  }
0x61: {  	_ =	shalt  }
0x62: {  	_ =	shalt  }
0x63: {  	_ =	shalt  }
0x64: {  	_ =	shalt  }
0x65: {  	_ =	shalt  }
0x66: {  	_ =	shalt  }
0x67: {  	_ =	shalt  }
0x68: {  	_ =	shalt  }
0x69: {  	_ =	shalt  }
0x6a: {  	_ =	shalt  }
0x6b: {  	_ =	shalt  }
0x6c: {  	_ =	shalt  }
0x6d: {  	_ =	shalt  }
0x6e: {  	_ =	shalt  }
0x6f: {  	_ =	shalt  }
0x70: {  	_ =	shalt  }
0x71: {  	_ =	shalt  }
0x72: {  	_ =	shalt  }
0x73: {  	_ =	shalt  }
0x74: {  	_ =	shalt  }
0x75: {  	_ =	shalt  }
0x76: {  	_ =	shalt  }
0x77: {  	_ =	shalt  }
0x78: {  	_ =	shalt  }
0x79: {  	_ =	shalt  }
0x7a: {  	_ =	shalt  }
0x7b: {  	_ =	shalt  }
0x7c: {  	_ =	shalt  }
0x7d: {  	_ =	shalt  }
0x7e: {  	_ =	shalt  }
0x7f: {  	_ =	shalt  }
0x80: {  	_ =	shalt  }
0x81: {  	_ =	shalt  }
0x82: {  	_ =	shalt  }
0x83: {  	_ =	shalt  }
0x84: {  	_ =	shalt  }
0x85: {  	_ =	shalt  }
0x86: {  	_ =	shalt  }
0x87: {  	_ =	shalt  }
.Lfunc_end0:
.L_simem_size_0:
called_computation_lowered:
.L_overlay_start_0:
0x88: {  	s2 =	sld [smem:$0x3FD9]  }
0x89: {  	s3 =	sld [smem:$0x3FFE];
	_ =	sdelay $0x1  }
0x8a: {  	s1 =	srdreg.scid  }
0x8b: {  	s0 =	sand.u32 $0x1, s1  }
0x8c: {  	s16 =	sshll.u32 s0, $0xA;
	s2 =	sadd.s32 s3, s2  }
0x8d: {  	s2 =	sadd.s32 s2, s16  }
0x8e: {  	[smem:$0x3FC1] =	sst s2  }
0x8f: {  	_ = 	snop  }
0x90: {  	(tm) =	ssettm $0x1  }
0x91: {  	s17 =	sld [smem:$0x3FFB];
	_ =	sdelay $0x3  }
0x92: {  	_ =	strace s17  }
0x93: {  	s2 =	sld [smem:$0x3FFC];
	_ =	sdelay $0x3  }
0x94: {  	_ =	strace s2  }
0x95: {  	s2 =	sld [smem:$0x3FFD];
	_ =	sdelay $0x3  }
0x96: {  	_ =	strace s2  }
0x97: {  	_ =	strace $0x8FFFFFFF  }
0x98: {  	s18 =	sld [smem:$0x3FDB];
	_ =	sdelay $0x1  }
0x99: {  	s19 =	simm.s32 $_scs_section_size  }
0x9a: {  	s4 =	simm.s32 $_size__tile_overlayer_lowered;
	s5 =	simm.s32 $_tile_overlayer_lowered  }
0x9b: {  	s22 =	simm.s32 $0x1BFF;
	s21 =	sshll.u32 s5, $0x1;
	s2 =	sadd.s32 s19, s18  }
0x9c: {  	s6 =	simm.s32 $0x0;
	s20 =	sshll.u32 s4, $0x1;
	s4 =	sadd.s32 s21, s2  }
0x9d: {  	[timem:s6], [sflag:s22] =	dma.local [hbm:s4], s20  }
0x9e: {  	_ =	swait.ge [sflag:s22], s20  }
0x9f: {  	s3 =	ssub.s32 $0x0, s20;
	[sflag:s22] =	ssyncset.done $0x0  }
0xa0: {  	[sflag:s22] =	ssyncadd.s32 s3;
	_ =	sdelay $0x1  }
0xa1: {  	s23 =	simm.s32 $0x1B8B  }
0xa2: {  	_ =	swait.ge [sflag:s23], $0x1  }
0xa3: {  	[sflag:s23] =	ssyncset.done $0x0  }
0xa4: {  	s25 =	simm.s32 $0x1B8E;
	s24 =	sld [smem:$0x3FFE];
	[sflag:s23] =	ssyncadd.s32 $0xFFFFFFFF  }
0xa5: {  	s26 =	simm.s32 $execute0_lowered;
	[smem:$0x3FD2] =	sst s25  }
0xa6: {  	s4 =	sshll.u32 s26, $0x1;
	_ =	strace $0x80000046;
	[dreg:$0x1] =	wrdreg $0xFFFFFFFF  }
0xa7: {  	s28 =	simm.s32 $_size_execute0_lowered;
	s2 =	sadd.s32 s2, s4;
	[dreg:$0x0] =	wrdreg $0x0  }
0xa8: {  	s4 =	sshll.u32 s28, $0x1;
	[dreg:$0x2] =	wrdreg s2  }
0xa9: {  	[dreg:$0x3] =	wrdreg s4  }
0xaa: {  	[dreg:$0x4] =	wrdreg $0xC0  }
0xab: {  	_ =	task [dreg:s6], $0x5FFFF  }
0xac: {  	[dreg:$0x1] =	wrdreg $0xFFFFFFFF  }
0xad: {  	[dreg:$0x0] =	wrdreg $0x60  }
0xae: {  	[dreg:$0x2] =	wrdreg s24  }
0xaf: {  	[dreg:$0x3] =	wrdreg $0xC4800  }
0xb0: {  	[dreg:$0x4] =	wrdreg $0x9  }
0xb1: {  	_ =	task.clear_ibuf [dreg:s6], $0x5FFFF;
	_ =	strace $0x90000046  }
0xb2: {  	s29 =	simm.s32 $0x9;
	_ =	strace $0x80000048  }
0xb3: {  	_ =	swait.ge [sflag:s29], $0x1  }
0xb4: {  	[sflag:s29] =	ssyncadd.s32 $0xFFFFFFFF  }
0xb5: {  	_ =	strace $0x90000048  }
0xb6: {  	_ =	sfence  }
0xb7: {  	s30 =	sld [smem:$0x0];
	_ =	sdelay $0x2  }
0xb8: {  	s31 =	sshll.u32 s1, $0xD;
	s1 =	sshrl.u32 s1, $0x2  }
0xb9: {  	s3 =	sand.u32 $0x4000, s31;
	s1 =	sadd.s32 s1, s30  }
0xba: {  	s0 =	sor.u32 s3, s0;
	s1 =	sshll.u32 s1, $0x11  }
0xbb: {  	s0 =	sor.u32 s1, s0  }
0xbc: {  	s0 =	sadd.s32 $0x8F2B, s0  }
0xbd: {  	[sflag:s0] =	ssyncadd.remote.s32 $0x1  }
0xbe: {  	_ =	sfence.sel $0xFFFF  }
0xbf: {  	[dreg:$0x0] =	wrdreg $0xFFFFFFFF;
	(pc) =	sbr.abs _section_cstart, $3  }
0xc0: {  	[dreg:$0x1] =	wrdreg $0xFFFFFFFF  }
0xc1: {  	_ =	task.clear_ibuf [dreg:s6], $0x2FFFF;
	_ =	strace $0x9FFFFFFF  }
0xc2: {  	(tm) =	ssettm $0x7FFFFFFF  }
0xc3: {  	_ =	shalt  }
tec
execute0_lowered:
.L_overlay_start_1:
0x0: {  	(tag) =	ssettag $0x1  }
0x1: {  	s0 =	rddreg [dreg:$0x0]  }
0x2: {  	s1 =	rddreg [dreg:$0x1];
	s2 =	simm.s32 $0x0  }
0x3: {  	s3 =	srdreg.scid;
	s15 =	stileid.u32;
	s30 =	simm.s32 $0x1  }
0x4: {  	s31 =	simm.s32 $0xC200;
	s28 =	simm.s32 $0x7;
	s29 =	simm.s32 $0x2  }
0x5: {  	[smem:$0x7FF] =	sst s2;
	s9 =	sadd.s32 $0xBA00, s0;
	s3 =	sand.u32 $0x1, s3  }
0x6: {  	s4 =	sadd.s32 $0x1800, s0;
	s5 =	sadd.s32 $0x1FE00, s0;
	s8 =	smul.u32 $0x50000, s15  }
0x7: {  	s11 =	sadd.s32 $0x47000, s0;
	s21 =	smul.u32 $0x14000, s15;
	p0 =	seq.s32 s15, $0xF  }
0x8: {  	_ =	strace $0x80000047;
	s6 =	sshll.u32 s3, $0x4;
	s12 =	ssub.s32 $0x2, s3  }
0x9: {  	s3 =	smul.u32 $0x138800, s3;
	s10 =	sor.u32 s15, s6;
	s8 =	sshrl.u32 s8, $0x2  }
0xa: {  	s13 =	sshrl.u32 s12, $0x1;
	s6 =	smul.u32 $0x51, s10;
	s8 =	sadd.s32 s8, s1  }
0xb: {  	s7 =	smul.u32 $0x2880, s10;
	s12 =	ssub.s32 s12, s13;
	s14 =	sadd.s32 $0x2800, s8  }
0xc: {  	s26 =	smul.u32 $0xA20, s10;
	s16 =	sadd.s32 $0x5000, s8;
	[dreg:$0x3] =	wrdreg s14  }
0xd: {  	s10 =	smul.u32 $0x5100, s10;
	s17 =	sadd.s32 $0x7800, s8;
	[dreg:$0x4] =	wrdreg s16  }
0xe: {  	s22 =	sadd.s32 s21, s3;
	s18 =	sadd.s32 $0xA000, s8;
	[dreg:$0x5] =	wrdreg s17  }
0xf: {  	s3 =	sshrl.u32 s3, $0x3;
	s19 =	sadd.s32 $0xC800, s8;
	[dreg:$0x6] =	wrdreg s18  }
0x10: {  	s20 =	sadd.s32 $0xF000, s8;
	s23 =	sshrl.u32 s22, $0x3;
	[dreg:$0x7] =	wrdreg s19  }
0x11: {  	s3 =	sadd.s32 s11, s3;
	s22 =	simm.s32 $0xD;
	[dreg:$0x8] =	wrdreg s20  }
0x12: {  	s16 =	sadd.s32 $0x11800, s8;
	s13 =	sadd.s32 s9, s26;
	s10 =	sshrl.u32 s10, $0x3  }
0x13: {  	s18 =	sadd.s32 $0xBA40, s0;
	s24 =	sadd.s32 s11, s23;
	s25 =	sadd.s32 $0x25800, s3  }
0x14: {  	s26 =	smax.u32 s12, $0x1;
	s0 =	simm.s32 $0xC300;
	[dreg:$0x9] =	wrdreg s16  }
0x15: {  	s23 =	simm.s32 $0xC;
	s3 =	simm.s32 $0xC380;
	[dreg:$0xa] =	wrdreg s13  }
0x16: {  	s11 =	simm.s32 $0x4;
	s12 =	simm.s32 $0x5;
	[dreg:$0xc] =	wrdreg s24  }
0x17: {  	s14 =	simm.s32 $0x0;
	s9 =	sadd.s32 s9, s10;
	[dreg:$0xd] =	wrdreg s25  }
0x18: {  	[dreg:$0xe] =	wrdreg s26;
	s24 =	simm.s32 $0x80;
	s25 =	simm.s32 $0xC280  }
0x19: {  	s26 =	simm.s32 $0x8000;
	s10 =	simm.s32 $0x9;
	s9 =	sadd.s32 $0x20, s9  }
0x1a: {  	v0 =	vimm.f32 $0.0e+00;
	s13 =	simm.s32 $0x6;
	[dreg:$0xb] =	wrdreg s9;
	s9 =	simm.s32 $0xC400  }
.LBB2_1:
0x1b: {  	s15 =	simm.s32 $0x0;
	s16 =	simm.s32 $0x200  }
.LBB2_2:
0x1c: {  	p1 =	sne.s32 s16, $0x9E00;
	[tilespmem:s15+$0x70] =	vst v0  }
0x1d: {  	[tilespmem:s15+$0x0] =	vst v0  }
0x1e: {  	[tilespmem:s15+$0x10] =	vst v0  }
.Ltmp0:
0x1f: {  	[tilespmem:s15+$0x20] =	vst v0;
	(pc) =	sbr.rel @p1 .LBB2_2-.Ltmp0, $4  }
0x20: {  	[tilespmem:s15+$0x30] =	vst v0  }
0x21: {  	[tilespmem:s15+$0x40] =	vst v0  }
0x22: {  	[tilespmem:s15+$0x50] =	vst v0  }
0x23: {  	[tilespmem:s15+$0x60] =	vst v0;
	s15 =	sshra.s32 s16, $0x2;
	s16 =	sadd.s32 $0x200, s16  }
0x24: {  	[tilespmem:s15+$0x70] =	vst v0  }
0x25: {  	[tilespmem:s15+$0x0] =	vst v0  }
0x26: {  	[tilespmem:s15+$0x10] =	vst v0  }
0x27: {  	[tilespmem:s15+$0x20] =	vst v0  }
0x28: {  	[tilespmem:s15+$0x30] =	vst v0  }
0x29: {  	[tilespmem:s15+$0x40] =	vst v0  }
0x2a: {  	[tilespmem:s15+$0x50] =	vst v0  }
0x2b: {  	[tilespmem:s15+$0x60] =	vst v0  }
0x2c: {  	[spmem:s8] =	stream.linear.scatter [tilespmem:s2], [sflag:$0xD], $0x2800, $0x38;
	[tilespmem:$0x1FD00] =	vst v63  }
0x2d: {  	_ =	swait.ge [sflag:s22], $0x2800  }
0x2e: {  	[sflag:s22] =	ssyncset.done $0x0  }
0x2f: {  	s20 =	rddreg [dreg:$0x3];
	[sflag:s22] =	ssyncadd.s32 $0xFFFFD800  }
0x30: {  	[spmem:s20] =	stream.linear.scatter [tilespmem:s2], [sflag:$0xD], $0x2800, $0x38;
	[tilespmem:$0x1FD00] =	vst v63  }
0x31: {  	_ =	swait.ge [sflag:s22], $0x2800  }
0x32: {  	[sflag:s22] =	ssyncset.done $0x0  }
0x33: {  	s21 =	rddreg [dreg:$0x4];
	[sflag:s22] =	ssyncadd.s32 $0xFFFFD800  }
0x34: {  	[spmem:s21] =	stream.linear.scatter [tilespmem:s2], [sflag:$0xD], $0x2800, $0x38;
	[tilespmem:$0x1FD00] =	vst v63  }
0x35: {  	_ =	swait.ge [sflag:s22], $0x2800  }
0x36: {  	[sflag:s22] =	ssyncset.done $0x0  }
0x37: {  	s16 =	rddreg [dreg:$0x5];
	[sflag:s22] =	ssyncadd.s32 $0xFFFFD800  }
0x38: {  	[spmem:s16] =	stream.linear.scatter [tilespmem:s2], [sflag:$0xD], $0x2800, $0x38;
	[tilespmem:$0x1FD00] =	vst v63  }
0x39: {  	_ =	swait.ge [sflag:s22], $0x2800  }
0x3a: {  	[sflag:s22] =	ssyncset.done $0x0  }
0x3b: {  	s17 =	rddreg [dreg:$0x6];
	[sflag:s22] =	ssyncadd.s32 $0xFFFFD800  }
0x3c: {  	[spmem:s17] =	stream.linear.scatter [tilespmem:s2], [sflag:$0xD], $0x2800, $0x38;
	[tilespmem:$0x1FD00] =	vst v63  }
0x3d: {  	_ =	swait.ge [sflag:s22], $0x2800  }
0x3e: {  	[sflag:s22] =	ssyncset.done $0x0  }
0x3f: {  	s15 =	simm.s32 @!p0 $0x0;
	s16 =	rddreg [dreg:$0x7];
	[sflag:s22] =	ssyncadd.s32 $0xFFFFD800  }
0x40: {  	[spmem:s16] =	stream.linear.scatter @!p0 [tilespmem:s15], [sflag:$0xD], $0x2800, $0x38;
	[tilespmem:$0x1FD00] =	vst v63  }
0x41: {  	s16 =	simm.s32 @!p0 $0xD  }
0x42: {  	_ =	swait.ge @!p0 [sflag:s16], $0x2800  }
0x43: {  	[sflag:s16] =	ssyncset.done @!p0 $0x0  }
0x44: {  	s17 =	rddreg [dreg:$0x8];
	[sflag:s16] =	ssyncadd.s32 @!p0 $0xFFFFD800  }
0x45: {  	[spmem:s17] =	stream.linear.scatter @!p0 [tilespmem:s15], [sflag:$0xD], $0x2800, $0x38;
	[tilespmem:$0x1FD00] =	vst v63  }
0x46: {  	_ =	swait.ge @!p0 [sflag:s16], $0x2800  }
0x47: {  	[sflag:s16] =	ssyncset.done @!p0 $0x0  }
0x48: {  	s17 =	rddreg [dreg:$0x9];
	[sflag:s16] =	ssyncadd.s32 @!p0 $0xFFFFD800  }
0x49: {  	[spmem:s17] =	stream.linear.scatter @!p0 [tilespmem:s15], [sflag:$0xD], $0x2800, $0x38;
	[tilespmem:$0x1FD00] =	vst v63  }
0x4a: {  	_ =	swait.ge @!p0 [sflag:s16], $0x2800  }
0x4b: {  	[sflag:s16] =	ssyncset.done @!p0 $0x0  }
0x4c: {  	[sflag:s16] =	ssyncadd.s32 @!p0 $0xFFFFD800  }
0x4d: {  	[bflag:$0x0] =	sbarrier.arrive $0xFFFF  }
0x4e: {  	s20 =	simm.s32 $0xC000;
	s15 =	simm.s32 $0x0;
	s19 =	rddreg [dreg:$0xa]  }
0x4f: {  	[tilespmem:s20], [sflag:$0xD] =	stream.linear.gather [hbm4b:s19+s15], $0x100, $0x38;
	[tilespmem:$0x1FD00] =	vst v63  }
0x50: {  	_ =	swait.ge [sflag:s22], $0x100  }
0x51: {  	[sflag:s22] =	ssyncset.done $0x0  }
0x52: {  	s21 =	simm.s32 $0xC080;
	[sflag:s22] =	ssyncadd.s32 $0xFFFFFF00  }
0x53: {  	[tilespmem:s15], [sflag:$0x1] =	stream.indirect.gather [hbm4b:s5+s24], $0x80, s21, s24, $0xb8;
	[tilespmem:$0x1FD00] =	vst v63  }
0x54: {  	s19 =	simm.s32 $0xC100;
	s17 =	rddreg [dreg:$0xb]  }
0x55: {  	[tilespmem:s19], [sflag:$0xD] =	stream.linear.gather [hbm4b:s17+s15], $0x100, $0x38;
	[tilespmem:$0x1FD00] =	vst v63  }
0x56: {  	_ =	swait.ge [sflag:s22], $0x100  }
0x57: {  	[sflag:s22] =	ssyncset.done $0x0  }
0x58: {  	s20 =	simm.s32 $0xC180;
	s21 =	simm.s32 $0x4000;
	[sflag:s22] =	ssyncadd.s32 $0xFFFFFF00  }
0x59: {  	[tilespmem:s21], [sflag:$0x2] =	stream.indirect.gather [hbm4b:s5+s24], $0x80, s20, s24, $0xb8;
	[tilespmem:$0x1FD00] =	vst v63  }
.LBB2_4:
0x5a: {  	s16 =	smul.u32 $0x3, s15;
	_ =	sdelay $0x1  }
0x5b: {  	_ =	swait.ge [sflag:s30], $0x4000;
	s19 =	smul.u32 $0x180, s15;
	s17 =	sadd.s32 s6, s16  }
0x5c: {  	[sflag:s30] =	ssyncset.done $0x0;
	s17 =	sshll.u32 s17, $0x5  }
0x5d: {  	[sflag:s30] =	ssyncadd.s32 $0xFFFFC000;
	s20 =	sadd.s32 s7, s19;
	s17 =	sadd.s32 s17, s18  }
0x5e: {  	[tilespmem:s31], [sflag:$0xC] =	stream.linear.gather [hbm4b:s17+s2], $0x100, $0x38;
	[tilespmem:$0x1FD00] =	vst v63  }
0x5f: {  	s17 =	sshrl.u32 s20, $0x3  }
0x60: {  	s21 =	simm.s32 $0xC002;
	s17 =	sadd.s32 s4, s17  }
0x61: {  	[tilespmem:s0], [sflag:$0x7] =	stream.linear.gather [hbm4b:s17+s2], $0x80, $0x38;
	[tilespmem:$0x1FD00] =	vst v63  }
0x62: {  	s17 =	simm.s32 $0x100;
	v1 =	vld.msk [tilespmem:s21+$0x1 ss:$0x0], $0xffff  }
0x63: {  	v3 =	vld [tilespmem:s17+$0xF0]  }
0x64: {  	v2 =	vld.msk [tilespmem:s21+$0xFFFFFFFE ss:$0x0], $0xffff  }
0x65: {  	v4 =	vld.msk [tilespmem:s21+$0xFFFFFFFF ss:$0x0], $0xffff  }
0x66: {  	v5 =	vld [tilespmem:s17+$0xFFFFFF10]  }
0x67: {  	v6 =	vld [tilespmem:s17+$0xFFFFFF20]  }
0x68: {  	v10 =	vld [tilespmem:s17+$0xFFFFFF60]  }
0x69: {  	v11 =	vld [tilespmem:s17+$0xFFFFFF70]  }
0x6a: {  	v7 =	vld [tilespmem:s17+$0xFFFFFF30]  }
0x6b: {  	v8 =	vld [tilespmem:s17+$0xFFFFFF40];
	v3 =	vmul.f32 v3, v1  }
0x6c: {  	v9 =	vld [tilespmem:s17+$0xFFFFFF50];
	v5 =	vmul.f32 v5, v2  }
0x6d: {  	v12 =	vld [tilespmem:s17+$0xFFFFFF80];
	v10 =	vmul.f32 v10, v2;
	[tilespmem:s17+$0xF0] =	vst v3  }
0x6e: {  	v62 =	vld [tilespmem:s17+$0xFFFFFFD0];
	v11 =	vmul.f32 v11, v2;
	[tilespmem:s17+$0xFFFFFF10] =	vst v5  }
0x6f: {  	v3 =	vmul.f32 v6, v2;
	v6 =	vld [tilespmem:s17+$0xFFFFFF90];
	[tilespmem:s17+$0xFFFFFF60] =	vst v10  }
0x70: {  	v5 =	vmul.f32 v7, v2;
	v7 =	vld [tilespmem:s17+$0xFFFFFFA0];
	[tilespmem:s17+$0xFFFFFF70] =	vst v11  }
0x71: {  	[tilespmem:s17+$0xFFFFFF20] =	vst v3;
	v3 =	vmul.f32 v8, v2;
	v8 =	vld [tilespmem:s17+$0xFFFFFFB0]  }
0x72: {  	[tilespmem:s17+$0xFFFFFF30] =	vst v5;
	v5 =	vmul.f32 v9, v2;
	v9 =	vld [tilespmem:s17+$0xFFFFFFC0]  }
0x73: {  	v10 =	vld [tilespmem:s17+$0xFFFFFFF0];
	[tilespmem:s17+$0xFFFFFF40] =	vst v3;
	v3 =	vmul.f32 v4, v12  }
0x74: {  	[tilespmem:s17+$0xFFFFFF50] =	vst v5;
	v5 =	vld [tilespmem:s17+$0xFFFFFFE0];
	v6 =	vmul.f32 v6, v4  }
0x75: {  	v11 =	vld [tilespmem:s17+$0x0];
	v7 =	vmul.f32 v7, v4;
	[tilespmem:s17+$0xFFFFFF80] =	vst v3  }
0x76: {  	v3 =	vld.msk [tilespmem:s21+$0x0 ss:$0x0], $0xffff;
	[tilespmem:s17+$0xFFFFFF90] =	vst v6;
	v6 =	vmul.f32 v8, v4  }
0x77: {  	v8 =	vld [tilespmem:s17+$0x10];
	[tilespmem:s17+$0xFFFFFFA0] =	vst v7;
	v7 =	vmul.f32 v9, v4  }
0x78: {  	v9 =	vld [tilespmem:s17+$0x20];
	[tilespmem:s17+$0xFFFFFFB0] =	vst v6;
	v6 =	vmul.f32 v62, v4  }
0x79: {  	v63 =	vld [tilespmem:s17+$0x30];
	[tilespmem:s17+$0xFFFFFFC0] =	vst v7;
	v5 =	vmul.f32 v5, v4  }
0x7a: {  	v7 =	vld [tilespmem:s17+$0x40];
	v4 =	vmul.f32 v10, v4;
	[tilespmem:s17+$0xFFFFFFD0] =	vst v6  }
0x7b: {  	v6 =	vmul.f32 v3, v11;
	v11 =	vld [tilespmem:s17+$0x50];
	[tilespmem:s17+$0xFFFFFFE0] =	vst v5  }
0x7c: {  	v5 =	vld [tilespmem:s17+$0x60];
	[tilespmem:s17+$0xFFFFFFF0] =	vst v4;
	v8 =	vmul.f32 v8, v3  }
0x7d: {  	v4 =	vmul.f32 v9, v3;
	[tilespmem:s17+$0x0] =	vst v6;
	v6 =	vld [tilespmem:s17+$0x70]  }
0x7e: {  	v9 =	vld [tilespmem:s17+$0x80];
	[tilespmem:s17+$0x10] =	vst v8;
	v8 =	vmul.f32 v63, v3  }
0x7f: {  	[tilespmem:s17+$0x20] =	vst v4;
	v4 =	vmul.f32 v7, v3;
	v7 =	vld [tilespmem:s17+$0x90]  }
0x80: {  	v10 =	vld [tilespmem:s17+$0xA0];
	[tilespmem:s17+$0x30] =	vst v8;
	v8 =	vmul.f32 v11, v3  }
0x81: {  	[tilespmem:s17+$0x40] =	vst v4;
	v5 =	vmul.f32 v5, v3;
	v4 =	vld [tilespmem:s17+$0xB0]  }
0x82: {  	[tilespmem:s17+$0x50] =	vst v8;
	v6 =	vmul.f32 v6, v3;
	v3 =	vld [tilespmem:s17+$0xC0]  }
0x83: {  	v9 =	vmul.f32 v1, v9;
	[tilespmem:s17+$0x60] =	vst v5;
	v5 =	vld [tilespmem:s17+$0xD0]  }
0x84: {  	v8 =	vmul.f32 v7, v1;
	[tilespmem:s17+$0x70] =	vst v6;
	v6 =	vld [tilespmem:s17+$0xE0]  }
0x85: {  	s19 =	simm.s32 $0x0;
	s20 =	simm.s32 $0xC006;
	s21 =	simm.s32 $0x100;
	v7 =	vld [tilespmem:s17+$0xFFFFFF00];
	[tilespmem:s17+$0x80] =	vst v9;
	v9 =	vmul.f32 v10, v1  }
.LBB2_5:
0x86: {  	v10 =	vld.msk [tilespmem:s20+$0x1 ss:$0x0], $0xffff;
	s19 =	sadd.s32 $0x4, s19;
	[tilespmem:s17+$0x90] =	vst v8;
	v4 =	vmul.f32 v4, v1;
	s21 =	sadd.s32 $0x200, s21  }
0x87: {  	v8 =	vld [tilespmem:s21+$0xF0];
	p1 =	slt.u32 s19, $0x7C;
	[tilespmem:s17+$0xA0] =	vst v9;
	v3 =	vmul.f32 v3, v1  }
0x88: {  	v9 =	vld.msk [tilespmem:s20+$0xFFFFFFFE ss:$0x0], $0xffff;
	[tilespmem:s17+$0xB0] =	vst v4;
	v4 =	vmul.f32 v5, v1  }
0x89: {  	v5 =	vld.msk [tilespmem:s20+$0xFFFFFFFF ss:$0x0], $0xffff;
	[tilespmem:s17+$0xC0] =	vst v3;
	v11 =	vmul.f32 v6, v1  }
0x8a: {  	v3 =	vld.msk [tilespmem:s20+$0x0 ss:$0x0], $0xffff;
	v2 =	vmul.f32 v2, v7;
	[tilespmem:s17+$0xD0] =	vst v4  }
0x8b: {  	v4 =	vld [tilespmem:s21+$0xFFFFFF10];
	[tilespmem:s17+$0xE0] =	vst v11  }
0x8c: {  	v1 =	vmov v10;
	v6 =	vld [tilespmem:s21+$0xFFFFFF20];
	v7 =	vmul.f32 v8, v10;
	[tilespmem:s17+$0xFFFFFF00] =	vst v2;
	s17 =	smov.u32 s21  }
0x8d: {  	v8 =	vld [tilespmem:s21+$0xFFFFFF30]  }
0x8e: {  	v10 =	vld [tilespmem:s21+$0xFFFFFF40];
	[tilespmem:s21+$0xF0] =	vst v7;
	v2 =	vmov v9  }
0x8f: {  	v7 =	vld [tilespmem:s21+$0xFFFFFF50]  }
0x90: {  	v4 =	vmul.f32 v4, v2;
	v9 =	vld [tilespmem:s21+$0xFFFFFF60]  }
0x91: {  	v6 =	vmul.f32 v6, v2;
	v11 =	vld [tilespmem:s21+$0xFFFFFF70]  }
0x92: {  	[tilespmem:s21+$0xFFFFFF10] =	vst v4;
	v4 =	vmul.f32 v8, v2;
	v8 =	vld [tilespmem:s21+$0xFFFFFF80]  }
0x93: {  	[tilespmem:s21+$0xFFFFFF20] =	vst v6;
	v6 =	vmul.f32 v10, v2;
	v10 =	vld [tilespmem:s21+$0xFFFFFF90]  }
0x94: {  	[tilespmem:s21+$0xFFFFFF30] =	vst v4;
	v4 =	vmul.f32 v7, v2;
	v7 =	vld [tilespmem:s21+$0xFFFFFFA0]  }
0x95: {  	[tilespmem:s21+$0xFFFFFF40] =	vst v6;
	v6 =	vmul.f32 v9, v2;
	v9 =	vld [tilespmem:s21+$0xFFFFFFB0]  }
0x96: {  	[tilespmem:s21+$0xFFFFFF50] =	vst v4;
	v4 =	vmul.f32 v11, v2;
	v11 =	vld [tilespmem:s21+$0xFFFFFFC0]  }
0x97: {  	[tilespmem:s21+$0xFFFFFF60] =	vst v6;
	v6 =	vmul.f32 v5, v8;
	v8 =	vld [tilespmem:s21+$0xFFFFFFD0]  }
0x98: {  	[tilespmem:s21+$0xFFFFFF70] =	vst v4;
	v4 =	vmul.f32 v10, v5;
	v10 =	vld [tilespmem:s21+$0xFFFFFFE0]  }
0x99: {  	[tilespmem:s21+$0xFFFFFF80] =	vst v6;
	v6 =	vmul.f32 v7, v5;
	v7 =	vld [tilespmem:s21+$0xFFFFFFF0]  }
0x9a: {  	[tilespmem:s21+$0xFFFFFF90] =	vst v4;
	v4 =	vmul.f32 v9, v5;
	v9 =	vld [tilespmem:s21+$0x0]  }
0x9b: {  	[tilespmem:s21+$0xFFFFFFA0] =	vst v6;
	v6 =	vmul.f32 v11, v5;
	v11 =	vld [tilespmem:s21+$0x10]  }
0x9c: {  	[tilespmem:s21+$0xFFFFFFB0] =	vst v4;
	v4 =	vmul.f32 v8, v5;
	v8 =	vld [tilespmem:s21+$0x20]  }
0x9d: {  	[tilespmem:s21+$0xFFFFFFC0] =	vst v6;
	v6 =	vmul.f32 v10, v5;
	v10 =	vld [tilespmem:s21+$0x30]  }
0x9e: {  	[tilespmem:s21+$0xFFFFFFD0] =	vst v4;
	v4 =	vmul.f32 v7, v5;
	v5 =	vld [tilespmem:s21+$0x40]  }
0x9f: {  	[tilespmem:s21+$0xFFFFFFE0] =	vst v6;
	v6 =	vmul.f32 v3, v9;
	v7 =	vld [tilespmem:s21+$0x50]  }
0xa0: {  	[tilespmem:s21+$0xFFFFFFF0] =	vst v4;
	v4 =	vmul.f32 v11, v3;
	v9 =	vld [tilespmem:s21+$0x60]  }
0xa1: {  	[tilespmem:s21+$0x0] =	vst v6;
	v6 =	vmul.f32 v8, v3;
	v8 =	vld [tilespmem:s21+$0x70]  }
0xa2: {  	[tilespmem:s21+$0x10] =	vst v4;
	v4 =	vmul.f32 v10, v3;
	v10 =	vld [tilespmem:s21+$0x80]  }
0xa3: {  	[tilespmem:s21+$0x20] =	vst v6;
	v5 =	vmul.f32 v5, v3;
	v6 =	vld [tilespmem:s21+$0x90]  }
0xa4: {  	[tilespmem:s21+$0x30] =	vst v4;
	v7 =	vmul.f32 v7, v3;
	v11 =	vld [tilespmem:s21+$0xA0]  }
.Ltmp1:
0xa5: {  	[tilespmem:s21+$0x40] =	vst v5;
	v5 =	vmul.f32 v9, v3;
	v4 =	vld [tilespmem:s21+$0xB0];
	(pc) =	sbr.rel @p1 .LBB2_5-.Ltmp1, $4  }
0xa6: {  	[tilespmem:s21+$0x50] =	vst v7;
	v7 =	vmul.f32 v8, v3;
	v3 =	vld [tilespmem:s21+$0xC0]  }
0xa7: {  	[tilespmem:s21+$0x60] =	vst v5;
	v9 =	vmul.f32 v1, v10;
	v5 =	vld [tilespmem:s21+$0xD0]  }
0xa8: {  	[tilespmem:s21+$0x70] =	vst v7;
	v8 =	vmul.f32 v6, v1;
	v6 =	vld [tilespmem:s21+$0xE0]  }
0xa9: {  	s20 =	sadd.s32 $0x4, s20;
	v7 =	vld [tilespmem:s21+$0xFFFFFF00];
	[tilespmem:s21+$0x80] =	vst v9;
	v9 =	vmul.f32 v11, v1  }
0xaa: {  	[tilespmem:s17+$0x90] =	vst v8;
	v4 =	vmul.f32 v4, v1  }
0xab: {  	[tilespmem:s17+$0xA0] =	vst v9;
	v3 =	vmul.f32 v3, v1  }
0xac: {  	[tilespmem:s17+$0xB0] =	vst v4;
	v4 =	vmul.f32 v5, v1  }
0xad: {  	[tilespmem:s17+$0xC0] =	vst v3;
	v1 =	vmul.f32 v6, v1  }
0xae: {  	v2 =	vmul.f32 v2, v7;
	[tilespmem:s17+$0xD0] =	vst v4  }
0xaf: {  	p1 =	seq.s32 s15, $0x0;
	[tilespmem:s17+$0xE0] =	vst v1  }
0xb0: {  	[tilespmem:s17+$0xFFFFFF00] =	vst v2;
	s17 =	simm.s32 @!p1 $0x6  }
0xb1: {  	_ =	swait.ge @!p1 [sflag:s17], $0x4000  }
0xb2: {  	[sflag:s17] =	ssyncset.done @!p1 $0x0  }
0xb3: {  	[sflag:s17] =	ssyncadd.s32 @!p1 $0xFFFFC000  }
0xb4: {  	_ =	swait.ge [sflag:s23], $0x100  }
0xb5: {  	[sflag:s23] =	ssyncset.done $0x0  }
0xb6: {  	[sflag:s23] =	ssyncadd.s32 $0xFFFFFF00  }
0xb7: {  	[tilespmem:s26], [sflag:$0x3] =	stream.indirect.gather [hbm4b:s5+s24], $0x80, s25, s24, $0xb8;
	[tilespmem:$0x1FD00] =	vst v63  }
0xb8: {  	_ =	swait.ge [sflag:s28], $0x80  }
0xb9: {  	s17 =	sadd.s32 $0x1, s16;
	p1 =	seq.s32 s15, $0x1A;
	[sflag:s28] =	ssyncset.done $0x0  }
0xba: {  	s19 =	sadd.s32 @!p1 s6, s17;
	s20 =	simm.s32 @!p1 $0x0;
	[sflag:s28] =	ssyncadd.s32 $0xFFFFFF80  }
0xbb: {  	[spmem:s1] =	stream.indirect.scatter.add.f32 [tilespmem:s2], [sflag:$0x4], $0x80, s0, s24, $0xb8;
	[tilespmem:$0x1FD00] =	vst v63  }
0xbc: {  	s21 =	simm.s32 @!p1 $0xC000;
	s17 =	sshll.u32 s17, $0x7;
	_ =	swait.ge [sflag:s29], $0x4000  }
0xbd: {  	s19 =	sshll.u32 @!p1 s19, $0x5;
	s17 =	sadd.s32 s7, s17;
	[sflag:s29] =	ssyncset.done $0x0  }
0xbe: {  	s19 =	sadd.s32 @!p1 s19, s18;
	s17 =	sshrl.u32 s17, $0x3;
	[sflag:s29] =	ssyncadd.s32 $0xFFFFC000  }
0xbf: {  	[tilespmem:s21], [sflag:$0xA] =	stream.linear.gather @!p1 [hbm4b:s19+s20], $0x100, $0x38;
	[tilespmem:$0x1FD00] =	vst v63  }
0xc0: {  	s17 =	sadd.s32 s4, s17;
	s21 =	simm.s32 $0xC102  }
0xc1: {  	[tilespmem:s3], [sflag:$0x8] =	stream.linear.gather [hbm4b:s17+s2], $0x80, $0x38;
	[tilespmem:$0x1FD00] =	vst v63  }
0xc2: {  	s17 =	simm.s32 $0x4100;
	v1 =	vld.msk [tilespmem:s21+$0x1 ss:$0x0], $0xffff  }
0xc3: {  	v3 =	vld [tilespmem:s17+$0xF0]  }
0xc4: {  	v2 =	vld.msk [tilespmem:s21+$0xFFFFFFFE ss:$0x0], $0xffff  }
0xc5: {  	v4 =	vld.msk [tilespmem:s21+$0xFFFFFFFF ss:$0x0], $0xffff  }
0xc6: {  	v5 =	vld [tilespmem:s17+$0xFFFFFF10]  }
0xc7: {  	v6 =	vld [tilespmem:s17+$0xFFFFFF20]  }
0xc8: {  	v10 =	vld [tilespmem:s17+$0xFFFFFF60]  }
0xc9: {  	v11 =	vld [tilespmem:s17+$0xFFFFFF70]  }
0xca: {  	v7 =	vld [tilespmem:s17+$0xFFFFFF30]  }
0xcb: {  	v8 =	vld [tilespmem:s17+$0xFFFFFF40];
	v3 =	vmul.f32 v3, v1  }
0xcc: {  	v9 =	vld [tilespmem:s17+$0xFFFFFF50];
	v5 =	vmul.f32 v5, v2  }
0xcd: {  	v12 =	vld [tilespmem:s17+$0xFFFFFF80];
	v10 =	vmul.f32 v10, v2;
	[tilespmem:s17+$0xF0] =	vst v3  }
0xce: {  	v62 =	vld [tilespmem:s17+$0xFFFFFFD0];
	v11 =	vmul.f32 v11, v2;
	[tilespmem:s17+$0xFFFFFF10] =	vst v5  }
0xcf: {  	v3 =	vmul.f32 v6, v2;
	v6 =	vld [tilespmem:s17+$0xFFFFFF90];
	[tilespmem:s17+$0xFFFFFF60] =	vst v10  }
0xd0: {  	v5 =	vmul.f32 v7, v2;
	v7 =	vld [tilespmem:s17+$0xFFFFFFA0];
	[tilespmem:s17+$0xFFFFFF70] =	vst v11  }
0xd1: {  	[tilespmem:s17+$0xFFFFFF20] =	vst v3;
	v3 =	vmul.f32 v8, v2;
	v8 =	vld [tilespmem:s17+$0xFFFFFFB0]  }
0xd2: {  	[tilespmem:s17+$0xFFFFFF30] =	vst v5;
	v5 =	vmul.f32 v9, v2;
	v9 =	vld [tilespmem:s17+$0xFFFFFFC0]  }
0xd3: {  	v10 =	vld [tilespmem:s17+$0xFFFFFFF0];
	[tilespmem:s17+$0xFFFFFF40] =	vst v3;
	v3 =	vmul.f32 v4, v12  }
0xd4: {  	[tilespmem:s17+$0xFFFFFF50] =	vst v5;
	v5 =	vld [tilespmem:s17+$0xFFFFFFE0];
	v6 =	vmul.f32 v6, v4  }
0xd5: {  	v11 =	vld [tilespmem:s17+$0x0];
	v7 =	vmul.f32 v7, v4;
	[tilespmem:s17+$0xFFFFFF80] =	vst v3  }
0xd6: {  	v3 =	vld.msk [tilespmem:s21+$0x0 ss:$0x0], $0xffff;
	[tilespmem:s17+$0xFFFFFF90] =	vst v6;
	v6 =	vmul.f32 v8, v4  }
0xd7: {  	v8 =	vld [tilespmem:s17+$0x10];
	[tilespmem:s17+$0xFFFFFFA0] =	vst v7;
	v7 =	vmul.f32 v9, v4  }
0xd8: {  	v9 =	vld [tilespmem:s17+$0x20];
	[tilespmem:s17+$0xFFFFFFB0] =	vst v6;
	v6 =	vmul.f32 v62, v4  }
0xd9: {  	v63 =	vld [tilespmem:s17+$0x30];
	[tilespmem:s17+$0xFFFFFFC0] =	vst v7;
	v5 =	vmul.f32 v5, v4  }
0xda: {  	v7 =	vld [tilespmem:s17+$0x40];
	v4 =	vmul.f32 v10, v4;
	[tilespmem:s17+$0xFFFFFFD0] =	vst v6  }
0xdb: {  	v6 =	vmul.f32 v3, v11;
	v11 =	vld [tilespmem:s17+$0x50];
	[tilespmem:s17+$0xFFFFFFE0] =	vst v5  }
0xdc: {  	v5 =	vld [tilespmem:s17+$0x60];
	[tilespmem:s17+$0xFFFFFFF0] =	vst v4;
	v8 =	vmul.f32 v8, v3  }
0xdd: {  	v4 =	vmul.f32 v9, v3;
	[tilespmem:s17+$0x0] =	vst v6;
	v6 =	vld [tilespmem:s17+$0x70]  }
0xde: {  	v9 =	vld [tilespmem:s17+$0x80];
	[tilespmem:s17+$0x10] =	vst v8;
	v8 =	vmul.f32 v63, v3  }
0xdf: {  	[tilespmem:s17+$0x20] =	vst v4;
	v4 =	vmul.f32 v7, v3;
	v7 =	vld [tilespmem:s17+$0x90]  }
0xe0: {  	v10 =	vld [tilespmem:s17+$0xA0];
	[tilespmem:s17+$0x30] =	vst v8;
	v8 =	vmul.f32 v11, v3  }
0xe1: {  	[tilespmem:s17+$0x40] =	vst v4;
	v5 =	vmul.f32 v5, v3;
	v4 =	vld [tilespmem:s17+$0xB0]  }
0xe2: {  	[tilespmem:s17+$0x50] =	vst v8;
	v6 =	vmul.f32 v6, v3;
	v3 =	vld [tilespmem:s17+$0xC0]  }
0xe3: {  	v9 =	vmul.f32 v1, v9;
	[tilespmem:s17+$0x60] =	vst v5;
	v5 =	vld [tilespmem:s17+$0xD0]  }
0xe4: {  	s16 =	sadd.s32 $0x2, s16;
	v8 =	vmul.f32 v7, v1;
	[tilespmem:s17+$0x70] =	vst v6;
	v6 =	vld [tilespmem:s17+$0xE0]  }
0xe5: {  	s19 =	simm.s32 $0x0;
	s20 =	simm.s32 $0xC106;
	s21 =	simm.s32 $0x4100;
	v7 =	vld [tilespmem:s17+$0xFFFFFF00];
	[tilespmem:s17+$0x80] =	vst v9;
	v9 =	vmul.f32 v10, v1  }
.LBB2_7:
0xe6: {  	v10 =	vld.msk [tilespmem:s20+$0x1 ss:$0x0], $0xffff;
	s19 =	sadd.s32 $0x4, s19;
	[tilespmem:s17+$0x90] =	vst v8;
	v4 =	vmul.f32 v4, v1;
	s21 =	sadd.s32 $0x200, s21  }
0xe7: {  	v8 =	vld [tilespmem:s21+$0xF0];
	p2 =	slt.u32 s19, $0x7C;
	[tilespmem:s17+$0xA0] =	vst v9;
	v3 =	vmul.f32 v3, v1  }
0xe8: {  	v9 =	vld.msk [tilespmem:s20+$0xFFFFFFFE ss:$0x0], $0xffff;
	[tilespmem:s17+$0xB0] =	vst v4;
	v4 =	vmul.f32 v5, v1  }
0xe9: {  	v5 =	vld.msk [tilespmem:s20+$0xFFFFFFFF ss:$0x0], $0xffff;
	[tilespmem:s17+$0xC0] =	vst v3;
	v11 =	vmul.f32 v6, v1  }
0xea: {  	v3 =	vld.msk [tilespmem:s20+$0x0 ss:$0x0], $0xffff;
	v2 =	vmul.f32 v2, v7;
	[tilespmem:s17+$0xD0] =	vst v4  }
0xeb: {  	v4 =	vld [tilespmem:s21+$0xFFFFFF10];
	[tilespmem:s17+$0xE0] =	vst v11  }
0xec: {  	v1 =	vmov v10;
	v6 =	vld [tilespmem:s21+$0xFFFFFF20];
	v7 =	vmul.f32 v8, v10;
	[tilespmem:s17+$0xFFFFFF00] =	vst v2;
	s17 =	smov.u32 s21  }
0xed: {  	v8 =	vld [tilespmem:s21+$0xFFFFFF30]  }
0xee: {  	v10 =	vld [tilespmem:s21+$0xFFFFFF40];
	[tilespmem:s21+$0xF0] =	vst v7;
	v2 =	vmov v9  }
0xef: {  	v7 =	vld [tilespmem:s21+$0xFFFFFF50]  }
0xf0: {  	v4 =	vmul.f32 v4, v2;
	v9 =	vld [tilespmem:s21+$0xFFFFFF60]  }
0xf1: {  	v6 =	vmul.f32 v6, v2;
	v11 =	vld [tilespmem:s21+$0xFFFFFF70]  }
0xf2: {  	[tilespmem:s21+$0xFFFFFF10] =	vst v4;
	v4 =	vmul.f32 v8, v2;
	v8 =	vld [tilespmem:s21+$0xFFFFFF80]  }
0xf3: {  	[tilespmem:s21+$0xFFFFFF20] =	vst v6;
	v6 =	vmul.f32 v10, v2;
	v10 =	vld [tilespmem:s21+$0xFFFFFF90]  }
0xf4: {  	[tilespmem:s21+$0xFFFFFF30] =	vst v4;
	v4 =	vmul.f32 v7, v2;
	v7 =	vld [tilespmem:s21+$0xFFFFFFA0]  }
0xf5: {  	[tilespmem:s21+$0xFFFFFF40] =	vst v6;
	v6 =	vmul.f32 v9, v2;
	v9 =	vld [tilespmem:s21+$0xFFFFFFB0]  }
0xf6: {  	[tilespmem:s21+$0xFFFFFF50] =	vst v4;
	v4 =	vmul.f32 v11, v2;
	v11 =	vld [tilespmem:s21+$0xFFFFFFC0]  }
0xf7: {  	[tilespmem:s21+$0xFFFFFF60] =	vst v6;
	v6 =	vmul.f32 v5, v8;
	v8 =	vld [tilespmem:s21+$0xFFFFFFD0]  }
0xf8: {  	[tilespmem:s21+$0xFFFFFF70] =	vst v4;
	v4 =	vmul.f32 v10, v5;
	v10 =	vld [tilespmem:s21+$0xFFFFFFE0]  }
0xf9: {  	[tilespmem:s21+$0xFFFFFF80] =	vst v6;
	v6 =	vmul.f32 v7, v5;
	v7 =	vld [tilespmem:s21+$0xFFFFFFF0]  }
0xfa: {  	[tilespmem:s21+$0xFFFFFF90] =	vst v4;
	v4 =	vmul.f32 v9, v5;
	v9 =	vld [tilespmem:s21+$0x0]  }
0xfb: {  	[tilespmem:s21+$0xFFFFFFA0] =	vst v6;
	v6 =	vmul.f32 v11, v5;
	v11 =	vld [tilespmem:s21+$0x10]  }
0xfc: {  	[tilespmem:s21+$0xFFFFFFB0] =	vst v4;
	v4 =	vmul.f32 v8, v5;
	v8 =	vld [tilespmem:s21+$0x20]  }
0xfd: {  	[tilespmem:s21+$0xFFFFFFC0] =	vst v6;
	v6 =	vmul.f32 v10, v5;
	v10 =	vld [tilespmem:s21+$0x30]  }
0xfe: {  	[tilespmem:s21+$0xFFFFFFD0] =	vst v4;
	v4 =	vmul.f32 v7, v5;
	v5 =	vld [tilespmem:s21+$0x40]  }
0xff: {  	[tilespmem:s21+$0xFFFFFFE0] =	vst v6;
	v6 =	vmul.f32 v3, v9;
	v7 =	vld [tilespmem:s21+$0x50]  }
0x100: {  	[tilespmem:s21+$0xFFFFFFF0] =	vst v4;
	v4 =	vmul.f32 v11, v3;
	v9 =	vld [tilespmem:s21+$0x60]  }
0x101: {  	[tilespmem:s21+$0x0] =	vst v6;
	v6 =	vmul.f32 v8, v3;
	v8 =	vld [tilespmem:s21+$0x70]  }
0x102: {  	[tilespmem:s21+$0x10] =	vst v4;
	v4 =	vmul.f32 v10, v3;
	v10 =	vld [tilespmem:s21+$0x80]  }
0x103: {  	[tilespmem:s21+$0x20] =	vst v6;
	v5 =	vmul.f32 v5, v3;
	v6 =	vld [tilespmem:s21+$0x90]  }
0x104: {  	[tilespmem:s21+$0x30] =	vst v4;
	v7 =	vmul.f32 v7, v3;
	v11 =	vld [tilespmem:s21+$0xA0]  }
.Ltmp2:
0x105: {  	[tilespmem:s21+$0x40] =	vst v5;
	v5 =	vmul.f32 v9, v3;
	v4 =	vld [tilespmem:s21+$0xB0];
	(pc) =	sbr.rel @p2 .LBB2_7-.Ltmp2, $4  }
0x106: {  	[tilespmem:s21+$0x50] =	vst v7;
	v7 =	vmul.f32 v8, v3;
	v3 =	vld [tilespmem:s21+$0xC0]  }
0x107: {  	[tilespmem:s21+$0x60] =	vst v5;
	v9 =	vmul.f32 v1, v10;
	v5 =	vld [tilespmem:s21+$0xD0]  }
0x108: {  	[tilespmem:s21+$0x70] =	vst v7;
	v8 =	vmul.f32 v6, v1;
	v6 =	vld [tilespmem:s21+$0xE0]  }
0x109: {  	s20 =	sadd.s32 $0x4, s20;
	v7 =	vld [tilespmem:s21+$0xFFFFFF00];
	[tilespmem:s21+$0x80] =	vst v9;
	v9 =	vmul.f32 v11, v1  }
0x10a: {  	[tilespmem:s17+$0x90] =	vst v8;
	v4 =	vmul.f32 v4, v1  }
0x10b: {  	[tilespmem:s17+$0xA0] =	vst v9;
	v3 =	vmul.f32 v3, v1  }
0x10c: {  	[tilespmem:s17+$0xB0] =	vst v4;
	v4 =	vmul.f32 v5, v1  }
0x10d: {  	[tilespmem:s17+$0xC0] =	vst v3;
	v1 =	vmul.f32 v6, v1  }
0x10e: {  	v2 =	vmul.f32 v2, v7;
	[tilespmem:s17+$0xD0] =	vst v4  }
0x10f: {  	[tilespmem:s17+$0xE0] =	vst v1  }
0x110: {  	[tilespmem:s17+$0xFFFFFF00] =	vst v2;
	s17 =	simm.s32 @p1 $0x8  }
0x111: {  	_ =	swait.ge @p1 [sflag:s17], $0x80  }
0x112: {  	s19 =	simm.s32 @p1 $0xC380;
	[sflag:s17] =	ssyncset.done @p1 $0x0  }
0x113: {  	s20 =	simm.s32 @p1 $0x4000;
	[sflag:s17] =	ssyncadd.s32 @p1 $0xFFFFFF80;
	s17 =	simm.s32 @p1 $0x80  }
0x114: {  	[spmem:s1] =	stream.indirect.scatter.add.f32 @p1 [tilespmem:s20], [sflag:$0x5], $0x80, s19, s17, $0xb8;
	[tilespmem:$0x1FD00] =	vst v63  }
0x115: {  	s17 =	simm.s32 @p1 $0x3  }
0x116: {  	_ =	swait.ge @p1 [sflag:s17], $0x4000  }
0x117: {  	[sflag:s17] =	ssyncset.done @p1 $0x0  }
0x118: {  	[sflag:s17] =	ssyncadd.s32 @p1 $0xFFFFC000;
	s17 =	simm.s32 @!p1 $0x4  }
0x119: {  	_ =	swait.ge @!p1 [sflag:s17], $0x4000  }
0x11a: {  	[sflag:s17] =	ssyncset.done @!p1 $0x0  }
0x11b: {  	[sflag:s17] =	ssyncadd.s32 @!p1 $0xFFFFC000;
	s17 =	simm.s32 @!p1 $0xA  }
0x11c: {  	_ =	swait.ge @!p1 [sflag:s17], $0x100  }
0x11d: {  	s19 =	simm.s32 @!p1 $0xC080;
	[sflag:s17] =	ssyncset.done @!p1 $0x0  }
0x11e: {  	s20 =	simm.s32 @!p1 $0x0;
	[sflag:s17] =	ssyncadd.s32 @!p1 $0xFFFFFF00;
	s17 =	simm.s32 @!p1 $0x80  }
0x11f: {  	[tilespmem:s20], [sflag:$0x1] =	stream.indirect.gather @!p1 [hbm4b:s5+s17], $0x80, s19, s17, $0xb8;
	[tilespmem:$0x1FD00] =	vst v63  }
0x120: {  	s19 =	simm.s32 @!p1 $0x8  }
0x121: {  	_ =	swait.ge @!p1 [sflag:s19], $0x80  }
0x122: {  	[sflag:s19] =	ssyncset.done @!p1 $0x0  }
0x123: {  	s21 =	simm.s32 @!p1 $0x4000;
	[sflag:s19] =	ssyncadd.s32 @!p1 $0xFFFFFF80;
	s19 =	simm.s32 @!p1 $0xC380  }
0x124: {  	[spmem:s1] =	stream.indirect.scatter.add.f32 @!p1 [tilespmem:s21], [sflag:$0x5], $0x80, s19, s17, $0xb8;
	[tilespmem:$0x1FD00] =	vst v63  }
0x125: {  	s17 =	simm.s32 @!p1 $0x3  }
0x126: {  	s19 =	sadd.s32 @!p1 s6, s16;
	_ =	swait.ge @!p1 [sflag:s17], $0x4000  }
0x127: {  	s19 =	sshll.u32 @!p1 s19, $0x5;
	[sflag:s17] =	ssyncset.done @!p1 $0x0  }
0x128: {  	[sflag:s17] =	ssyncadd.s32 @!p1 $0xFFFFC000;
	s17 =	sadd.s32 @!p1 s19, s18;
	s19 =	simm.s32 @!p1 $0xC100  }
0x129: {  	[tilespmem:s19], [sflag:$0xB] =	stream.linear.gather @!p1 [hbm4b:s17+s20], $0x100, $0x38;
	[tilespmem:$0x1FD00] =	vst v63  }
0x12a: {  	s20 =	sshll.u32 s16, $0x7  }
0x12b: {  	s16 =	sadd.s32 s7, s20  }
0x12c: {  	s16 =	sshrl.u32 s16, $0x3  }
0x12d: {  	s21 =	simm.s32 $0xC202;
	s16 =	sadd.s32 s4, s16  }
0x12e: {  	[tilespmem:s9], [sflag:$0x9] =	stream.linear.gather [hbm4b:s16+s2], $0x80, $0x38;
	[tilespmem:$0x1FD00] =	vst v63  }
0x12f: {  	s16 =	simm.s32 $0x8100;
	v1 =	vld.msk [tilespmem:s21+$0x1 ss:$0x0], $0xffff  }
0x130: {  	v3 =	vld [tilespmem:s16+$0xF0]  }
0x131: {  	v2 =	vld.msk [tilespmem:s21+$0xFFFFFFFE ss:$0x0], $0xffff  }
0x132: {  	v4 =	vld.msk [tilespmem:s21+$0xFFFFFFFF ss:$0x0], $0xffff  }
0x133: {  	v5 =	vld [tilespmem:s16+$0xFFFFFF10]  }
0x134: {  	v6 =	vld [tilespmem:s16+$0xFFFFFF20]  }
0x135: {  	v10 =	vld [tilespmem:s16+$0xFFFFFF60]  }
0x136: {  	v11 =	vld [tilespmem:s16+$0xFFFFFF70]  }
0x137: {  	v7 =	vld [tilespmem:s16+$0xFFFFFF30]  }
0x138: {  	v8 =	vld [tilespmem:s16+$0xFFFFFF40];
	v3 =	vmul.f32 v3, v1  }
0x139: {  	v9 =	vld [tilespmem:s16+$0xFFFFFF50];
	v5 =	vmul.f32 v5, v2  }
0x13a: {  	v12 =	vld [tilespmem:s16+$0xFFFFFF80];
	v10 =	vmul.f32 v10, v2;
	[tilespmem:s16+$0xF0] =	vst v3  }
0x13b: {  	v62 =	vld [tilespmem:s16+$0xFFFFFFD0];
	v11 =	vmul.f32 v11, v2;
	[tilespmem:s16+$0xFFFFFF10] =	vst v5  }
0x13c: {  	v3 =	vmul.f32 v6, v2;
	v6 =	vld [tilespmem:s16+$0xFFFFFF90];
	[tilespmem:s16+$0xFFFFFF60] =	vst v10  }
0x13d: {  	v5 =	vmul.f32 v7, v2;
	v7 =	vld [tilespmem:s16+$0xFFFFFFA0];
	[tilespmem:s16+$0xFFFFFF70] =	vst v11  }
0x13e: {  	[tilespmem:s16+$0xFFFFFF20] =	vst v3;
	v3 =	vmul.f32 v8, v2;
	v8 =	vld [tilespmem:s16+$0xFFFFFFB0]  }
0x13f: {  	[tilespmem:s16+$0xFFFFFF30] =	vst v5;
	v5 =	vmul.f32 v9, v2;
	v9 =	vld [tilespmem:s16+$0xFFFFFFC0]  }
0x140: {  	v10 =	vld [tilespmem:s16+$0xFFFFFFF0];
	[tilespmem:s16+$0xFFFFFF40] =	vst v3;
	v3 =	vmul.f32 v4, v12  }
0x141: {  	[tilespmem:s16+$0xFFFFFF50] =	vst v5;
	v5 =	vld [tilespmem:s16+$0xFFFFFFE0];
	v6 =	vmul.f32 v6, v4  }
0x142: {  	v11 =	vld [tilespmem:s16+$0x0];
	v7 =	vmul.f32 v7, v4;
	[tilespmem:s16+$0xFFFFFF80] =	vst v3  }
0x143: {  	v3 =	vld.msk [tilespmem:s21+$0x0 ss:$0x0], $0xffff;
	[tilespmem:s16+$0xFFFFFF90] =	vst v6;
	v6 =	vmul.f32 v8, v4  }
0x144: {  	v8 =	vld [tilespmem:s16+$0x10];
	[tilespmem:s16+$0xFFFFFFA0] =	vst v7;
	v7 =	vmul.f32 v9, v4  }
0x145: {  	v9 =	vld [tilespmem:s16+$0x20];
	[tilespmem:s16+$0xFFFFFFB0] =	vst v6;
	v6 =	vmul.f32 v62, v4  }
0x146: {  	v63 =	vld [tilespmem:s16+$0x30];
	[tilespmem:s16+$0xFFFFFFC0] =	vst v7;
	v5 =	vmul.f32 v5, v4  }
0x147: {  	v7 =	vld [tilespmem:s16+$0x40];
	v4 =	vmul.f32 v10, v4;
	[tilespmem:s16+$0xFFFFFFD0] =	vst v6  }
0x148: {  	v6 =	vmul.f32 v3, v11;
	v11 =	vld [tilespmem:s16+$0x50];
	[tilespmem:s16+$0xFFFFFFE0] =	vst v5  }
0x149: {  	v5 =	vld [tilespmem:s16+$0x60];
	[tilespmem:s16+$0xFFFFFFF0] =	vst v4;
	v8 =	vmul.f32 v8, v3  }
0x14a: {  	v4 =	vmul.f32 v9, v3;
	[tilespmem:s16+$0x0] =	vst v6;
	v6 =	vld [tilespmem:s16+$0x70]  }
0x14b: {  	v9 =	vld [tilespmem:s16+$0x80];
	[tilespmem:s16+$0x10] =	vst v8;
	v8 =	vmul.f32 v63, v3  }
0x14c: {  	[tilespmem:s16+$0x20] =	vst v4;
	v4 =	vmul.f32 v7, v3;
	v7 =	vld [tilespmem:s16+$0x90]  }
0x14d: {  	v10 =	vld [tilespmem:s16+$0xA0];
	[tilespmem:s16+$0x30] =	vst v8;
	v8 =	vmul.f32 v11, v3  }
0x14e: {  	[tilespmem:s16+$0x40] =	vst v4;
	v5 =	vmul.f32 v5, v3;
	v4 =	vld [tilespmem:s16+$0xB0]  }
0x14f: {  	[tilespmem:s16+$0x50] =	vst v8;
	v6 =	vmul.f32 v6, v3;
	v3 =	vld [tilespmem:s16+$0xC0]  }
0x150: {  	v9 =	vmul.f32 v1, v9;
	[tilespmem:s16+$0x60] =	vst v5;
	v5 =	vld [tilespmem:s16+$0xD0]  }
0x151: {  	v8 =	vmul.f32 v7, v1;
	[tilespmem:s16+$0x70] =	vst v6;
	v6 =	vld [tilespmem:s16+$0xE0]  }
0x152: {  	s17 =	simm.s32 $0x0;
	s19 =	simm.s32 $0xC206;
	s20 =	simm.s32 $0x8100;
	v7 =	vld [tilespmem:s16+$0xFFFFFF00];
	[tilespmem:s16+$0x80] =	vst v9;
	v9 =	vmul.f32 v10, v1  }
.LBB2_9:
0x153: {  	v10 =	vld.msk [tilespmem:s19+$0x1 ss:$0x0], $0xffff;
	s17 =	sadd.s32 $0x4, s17;
	[tilespmem:s16+$0x90] =	vst v8;
	v4 =	vmul.f32 v4, v1;
	s20 =	sadd.s32 $0x200, s20  }
0x154: {  	v8 =	vld [tilespmem:s20+$0xF0];
	p2 =	slt.u32 s17, $0x7C;
	[tilespmem:s16+$0xA0] =	vst v9;
	v3 =	vmul.f32 v3, v1  }
0x155: {  	v9 =	vld.msk [tilespmem:s19+$0xFFFFFFFE ss:$0x0], $0xffff;
	[tilespmem:s16+$0xB0] =	vst v4;
	v4 =	vmul.f32 v5, v1  }
0x156: {  	v5 =	vld.msk [tilespmem:s19+$0xFFFFFFFF ss:$0x0], $0xffff;
	[tilespmem:s16+$0xC0] =	vst v3;
	v11 =	vmul.f32 v6, v1  }
0x157: {  	v3 =	vld.msk [tilespmem:s19+$0x0 ss:$0x0], $0xffff;
	v2 =	vmul.f32 v2, v7;
	[tilespmem:s16+$0xD0] =	vst v4  }
0x158: {  	v4 =	vld [tilespmem:s20+$0xFFFFFF10];
	[tilespmem:s16+$0xE0] =	vst v11  }
0x159: {  	v1 =	vmov v10;
	v6 =	vld [tilespmem:s20+$0xFFFFFF20];
	v7 =	vmul.f32 v8, v10;
	[tilespmem:s16+$0xFFFFFF00] =	vst v2;
	s16 =	smov.u32 s20  }
0x15a: {  	v8 =	vld [tilespmem:s20+$0xFFFFFF30]  }
0x15b: {  	v10 =	vld [tilespmem:s20+$0xFFFFFF40];
	[tilespmem:s20+$0xF0] =	vst v7;
	v2 =	vmov v9  }
0x15c: {  	v7 =	vld [tilespmem:s20+$0xFFFFFF50]  }
0x15d: {  	v4 =	vmul.f32 v4, v2;
	v9 =	vld [tilespmem:s20+$0xFFFFFF60]  }
0x15e: {  	v6 =	vmul.f32 v6, v2;
	v11 =	vld [tilespmem:s20+$0xFFFFFF70]  }
0x15f: {  	[tilespmem:s20+$0xFFFFFF10] =	vst v4;
	v4 =	vmul.f32 v8, v2;
	v8 =	vld [tilespmem:s20+$0xFFFFFF80]  }
0x160: {  	[tilespmem:s20+$0xFFFFFF20] =	vst v6;
	v6 =	vmul.f32 v10, v2;
	v10 =	vld [tilespmem:s20+$0xFFFFFF90]  }
0x161: {  	[tilespmem:s20+$0xFFFFFF30] =	vst v4;
	v4 =	vmul.f32 v7, v2;
	v7 =	vld [tilespmem:s20+$0xFFFFFFA0]  }
0x162: {  	[tilespmem:s20+$0xFFFFFF40] =	vst v6;
	v6 =	vmul.f32 v9, v2;
	v9 =	vld [tilespmem:s20+$0xFFFFFFB0]  }
0x163: {  	[tilespmem:s20+$0xFFFFFF50] =	vst v4;
	v4 =	vmul.f32 v11, v2;
	v11 =	vld [tilespmem:s20+$0xFFFFFFC0]  }
0x164: {  	[tilespmem:s20+$0xFFFFFF60] =	vst v6;
	v6 =	vmul.f32 v5, v8;
	v8 =	vld [tilespmem:s20+$0xFFFFFFD0]  }
0x165: {  	[tilespmem:s20+$0xFFFFFF70] =	vst v4;
	v4 =	vmul.f32 v10, v5;
	v10 =	vld [tilespmem:s20+$0xFFFFFFE0]  }
0x166: {  	[tilespmem:s20+$0xFFFFFF80] =	vst v6;
	v6 =	vmul.f32 v7, v5;
	v7 =	vld [tilespmem:s20+$0xFFFFFFF0]  }
0x167: {  	[tilespmem:s20+$0xFFFFFF90] =	vst v4;
	v4 =	vmul.f32 v9, v5;
	v9 =	vld [tilespmem:s20+$0x0]  }
0x168: {  	[tilespmem:s20+$0xFFFFFFA0] =	vst v6;
	v6 =	vmul.f32 v11, v5;
	v11 =	vld [tilespmem:s20+$0x10]  }
0x169: {  	[tilespmem:s20+$0xFFFFFFB0] =	vst v4;
	v4 =	vmul.f32 v8, v5;
	v8 =	vld [tilespmem:s20+$0x20]  }
0x16a: {  	[tilespmem:s20+$0xFFFFFFC0] =	vst v6;
	v6 =	vmul.f32 v10, v5;
	v10 =	vld [tilespmem:s20+$0x30]  }
0x16b: {  	[tilespmem:s20+$0xFFFFFFD0] =	vst v4;
	v4 =	vmul.f32 v7, v5;
	v5 =	vld [tilespmem:s20+$0x40]  }
0x16c: {  	[tilespmem:s20+$0xFFFFFFE0] =	vst v6;
	v6 =	vmul.f32 v3, v9;
	v7 =	vld [tilespmem:s20+$0x50]  }
0x16d: {  	[tilespmem:s20+$0xFFFFFFF0] =	vst v4;
	v4 =	vmul.f32 v11, v3;
	v9 =	vld [tilespmem:s20+$0x60]  }
0x16e: {  	[tilespmem:s20+$0x0] =	vst v6;
	v6 =	vmul.f32 v8, v3;
	v8 =	vld [tilespmem:s20+$0x70]  }
0x16f: {  	[tilespmem:s20+$0x10] =	vst v4;
	v4 =	vmul.f32 v10, v3;
	v10 =	vld [tilespmem:s20+$0x80]  }
0x170: {  	[tilespmem:s20+$0x20] =	vst v6;
	v5 =	vmul.f32 v5, v3;
	v6 =	vld [tilespmem:s20+$0x90]  }
0x171: {  	[tilespmem:s20+$0x30] =	vst v4;
	v7 =	vmul.f32 v7, v3;
	v11 =	vld [tilespmem:s20+$0xA0]  }
.Ltmp3:
0x172: {  	[tilespmem:s20+$0x40] =	vst v5;
	v5 =	vmul.f32 v9, v3;
	v4 =	vld [tilespmem:s20+$0xB0];
	(pc) =	sbr.rel @p2 .LBB2_9-.Ltmp3, $4  }
0x173: {  	[tilespmem:s20+$0x50] =	vst v7;
	v7 =	vmul.f32 v8, v3;
	v3 =	vld [tilespmem:s20+$0xC0]  }
0x174: {  	[tilespmem:s20+$0x60] =	vst v5;
	v9 =	vmul.f32 v1, v10;
	v5 =	vld [tilespmem:s20+$0xD0]  }
0x175: {  	[tilespmem:s20+$0x70] =	vst v7;
	v8 =	vmul.f32 v6, v1;
	v6 =	vld [tilespmem:s20+$0xE0]  }
0x176: {  	s19 =	sadd.s32 $0x4, s19;
	v7 =	vld [tilespmem:s20+$0xFFFFFF00];
	[tilespmem:s20+$0x80] =	vst v9;
	v9 =	vmul.f32 v11, v1  }
0x177: {  	[tilespmem:s16+$0x90] =	vst v8;
	v4 =	vmul.f32 v4, v1  }
0x178: {  	[tilespmem:s16+$0xA0] =	vst v9;
	v3 =	vmul.f32 v3, v1  }
0x179: {  	[tilespmem:s16+$0xB0] =	vst v4;
	v63 =	vmul.f32 v5, v1  }
0x17a: {  	[tilespmem:s16+$0xC0] =	vst v3;
	v1 =	vmul.f32 v6, v1  }
0x17b: {  	v2 =	vmul.f32 v2, v7;
	[tilespmem:s16+$0xD0] =	vst v63  }
0x17c: {  	[tilespmem:s16+$0xE0] =	vst v1  }
0x17d: {  	[tilespmem:s16+$0xFFFFFF00] =	vst v2;
	s16 =	simm.s32 @!p1 $0x5  }
0x17e: {  	_ =	swait.ge @!p1 [sflag:s16], $0x4000  }
0x17f: {  	[sflag:s16] =	ssyncset.done @!p1 $0x0  }
0x180: {  	[sflag:s16] =	ssyncadd.s32 @!p1 $0xFFFFC000;
	s16 =	simm.s32 @!p1 $0xB  }
0x181: {  	_ =	swait.ge @!p1 [sflag:s16], $0x100  }
0x182: {  	s17 =	simm.s32 @!p1 $0xC180;
	s19 =	simm.s32 @!p1 $0x4000;
	[sflag:s16] =	ssyncset.done @!p1 $0x0  }
0x183: {  	s15 =	sadd.s32 $0x1, s15;
	[sflag:s16] =	ssyncadd.s32 @!p1 $0xFFFFFF00;
	s16 =	simm.s32 @!p1 $0x80  }
0x184: {  	[tilespmem:s19], [sflag:$0x2] =	stream.indirect.gather @!p1 [hbm4b:s5+s16], $0x80, s17, s16, $0xb8;
	[tilespmem:$0x1FD00] =	vst v63  }
0x185: {  	p1 =	sne.s32 s15, $0x1B  }
.Ltmp4:
0x186: {  	_ = 	snop;
	(pc) =	sbr.rel @p1 .LBB2_4-.Ltmp4, $4  }
0x187: {  	_ =	swait.ge [sflag:s10], $0x80  }
0x188: {  	[sflag:s10] =	ssyncset.done $0x0  }
0x189: {  	[sflag:s10] =	ssyncadd.s32 $0xFFFFFF80  }
0x18a: {  	[spmem:s1] =	stream.indirect.scatter.add.f32 [tilespmem:s26], [sflag:$0x6], $0x80, s9, s24, $0xb8;
	[tilespmem:$0x1FD00] =	vst v63  }
0x18b: {  	_ =	swait.ge [sflag:s11], $0x4000  }
0x18c: {  	[sflag:s11] =	ssyncset.done $0x0  }
0x18d: {  	[sflag:s11] =	ssyncadd.s32 $0xFFFFC000  }
0x18e: {  	_ =	swait.ge [sflag:s12], $0x4000  }
0x18f: {  	[sflag:s12] =	ssyncset.done $0x0  }
0x190: {  	[sflag:s12] =	ssyncadd.s32 $0xFFFFC000  }
0x191: {  	_ =	swait.ge [sflag:s13], $0x4000  }
0x192: {  	[sflag:s13] =	ssyncset.done $0x0  }
0x193: {  	[sflag:s13] =	ssyncadd.s32 $0xFFFFC000  }
0x194: {  	[bflag:$0x0] =	sbarrier.arrive $0xFFFF  }
0x195: {  	s15 =	sshrl.u32 @p0 s8, $0x3;
	s16 =	simm.s32 @p0 $0x1FCD;
	s17 =	rddreg [dreg:$0xd]  }
0x196: {  	[hbm:s17], [sflag:s16] =	dma.local @p0 [spmem:s15], $0x1900  }
0x197: {  	s15 =	simm.s32 @p0 $0xD  }
0x198: {  	s16 =	stileid.u32;
	_ =	swait.ge @p0 [sflag:s15], $0x1900  }
0x199: {  	s16 =	sshll.u32 @!p0 s16, $0x6;
	[sflag:s15] =	ssyncset.done @p0 $0x0;
	s17 =	rddreg [dreg:$0xc]  }
0x19a: {  	[sflag:s15] =	ssyncadd.s32 @p0 $0xFFFFE700;
	s15 =	sor.u32 @!p0 $0x1C0D, s16;
	s16 =	sshrl.u32 @!p0 s8, $0x3  }
0x19b: {  	[hbm:s17], [sflag:s15] =	dma.local @!p0 [spmem:s16], $0x2800  }
0x19c: {  	s15 =	simm.s32 @!p0 $0xD  }
0x19d: {  	_ =	swait.ge @!p0 [sflag:s15], $0x2800  }
0x19e: {  	s14 =	sadd.s32 $0x1, s14;
	s21 =	rddreg [dreg:$0xe]  }
0x19f: {  	p1 =	sne.s32 s14, s21  }
.Ltmp5:
0x1a0: {  	_ = 	snop;
	(pc) =	sbr.rel @p1 .LBB2_1-.Ltmp5, $3  }
0x1a1: {  	_ =	sdelay $0x1  }
0x1a2: {  	[sflag:s15] =	ssyncset.done @!p0 $0x0  }
0x1a3: {  	[sflag:s15] =	ssyncadd.s32 @!p0 $0xFFFFD800  }
0x1a4: {  	_ =	sfence.sel $0x180000  }
0x1a5: {  	[bflag:$0x0] =	sbarrier.arrive $0xFFFF  }
0x1a6: {  	_ =	strace $0x90000047  }
0x1a7: {  	s0 =	stileid.u32;
	[bflag:$0x2] =	sbarrier.arrive $0xFFFF  }
0x1a8: {  	p0 =	sne.s32 s0, $0x0;
	s0 =	rddreg [dreg:$0x2]  }
0x1a9: {  	s0 =	sadd.s32 @!p0 $0x100000, s0  }
0x1aa: {  	[sflag:s0] =	ssyncadd.tile.s32 @!p0 $0x1;
	_ =	shalt  }
.Lfunc_end2:
_tile_overlayer_lowered:
.L_overlay_start_2:
0x1ab: {  	(tag) =	ssettag $0x2  }
0x1ac: {  	s0 =	rddreg [dreg:$0x0];
	s2 =	stileid.u32  }
0x1ad: {  	s1 =	rddreg [dreg:$0x1];
	p0 =	sne.s32 s2, $0x0  }
0x1ae: {  	s3 =	rddreg [dreg:$0x2];
	[bflag:$0x3] =	sbarrier.arrive $0xFFFF;
	s2 =	simm.s32 @!p0 $0x1C0D  }
0x1af: {  	[timem:s3], [sflag:s2] =	dma.local @!p0 [hbm:s0], s1  }
0x1b0: {  	s0 =	simm.s32 @!p0 $0xD  }
0x1b1: {  	_ =	swait.ge @!p0 [sflag:s0], s1  }
0x1b2: {  	s1 =	ssub.s32 @!p0 $0x0, s1;
	[sflag:s0] =	ssyncset.done @!p0 $0x0  }
0x1b3: {  	[sflag:s0] =	ssyncadd.s32 @!p0 s1  }
0x1b4: {  	[bflag:$0x3] =	sbarrier.arrive $0xFFFF  }
0x1b5: {  	_ =	shalt  }

</sc_bundles>
